<compile_context>
chip_gen: v7x
topology: tpu7x:2x2x1
jax: 0.10.2.dev20260603
libtpu: 0.0.44.dev20260713+nightly
codegen_flags: <defaults>
</compile_context>

<pallas_src>
import functools

import jax
import jax.numpy as jnp
from jax import lax
from jax.experimental import pallas as pl
from jax.experimental.pallas import tpu as pltpu
from jax.experimental.pallas import tpu_sc as plsc

_NC = 2
_NS = 16
_NW = _NC * _NS
_CHUNK = 128

_F32 = jnp.float32

_CORE0_SHARE = 0.8


def _split(total):
    n0 = int(round(total * _CORE0_SHARE / 2)) * 2
    n0 = min(max(n0, 2), total - 2)
    return n0, total - n0


def _pad_idx_split(idx, pad_value, n0, n1):
    idx = idx.astype(jnp.int32)
    total = _NS * (n0 + n1) * _CHUNK
    idx = jnp.concatenate(
        [idx, jnp.full((total - idx.shape[0],), pad_value, jnp.int32)])
    chunks = idx.reshape(_NS * (n0 + n1), _CHUNK)
    g0 = _NS * n0
    c0 = chunks[:g0].reshape(_NS, n0, _CHUNK)
    c1 = chunks[g0:].reshape(_NS, n1, _CHUNK)
    maxc = max(n0, n1)
    c0 = jnp.pad(c0, ((0, 0), (0, maxc - n0), (0, 0)))
    c1 = jnp.pad(c1, ((0, 0), (0, maxc - n1), (0, 0)))
    return jnp.stack([c0, c1])


def _sc_degree(dst4, ones_hbm, zeros1, n_acc, n0, n1):
    rows = n_acc // _NS
    maxc = max(n0, n1)
    mesh = plsc.VectorSubcoreMesh(core_axis_name="c", subcore_axis_name="s")

    @functools.partial(
        pl.kernel,
        out_type=jax.ShapeDtypeStruct((_NC, n_acc), _F32),
        mesh=mesh,
        scratch_types=[
            pltpu.VMEM((maxc, _CHUNK), jnp.int32),
            pltpu.VMEM((_CHUNK,), _F32),
            pltpu.VMEM_SHARED((n_acc,), _F32),
        ],
        compiler_params=pltpu.CompilerParams(use_tc_tiling_on_sc=False),
    )
    def k(dst_hbm, ones_h, zeros_h, out_hbm, idx_v, ones_v, acc):
        cid = lax.axis_index("c")
        sid = lax.axis_index("s")
        n_c = jnp.where(cid == 0, n0, n1)
        pltpu.sync_copy(zeros_h.at[pl.ds(sid * rows, rows)],
                        acc.at[pl.ds(sid * rows, rows)])
        pltpu.sync_copy(ones_h, ones_v)
        pltpu.sync_copy(dst_hbm.at[cid, sid], idx_v)
        plsc.subcore_barrier()

        def body(j, carry):
            pltpu.sync_copy(ones_v, acc.at[idx_v.at[j]], add=True)
            return carry

        lax.fori_loop(0, n_c, body, 0)
        plsc.subcore_barrier()
        pltpu.sync_copy(acc.at[pl.ds(sid * rows, rows)],
                        out_hbm.at[cid, pl.ds(sid * rows, rows)])

    return k(dst4, ones_hbm, zeros1)


def _sc_aggregate(hs, src4, dst4, zeros2, n_acc, n0, n1, h_dim):
    rows = n_acc // _NS
    maxc = max(n0, n1)
    mesh = plsc.VectorSubcoreMesh(core_axis_name="c", subcore_axis_name="s")

    @functools.partial(
        pl.kernel,
        out_type=jax.ShapeDtypeStruct((_NC, n_acc, h_dim), _F32),
        mesh=mesh,
        scratch_types=[
            pltpu.VMEM((maxc, _CHUNK), jnp.int32),
            pltpu.VMEM((maxc, _CHUNK), jnp.int32),
            pltpu.VMEM((_CHUNK, h_dim), _F32),
            pltpu.VMEM((_CHUNK, h_dim), _F32),
            pltpu.SemaphoreType.DMA,
            pltpu.SemaphoreType.DMA,
            pltpu.VMEM_SHARED((n_acc, h_dim), _F32),
        ],
        compiler_params=pltpu.CompilerParams(use_tc_tiling_on_sc=False),
    )
    def k(hs_hbm, src_hbm, dst_hbm, zeros_h, out_hbm,
          idxs_v, idxd_v, rows_a, rows_b, sem_a, sem_b, acc):
        cid = lax.axis_index("c")
        sid = lax.axis_index("s")
        n_c = jnp.where(cid == 0, n0, n1)
        pltpu.sync_copy(zeros_h.at[pl.ds(sid * rows, rows)],
                        acc.at[pl.ds(sid * rows, rows)])
        pltpu.sync_copy(src_hbm.at[cid, sid], idxs_v)
        pltpu.sync_copy(dst_hbm.at[cid, sid], idxd_v)
        plsc.subcore_barrier()

        pltpu.async_copy(hs_hbm.at[idxs_v.at[0]], rows_a, sem_a)

        def body(i, carry):
            j0 = 2 * i
            j1 = j0 + 1
            pltpu.async_copy(hs_hbm.at[idxs_v.at[j1]], rows_b, sem_b)
            pltpu.make_async_copy(hs_hbm.at[idxs_v.at[j0]],
                                  rows_a, sem_a).wait()
            pltpu.sync_copy(rows_a, acc.at[idxd_v.at[j0]], add=True)

            @pl.when(j0 + 2 < n_c)
            def _():
                pltpu.async_copy(hs_hbm.at[idxs_v.at[j0 + 2]], rows_a, sem_a)

            pltpu.make_async_copy(hs_hbm.at[idxs_v.at[j1]],
                                  rows_b, sem_b).wait()
            pltpu.sync_copy(rows_b, acc.at[idxd_v.at[j1]], add=True)
            return carry

        lax.fori_loop(0, n_c // 2, body, 0)
        plsc.subcore_barrier()
        pltpu.sync_copy(acc.at[pl.ds(sid * rows, rows)],
                        out_hbm.at[cid, pl.ds(sid * rows, rows)])

    return k(hs, src4, dst4, zeros2)


def _sc_edge_gather(table, asrc4, atgt4, a_pad, n0, n1, width):
    maxc = max(n0, n1)
    mesh = plsc.VectorSubcoreMesh(core_axis_name="c", subcore_axis_name="s")

    @functools.partial(
        pl.kernel,
        out_type=(jax.ShapeDtypeStruct((a_pad, width), _F32),
                  jax.ShapeDtypeStruct((a_pad, width), _F32)),
        mesh=mesh,
        scratch_types=[
            pltpu.VMEM((maxc, _CHUNK), jnp.int32),
            pltpu.VMEM((maxc, _CHUNK), jnp.int32),
            pltpu.VMEM((_CHUNK, width), _F32),
            pltpu.VMEM((_CHUNK, width), _F32),
            pltpu.VMEM((_CHUNK, width), _F32),
            pltpu.VMEM((_CHUNK, width), _F32),
            pltpu.SemaphoreType.DMA,
            pltpu.SemaphoreType.DMA,
            pltpu.SemaphoreType.DMA,
            pltpu.SemaphoreType.DMA,
        ],
        compiler_params=pltpu.CompilerParams(use_tc_tiling_on_sc=True),
    )
    def k(table_hbm, asrc_hbm, atgt_hbm, outs_hbm, outt_hbm,
          idxs_v, idxt_v, rs_a, rt_a, rs_b, rt_b,
          sem_sa, sem_ta, sem_sb, sem_tb):
        cid = lax.axis_index("c")
        sid = lax.axis_index("s")
        n_c = jnp.where(cid == 0, n0, n1)
        base = jnp.where(cid == 0, sid * n0, _NS * n0 + sid * n1) * _CHUNK
        pltpu.sync_copy(asrc_hbm.at[cid, sid], idxs_v)
        pltpu.sync_copy(atgt_hbm.at[cid, sid], idxt_v)

        pltpu.async_copy(table_hbm.at[idxs_v.at[0]], rs_a, sem_sa)
        pltpu.async_copy(table_hbm.at[idxt_v.at[0]], rt_a, sem_ta)

        def body(i, carry):
            j0 = 2 * i
            j1 = j0 + 1
            row0 = base + j0 * _CHUNK
            row1 = base + j1 * _CHUNK
            pltpu.async_copy(table_hbm.at[idxs_v.at[j1]], rs_b, sem_sb)
            pltpu.async_copy(table_hbm.at[idxt_v.at[j1]], rt_b, sem_tb)
            pltpu.make_async_copy(table_hbm.at[idxs_v.at[j0]],
                                  rs_a, sem_sa).wait()
            pltpu.sync_copy(rs_a, outs_hbm.at[pl.ds(row0, _CHUNK)])
            pltpu.make_async_copy(table_hbm.at[idxt_v.at[j0]],
                                  rt_a, sem_ta).wait()
            pltpu.sync_copy(rt_a, outt_hbm.at[pl.ds(row0, _CHUNK)])

            @pl.when(j0 + 2 < n_c)
            def _():
                pltpu.async_copy(table_hbm.at[idxs_v.at[j0 + 2]], rs_a, sem_sa)
                pltpu.async_copy(table_hbm.at[idxt_v.at[j0 + 2]], rt_a, sem_ta)

            pltpu.make_async_copy(table_hbm.at[idxs_v.at[j1]],
                                  rs_b, sem_sb).wait()
            pltpu.sync_copy(rs_b, outs_hbm.at[pl.ds(row1, _CHUNK)])
            pltpu.make_async_copy(table_hbm.at[idxt_v.at[j1]],
                                  rt_b, sem_tb).wait()
            pltpu.sync_copy(rt_b, outt_hbm.at[pl.ds(row1, _CHUNK)])
            return carry

        lax.fori_loop(0, n_c // 2, body, 0)

    return k(table, asrc4, atgt4)


def _tc_proj1(x, w1, dp0, dp1, n):

    def body(x_ref, w_ref, d0_ref, d1_ref, out_ref):
        deg = d0_ref[0:n, :] + d1_ref[0:n, :] + 1.0
        dinv = lax.rsqrt(deg)
        p = jnp.dot(x_ref[...], w_ref[...], preferred_element_type=_F32)
        out_ref[...] = p * dinv

    return pl.pallas_call(
        body,
        out_shape=jax.ShapeDtypeStruct((n, w1.shape[1]), _F32),
    )(x, w1, dp0, dp1)


def _tc_conv1_epilogue(a0, a1, hs1, dp0, dp1, w2, b1, n):

    def body(a0_ref, a1_ref, hs1_ref, d0_ref, d1_ref, w_ref, b_ref, out_ref):
        deg = d0_ref[0:n, :] + d1_ref[0:n, :] + 1.0
        dinv = lax.rsqrt(deg)
        agg = a0_ref[0:n, :] + a1_ref[0:n, :] + hs1_ref[...]
        h = jnp.maximum(agg * dinv + b_ref[...], 0.0)
        out_ref[...] = jnp.dot(h, w_ref[...], preferred_element_type=_F32) * dinv

    return pl.pallas_call(
        body,
        out_shape=jax.ShapeDtypeStruct((n, w2.shape[1]), _F32),
    )(a0, a1, hs1, dp0, dp1, w2, b1)


def _tc_heads_node(a0, a1, hs2, dp0, dp1, b2, p1, pb1, p2, pb2, armyf, n,
                   width):
    h = hs2.shape[1]
    pad = width - h - 2

    def body(a0_ref, a1_ref, hs2_ref, d0_ref, d1_ref, b2_ref,
             p1_ref, pb1_ref, p2_ref, pb2_ref, army_ref,
             plc_ref, table_ref):
        deg = d0_ref[0:n, :] + d1_ref[0:n, :] + 1.0
        dinv = lax.rsqrt(deg)
        agg = a0_ref[0:n, :] + a1_ref[0:n, :] + hs2_ref[...]
        emb = agg * dinv + b2_ref[...]
        hp = jnp.maximum(
            jnp.dot(emb, p1_ref[...], preferred_element_type=_F32)
            + pb1_ref[...], 0.0)
        plc_ref[...] = (jnp.dot(hp, p2_ref[...], preferred_element_type=_F32)
                        + pb2_ref[...])
        nid = lax.broadcasted_iota(jnp.int32, (n, 1), 0).astype(_F32)
        table_ref[...] = jnp.concatenate(
            [emb, army_ref[...], nid, jnp.zeros((n, pad), _F32)], axis=1)

    return pl.pallas_call(
        body,
        out_shape=(jax.ShapeDtypeStruct((n, 1), _F32),
                   jax.ShapeDtypeStruct((n, width), _F32)),
    )(a0, a1, hs2, dp0, dp1, b2, p1, pb1, p2, pb2, armyf)


def _tc_edge_heads(s_tab, t_tab, ws, wt, bcat, es2, esb2,
                   as2, asb2, a_total, blk, h, max_army):
    grid = a_total // blk
    width = s_tab.shape[1]
    es_h = es2.shape[0]

    def body(s_ref, t_ref, ws_ref, wt_ref, bc_ref,
             es2_ref, esb2_ref, as2_ref, asb2_ref, el_ref, al_ref):
        s_emb = s_ref[:, 0:h]
        t_emb = t_ref[:, 0:h]
        sa = s_ref[:, h:h + 1]
        ta = t_ref[:, h:h + 1]
        hid = jnp.maximum(
            jnp.dot(s_emb, ws_ref[...], preferred_element_type=_F32)
            + jnp.dot(t_emb, wt_ref[...], preferred_element_type=_F32)
            + bc_ref[...], 0.0)
        el = (jnp.dot(hid[:, 0:es_h], es2_ref[...],
                      preferred_element_type=_F32) + esb2_ref[...])
        bad = jnp.logical_or(sa <= 2.0, ta >= 3.0 * sa).astype(_F32)
        selfe = (s_ref[:, h + 1:h + 2] == t_ref[:, h + 1:h + 2]).astype(_F32)
        el_ref[...] = lax.transpose(el - bad - 100.0 * selfe, (1, 0))
        al = (jnp.dot(hid[:, es_h:], as2_ref[...],
                      preferred_element_type=_F32) + asb2_ref[...])
        army_ix = lax.broadcasted_iota(
            jnp.int32, (blk, max_army), 1).astype(_F32)
        valid = army_ix <= sa - 1.0
        al_ref[...] = lax.transpose(jnp.where(valid, al, _F32(-1e9)), (1, 0))

    return pl.pallas_call(
        body,
        grid=(grid,),
        in_specs=[
            pl.BlockSpec((blk, width), lambda i: (i, 0)),
            pl.BlockSpec((blk, width), lambda i: (i, 0)),
            pl.BlockSpec(ws.shape, lambda i: (0, 0)),
            pl.BlockSpec(wt.shape, lambda i: (0, 0)),
            pl.BlockSpec(bcat.shape, lambda i: (0,)),
            pl.BlockSpec(es2.shape, lambda i: (0, 0)),
            pl.BlockSpec(esb2.shape, lambda i: (0,)),
            pl.BlockSpec(as2.shape, lambda i: (0, 0)),
            pl.BlockSpec(asb2.shape, lambda i: (0,)),
        ],
        out_specs=(
            pl.BlockSpec((1, blk), lambda i: (0, i)),
            pl.BlockSpec((max_army, blk), lambda i: (0, i)),
        ),
        out_shape=(jax.ShapeDtypeStruct((1, a_total), _F32),
                   jax.ShapeDtypeStruct((max_army, a_total), _F32)),
    )(s_tab, t_tab, ws, wt, bcat, es2, esb2, as2, asb2)


def kernel(x, edge_index, action_edges, army_counts, W1, b1, W2, b2,
           P1, pb1, P2, pb2, ES1, esb1, ES2, esb2, AS1, asb1, AS2, asb2):
    n, d = x.shape
    h = W1.shape[1]
    e = edge_index.shape[1]
    a = action_edges.shape[0]
    max_army = AS2.shape[1]
    width = 128

    n_acc = ((n + _NS * 8) + _NS * 8 - 1) // (_NS * 8) * (_NS * 8)
    ce = -(-e // (_NW * _CHUNK))
    ca = -(-a // (_NW * _CHUNK))
    ce0, ce1 = _split(2 * ce)
    ca0, ca1 = _split(2 * ca)
    a_pad = _NS * (ca0 + ca1) * _CHUNK

    src = edge_index[0].astype(jnp.int32)
    dst = edge_index[1].astype(jnp.int32)
    src3 = _pad_idx_split(src, 0, ce0, ce1)
    dst3 = _pad_idx_split(dst, n, ce0, ce1)
    asrc = action_edges[:, 0].astype(jnp.int32)
    atgt = action_edges[:, 1].astype(jnp.int32)
    asrc3 = _pad_idx_split(asrc, 0, ca0, ca1)
    atgt3 = _pad_idx_split(atgt, 0, ca0, ca1)

    ones_h = jnp.ones((_CHUNK,), _F32)
    zeros1 = jnp.zeros((n_acc,), _F32)
    zeros2 = jnp.zeros((n_acc, h), _F32)
    armyf = army_counts.astype(_F32).reshape(n, 1)

    degp = _sc_degree(dst3, ones_h, zeros1, n_acc, ce0, ce1)
    dp0 = degp[0].reshape(n_acc, 1)
    dp1 = degp[1].reshape(n_acc, 1)
    hs1 = _tc_proj1(x, W1, dp0, dp1, n)

    agg1 = _sc_aggregate(hs1, src3, dst3, zeros2, n_acc, ce0, ce1, h)
    hs2 = _tc_conv1_epilogue(agg1[0], agg1[1], hs1, dp0, dp1, W2, b1, n)

    agg2 = _sc_aggregate(hs2, src3, dst3, zeros2, n_acc, ce0, ce1, h)
    plc, table = _tc_heads_node(agg2[0], agg2[1], hs2, dp0, dp1, b2,
                                P1, pb1, P2, pb2, armyf, n, width)

    s_tab, t_tab = _sc_edge_gather(table, asrc3, atgt3, a_pad, ca0, ca1,
                                   width)
    ws = jnp.concatenate([ES1[:h], AS1[:h]], axis=1)
    wt = jnp.concatenate([ES1[h:], AS1[h:]], axis=1)
    bcat = jnp.concatenate([esb1, asb1])
    el_t, al_t = _tc_edge_heads(s_tab, t_tab, ws, wt, bcat, ES2, esb2,
                                AS2, asb2, a, 3200, h, max_army)

    return plc.reshape(n), el_t.reshape(a), al_t.T

# --- scband reference (transcript-rebuilt; emitter-appended) ---
"""Pipeline reference for scband-warlight-policy-net-84189948936885 (READ-ONLY COPY).

The authoritative reference and input builder live on the scoring server;
editing this copy changes nothing except your own understanding.
"""

import jax, jax.numpy as jnp
import numpy as np

N = 10000
E = 160000
A = 160000
D = 256
H = 64
MAX_ARMY = 50


def _p(key, shape, scale=0.05):
    return jax.random.normal(key, shape, jnp.float32) * scale


def setup_inputs(seed: int = 0) -> dict:
    key = jax.random.key(seed)
    ks = jax.random.split(key, 24)
    x = jax.random.normal(ks[0], (N, D), jnp.float32)
    edge_index = jax.random.randint(ks[1], (2, E), 0, N).astype(jnp.int64)
    action_edges = jax.random.randint(ks[2], (A, 2), 0, N).astype(jnp.int64)
    army_counts = jax.random.randint(ks[3], (N,), 0, 100).astype(jnp.int64)
    return {
        "x": x,
        "edge_index": edge_index,
        "action_edges": action_edges,
        "army_counts": army_counts,
        "W1": _p(ks[4], (D, H)), "b1": jnp.zeros((H,), jnp.float32),
        "W2": _p(ks[5], (H, H)), "b2": jnp.zeros((H,), jnp.float32),
        "P1": _p(ks[6], (H, 64)), "pb1": jnp.zeros((64,), jnp.float32),
        "P2": _p(ks[7], (64, 1)), "pb2": jnp.zeros((1,), jnp.float32),
        "ES1": _p(ks[8], (2 * H, 64)), "esb1": jnp.zeros((64,), jnp.float32),
        "ES2": _p(ks[9], (64, 1)), "esb2": jnp.zeros((1,), jnp.float32),
        "AS1": _p(ks[10], (2 * H, 128)), "asb1": jnp.zeros((128,), jnp.float32),
        "AS2": _p(ks[11], (128, MAX_ARMY)), "asb2": jnp.zeros((MAX_ARMY,), jnp.float32),
    }


def gcn_conv(x, src, dst, W, b, n):
    # torch_geometric GCNConv: project, add self-loops, symmetric norm, scatter-add, bias
    h = x @ W
    loop = jnp.arange(n)
    src_sl = jnp.concatenate([src, loop])
    dst_sl = jnp.concatenate([dst, loop])
    deg = jnp.zeros((n,), jnp.float32).at[dst_sl].add(1.0)
    dinv = deg ** -0.5
    norm = dinv[src_sl] * dinv[dst_sl]
    msg = h[src_sl] * norm[:, None]
    out = jnp.zeros((n, W.shape[1]), jnp.float32).at[dst_sl].add(msg)
    return out + b


def reference(x, edge_index, action_edges, army_counts,
              W1, b1, W2, b2, P1, pb1, P2, pb2,
              ES1, esb1, ES2, esb2, AS1, asb1, AS2, asb2):
    n = x.shape[0]
    src, dst = edge_index[0], edge_index[1]
    h = jax.nn.relu(gcn_conv(x, src, dst, W1, b1, n))
    emb = gcn_conv(h, src, dst, W2, b2, n)
    # placement head
    placement_logits = (jax.nn.relu(emb @ P1 + pb1) @ P2 + pb2)[:, 0]
    # attack head
    asrc = action_edges[:, 0]
    atgt = action_edges[:, 1]
    edge_embed = jnp.concatenate([emb[asrc], emb[atgt]], axis=-1)
    edge_logits = (jax.nn.relu(edge_embed @ ES1 + esb1) @ ES2 + esb2)[:, 0]
    army_logits = jax.nn.relu(edge_embed @ AS1 + asb1) @ AS2 + asb2
    src_armies = army_counts[asrc]
    tgt_armies = army_counts[atgt]
    bad_edges = (src_armies <= 2) | (tgt_armies >= 3 * src_armies)
    edge_logits = edge_logits - bad_edges.astype(jnp.float32) * 1.0
    edge_logits = edge_logits - (asrc == atgt).astype(jnp.float32) * 100.0
    max_sendable = src_armies - 1
    army_mask = jnp.arange(MAX_ARMY)[None, :]
    valid_mask = army_mask <= max_sendable[:, None]
    army_logits = jnp.where(valid_mask, army_logits, jnp.float32(-1e9))
    return placement_logits, edge_logits, army_logits

if __name__ == "__main__":
    import jax
    _d = setup_inputs()
    print(jax.jit(kernel)(*tuple(_d.values())))

</pallas_src>

<mosaic_0001>
#map = affine_map<(d0, d1) -> (0, 0, 0, 0)>
#map1 = affine_map<(d0, d1) -> (0)>
#map2 = affine_map<(d0, d1) -> (0, 0)>
module attributes {stable_mosaic.version = 14 : i64} {
  func.func @k(%arg0: i32, %arg1: i32, %arg2: memref<2x16x64x128xi32, #tpu.memory_space<hbm>>, %arg3: memref<128xf32, #tpu.memory_space<hbm>>, %arg4: memref<10240xf32, #tpu.memory_space<hbm>>, %arg5: memref<2x10240xf32, #tpu.memory_space<hbm>>, %arg6: memref<64x128xi32, #tpu.memory_space<vmem>>, %arg7: memref<128xf32, #tpu.memory_space<vmem>>, %arg8: memref<10240xf32, #tpu.memory_space<vmem_shared>>) attributes {dimension_semantics = [#tpu.dimension_semantics<core_parallel>, #tpu.dimension_semantics<subcore_parallel>], iteration_bounds = array<i64: 2, 16>, scalar_prefetch = 0 : i64, scratch_operands = 3 : i64, tpu.core_type = #tpu.core_type<sc_vector_subcore>, window_params = [{transform_indices = #map}, {transform_indices = #map1}, {transform_indices = #map1}, {transform_indices = #map2}]} {
    %eq3A = arith.constant 0 : i32
    %eq3A_0 = arith.cmpi eq, %arg0, %eq3A : i32
    %jit3A = arith.constant 64 : i32
    %jit3A_1 = arith.constant 16 : i32
    %select_n3A = arith.select %eq3A_0, %jit3A, %jit3A_1 : i32
    %mul3A = arith.constant 640 : i32
    %mul3A_2 = arith.muli %arg1, %mul3A : i32
    %mul3A_3 = arith.constant 640 : i32
    %mul3A_4 = arith.muli %arg1, %mul3A_3 : i32
    "tpu.region"() ({
      %run_scoped3A = tpu.sem_alloc : memref<!tpu.dma_semaphore, #tpu.memory_space<semaphore_mem>>
      %dma_start3A = tpu.memref_slice %arg8[%mul3A_4] : memref<10240xf32, #tpu.memory_space<vmem_shared>> -> memref<640xf32, #tpu.memory_space<vmem_shared>>
      %dma_start3A_19 = tpu.memref_slice %arg4[%mul3A_2] : memref<10240xf32, #tpu.memory_space<hbm>> -> memref<640xf32, #tpu.memory_space<hbm>>
      tpu.enqueue_dma source(%dma_start3A_19 : memref<640xf32, #tpu.memory_space<hbm>>) target(%dma_start3A : memref<640xf32, #tpu.memory_space<vmem_shared>>) target_semaphore(%run_scoped3A : memref<!tpu.dma_semaphore, #tpu.memory_space<semaphore_mem>>)
      %dma_wait3A = tpu.memref_slice %arg8[%mul3A_4] : memref<10240xf32, #tpu.memory_space<vmem_shared>> -> memref<640xf32, #tpu.memory_space<vmem_shared>>
      %dma_wait3A_20 = tpu.memref_slice %arg4[%mul3A_2] : memref<10240xf32, #tpu.memory_space<hbm>> -> memref<640xf32, #tpu.memory_space<hbm>>
      tpu.wait_dma2 semaphore(%run_scoped3A : memref<!tpu.dma_semaphore, #tpu.memory_space<semaphore_mem>>) src(%dma_wait3A_20 : memref<640xf32, #tpu.memory_space<hbm>>) dst(%dma_wait3A : memref<640xf32, #tpu.memory_space<vmem_shared>>)
      tpu.yield
    }) : () -> ()
    "tpu.region"() ({
      %run_scoped3A = tpu.sem_alloc : memref<!tpu.dma_semaphore, #tpu.memory_space<semaphore_mem>>
      tpu.enqueue_dma source(%arg3 : memref<128xf32, #tpu.memory_space<hbm>>) target(%arg7 : memref<128xf32, #tpu.memory_space<vmem>>) target_semaphore(%run_scoped3A : memref<!tpu.dma_semaphore, #tpu.memory_space<semaphore_mem>>)
      tpu.wait_dma2 semaphore(%run_scoped3A : memref<!tpu.dma_semaphore, #tpu.memory_space<semaphore_mem>>) src(%arg3 : memref<128xf32, #tpu.memory_space<hbm>>) dst(%arg7 : memref<128xf32, #tpu.memory_space<vmem>>)
      tpu.yield
    }) : () -> ()
    "tpu.region"() ({
      %run_scoped3A = tpu.sem_alloc : memref<!tpu.dma_semaphore, #tpu.memory_space<semaphore_mem>>
      %dma_start3A = arith.constant 0 : i32
      %dma_start3A_19 = arith.constant 0 : i32
      %dma_start3A_20 = tpu.memref_slice %arg2[%arg0, %arg1, %dma_start3A, %dma_start3A_19] : memref<2x16x64x128xi32, #tpu.memory_space<hbm>> -> memref<1x1x64x128xi32, #tpu.memory_space<hbm>>
      %dma_start3A_21 = tpu.memref_squeeze %dma_start3A_20 : memref<1x1x64x128xi32, #tpu.memory_space<hbm>> -> memref<64x128xi32, #tpu.memory_space<hbm>>
      %dma_start3A_22 = arith.constant 0 : i32
      %dma_start3A_23 = arith.constant 0 : i32
      %dma_start3A_24 = tpu.memref_slice %arg2[%arg0, %arg1, %dma_start3A_22, %dma_start3A_23] : memref<2x16x64x128xi32, #tpu.memory_space<hbm>> -> memref<1x1x64x128xi32, #tpu.memory_space<hbm>>
      %dma_start3A_25 = tpu.memref_squeeze %dma_start3A_24 : memref<1x1x64x128xi32, #tpu.memory_space<hbm>> -> memref<64x128xi32, #tpu.memory_space<hbm>>
      tpu.enqueue_dma source(%dma_start3A_25 : memref<64x128xi32, #tpu.memory_space<hbm>>) target(%arg6 : memref<64x128xi32, #tpu.memory_space<vmem>>) target_semaphore(%run_scoped3A : memref<!tpu.dma_semaphore, #tpu.memory_space<semaphore_mem>>)
      %dma_wait3A = arith.constant 0 : i32
      %dma_wait3A_26 = arith.constant 0 : i32
      %dma_wait3A_27 = tpu.memref_slice %arg2[%arg0, %arg1, %dma_wait3A, %dma_wait3A_26] : memref<2x16x64x128xi32, #tpu.memory_space<hbm>> -> memref<1x1x64x128xi32, #tpu.memory_space<hbm>>
      %dma_wait3A_28 = tpu.memref_squeeze %dma_wait3A_27 : memref<1x1x64x128xi32, #tpu.memory_space<hbm>> -> memref<64x128xi32, #tpu.memory_space<hbm>>
      %dma_wait3A_29 = arith.constant 0 : i32
      %dma_wait3A_30 = arith.constant 0 : i32
      %dma_wait3A_31 = tpu.memref_slice %arg2[%arg0, %arg1, %dma_wait3A_29, %dma_wait3A_30] : memref<2x16x64x128xi32, #tpu.memory_space<hbm>> -> memref<1x1x64x128xi32, #tpu.memory_space<hbm>>
      %dma_wait3A_32 = tpu.memref_squeeze %dma_wait3A_31 : memref<1x1x64x128xi32, #tpu.memory_space<hbm>> -> memref<64x128xi32, #tpu.memory_space<hbm>>
      tpu.wait_dma2 semaphore(%run_scoped3A : memref<!tpu.dma_semaphore, #tpu.memory_space<semaphore_mem>>) src(%dma_wait3A_32 : memref<64x128xi32, #tpu.memory_space<hbm>>) dst(%arg6 : memref<64x128xi32, #tpu.memory_space<vmem>>)
      tpu.yield
    }) : () -> ()
    %barrier3A = arith.constant 0 : index
    tpu.barrier barrier_id(%barrier3A)
    %while3A = arith.constant 0 : i32
    %while3A_5 = arith.constant 0 : i32
    %while3A_6 = arith.subi %select_n3A, %while3A_5 : i32
    %while3A_7 = arith.addi %while3A_5, %while3A_6 : i32
    %while3A_8 = arith.constant 1 : i32
    %while3A_9 = arith.divsi %while3A_6, %while3A_8 : i32
    %while3A_10 = arith.muli %while3A_9, %while3A_8 : i32
    %while3A_11 = arith.addi %while3A_5, %while3A_10 : i32
    %while3A_12 = arith.constant 1 : i32
    scf.for %while3A_19 = %while3A_5 to %while3A_11 step %while3A_12  : i32 {
      "tpu.region"() ({
        %run_scoped3A = tpu.sem_alloc : memref<!tpu.dma_semaphore, #tpu.memory_space<semaphore_mem>>
        %dma_start3A = arith.constant 0 : i32
        %dma_start3A_20 = tpu.memref_slice %arg6[%while3A_19, %dma_start3A] : memref<64x128xi32, #tpu.memory_space<vmem>> -> memref<1x128xi32, #tpu.memory_space<vmem>>
        %dma_start3A_21 = tpu.memref_squeeze %dma_start3A_20 : memref<1x128xi32, #tpu.memory_space<vmem>> -> memref<128xi32, #tpu.memory_space<vmem>>
        %dma_start3A_22 = arith.constant 0 : i32
        %dma_start3A_23 = tpu.memref_slice %arg8[%dma_start3A_22] : memref<10240xf32, #tpu.memory_space<vmem_shared>> -> memref<10240xf32, #tpu.memory_space<vmem_shared>>
        tpu.enqueue_indirect_dma source(%arg7 : memref<128xf32, #tpu.memory_space<vmem>>) target(%dma_start3A_23 : memref<10240xf32, #tpu.memory_space<vmem_shared>>) offsets(%dma_start3A_21 : memref<128xi32, #tpu.memory_space<vmem>>) semaphore(%run_scoped3A : memref<!tpu.dma_semaphore, #tpu.memory_space<semaphore_mem>>) {add = true}
        %dma_wait3A = arith.constant 0 : i32
        %dma_wait3A_24 = tpu.memref_slice %arg6[%while3A_19, %dma_wait3A] : memref<64x128xi32, #tpu.memory_space<vmem>> -> memref<1x128xi32, #tpu.memory_space<vmem>>
        %dma_wait3A_25 = tpu.memref_squeeze %dma_wait3A_24 : memref<1x128xi32, #tpu.memory_space<vmem>> -> memref<128xi32, #tpu.memory_space<vmem>>
        %dma_wait3A_26 = arith.constant 0 : i32
        %dma_wait3A_27 = tpu.memref_slice %arg8[%dma_wait3A_26] : memref<10240xf32, #tpu.memory_space<vmem_shared>> -> memref<10240xf32, #tpu.memory_space<vmem_shared>>
        tpu.wait_indirect_dma semaphore(%run_scoped3A : memref<!tpu.dma_semaphore, #tpu.memory_space<semaphore_mem>>) src(%arg7 : memref<128xf32, #tpu.memory_space<vmem>>) dst(%dma_wait3A_27 : memref<10240xf32, #tpu.memory_space<vmem_shared>>)
        tpu.yield
      }) : () -> ()
    }
    %while3A_13 = arith.constant 1 : i32
    scf.for %while3A_19 = %while3A_11 to %while3A_7 step %while3A_13  : i32 {
      "tpu.region"() ({
        %run_scoped3A = tpu.sem_alloc : memref<!tpu.dma_semaphore, #tpu.memory_space<semaphore_mem>>
        %dma_start3A = arith.constant 0 : i32
        %dma_start3A_20 = tpu.memref_slice %arg6[%while3A_19, %dma_start3A] : memref<64x128xi32, #tpu.memory_space<vmem>> -> memref<1x128xi32, #tpu.memory_space<vmem>>
        %dma_start3A_21 = tpu.memref_squeeze %dma_start3A_20 : memref<1x128xi32, #tpu.memory_space<vmem>> -> memref<128xi32, #tpu.memory_space<vmem>>
        %dma_start3A_22 = arith.constant 0 : i32
        %dma_start3A_23 = tpu.memref_slice %arg8[%dma_start3A_22] : memref<10240xf32, #tpu.memory_space<vmem_shared>> -> memref<10240xf32, #tpu.memory_space<vmem_shared>>
        tpu.enqueue_indirect_dma source(%arg7 : memref<128xf32, #tpu.memory_space<vmem>>) target(%dma_start3A_23 : memref<10240xf32, #tpu.memory_space<vmem_shared>>) offsets(%dma_start3A_21 : memref<128xi32, #tpu.memory_space<vmem>>) semaphore(%run_scoped3A : memref<!tpu.dma_semaphore, #tpu.memory_space<semaphore_mem>>) {add = true}
        %dma_wait3A = arith.constant 0 : i32
        %dma_wait3A_24 = tpu.memref_slice %arg6[%while3A_19, %dma_wait3A] : memref<64x128xi32, #tpu.memory_space<vmem>> -> memref<1x128xi32, #tpu.memory_space<vmem>>
        %dma_wait3A_25 = tpu.memref_squeeze %dma_wait3A_24 : memref<1x128xi32, #tpu.memory_space<vmem>> -> memref<128xi32, #tpu.memory_space<vmem>>
        %dma_wait3A_26 = arith.constant 0 : i32
        %dma_wait3A_27 = tpu.memref_slice %arg8[%dma_wait3A_26] : memref<10240xf32, #tpu.memory_space<vmem_shared>> -> memref<10240xf32, #tpu.memory_space<vmem_shared>>
        tpu.wait_indirect_dma semaphore(%run_scoped3A : memref<!tpu.dma_semaphore, #tpu.memory_space<semaphore_mem>>) src(%arg7 : memref<128xf32, #tpu.memory_space<vmem>>) dst(%dma_wait3A_27 : memref<10240xf32, #tpu.memory_space<vmem_shared>>)
        tpu.yield
      }) : () -> ()
    }
    %barrier3A_14 = arith.constant 0 : index
    tpu.barrier barrier_id(%barrier3A_14)
    %mul3A_15 = arith.constant 640 : i32
    %mul3A_16 = arith.muli %arg1, %mul3A_15 : i32
    %mul3A_17 = arith.constant 640 : i32
    %mul3A_18 = arith.muli %arg1, %mul3A_17 : i32
    "tpu.region"() ({
      %run_scoped3A = tpu.sem_alloc : memref<!tpu.dma_semaphore, #tpu.memory_space<semaphore_mem>>
      %dma_start3A = tpu.memref_slice %arg5[%arg0, %mul3A_18] : memref<2x10240xf32, #tpu.memory_space<hbm>> -> memref<1x640xf32, #tpu.memory_space<hbm>>
      %dma_start3A_19 = tpu.memref_squeeze %dma_start3A : memref<1x640xf32, #tpu.memory_space<hbm>> -> memref<640xf32, #tpu.memory_space<hbm>>
      %dma_start3A_20 = tpu.memref_slice %arg8[%mul3A_16] : memref<10240xf32, #tpu.memory_space<vmem_shared>> -> memref<640xf32, #tpu.memory_space<vmem_shared>>
      tpu.enqueue_dma source(%dma_start3A_20 : memref<640xf32, #tpu.memory_space<vmem_shared>>) target(%dma_start3A_19 : memref<640xf32, #tpu.memory_space<hbm>>) target_semaphore(%run_scoped3A : memref<!tpu.dma_semaphore, #tpu.memory_space<semaphore_mem>>)
      %dma_wait3A = tpu.memref_slice %arg5[%arg0, %mul3A_18] : memref<2x10240xf32, #tpu.memory_space<hbm>> -> memref<1x640xf32, #tpu.memory_space<hbm>>
      %dma_wait3A_21 = tpu.memref_squeeze %dma_wait3A : memref<1x640xf32, #tpu.memory_space<hbm>> -> memref<640xf32, #tpu.memory_space<hbm>>
      %dma_wait3A_22 = tpu.memref_slice %arg8[%mul3A_16] : memref<10240xf32, #tpu.memory_space<vmem_shared>> -> memref<640xf32, #tpu.memory_space<vmem_shared>>
      tpu.wait_dma2 semaphore(%run_scoped3A : memref<!tpu.dma_semaphore, #tpu.memory_space<semaphore_mem>>) src(%dma_wait3A_22 : memref<640xf32, #tpu.memory_space<vmem_shared>>) dst(%dma_wait3A_21 : memref<640xf32, #tpu.memory_space<hbm>>)
      tpu.yield
    }) : () -> ()
    return
  }
}

#map = affine_map<(d0, d1) -> (0, 0)>
#map1 = affine_map<(d0, d1) -> (0, 0, 0, 0)>
#map2 = affine_map<(d0, d1) -> (0, 0, 0)>
module attributes {stable_mosaic.version = 14 : i64} {
  func.func @k(%arg0: i32, %arg1: i32, %arg2: memref<10000x64xf32, #tpu.memory_space<hbm>>, %arg3: memref<2x16x64x128xi32, #tpu.memory_space<hbm>>, %arg4: memref<2x16x64x128xi32, #tpu.memory_space<hbm>>, %arg5: memref<10240x64xf32, #tpu.memory_space<hbm>>, %arg6: memref<2x10240x64xf32, #tpu.memory_space<hbm>>, %arg7: memref<64x128xi32, #tpu.memory_space<vmem>>, %arg8: memref<64x128xi32, #tpu.memory_space<vmem>>, %arg9: memref<128x64xf32, #tpu.memory_space<vmem>>, %arg10: memref<128x64xf32, #tpu.memory_space<vmem>>, %arg11: memref<!tpu.dma_semaphore, #tpu.memory_space<semaphore_mem>>, %arg12: memref<!tpu.dma_semaphore, #tpu.memory_space<semaphore_mem>>, %arg13: memref<10240x64xf32, #tpu.memory_space<vmem_shared>>) attributes {dimension_semantics = [#tpu.dimension_semantics<core_parallel>, #tpu.dimension_semantics<subcore_parallel>], iteration_bounds = array<i64: 2, 16>, scalar_prefetch = 0 : i64, scratch_operands = 7 : i64, tpu.core_type = #tpu.core_type<sc_vector_subcore>, window_params = [{transform_indices = #map}, {transform_indices = #map1}, {transform_indices = #map1}, {transform_indices = #map}, {transform_indices = #map2}]} {
    %eq3A = arith.constant 0 : i32
    %eq3A_0 = arith.cmpi eq, %arg0, %eq3A : i32
    %jit3A = arith.constant 64 : i32
    %jit3A_1 = arith.constant 16 : i32
    %select_n3A = arith.select %eq3A_0, %jit3A, %jit3A_1 : i32
    %mul3A = arith.constant 640 : i32
    %mul3A_2 = arith.muli %arg1, %mul3A : i32
    %mul3A_3 = arith.constant 640 : i32
    %mul3A_4 = arith.muli %arg1, %mul3A_3 : i32
    "tpu.region"() ({
      %run_scoped3A = tpu.sem_alloc : memref<!tpu.dma_semaphore, #tpu.memory_space<semaphore_mem>>
      %dma_start3A_43 = arith.constant 0 : i32
      %dma_start3A_44 = tpu.memref_slice %arg13[%mul3A_4, %dma_start3A_43] : memref<10240x64xf32, #tpu.memory_space<vmem_shared>> -> memref<640x64xf32, #tpu.memory_space<vmem_shared>>
      %dma_start3A_45 = arith.constant 0 : i32
      %dma_start3A_46 = tpu.memref_slice %arg5[%mul3A_2, %dma_start3A_45] : memref<10240x64xf32, #tpu.memory_space<hbm>> -> memref<640x64xf32, #tpu.memory_space<hbm>>
      tpu.enqueue_dma source(%dma_start3A_46 : memref<640x64xf32, #tpu.memory_space<hbm>>) target(%dma_start3A_44 : memref<640x64xf32, #tpu.memory_space<vmem_shared>>) target_semaphore(%run_scoped3A : memref<!tpu.dma_semaphore, #tpu.memory_space<semaphore_mem>>)
      %dma_wait3A = arith.constant 0 : i32
      %dma_wait3A_47 = tpu.memref_slice %arg13[%mul3A_4, %dma_wait3A] : memref<10240x64xf32, #tpu.memory_space<vmem_shared>> -> memref<640x64xf32, #tpu.memory_space<vmem_shared>>
      %dma_wait3A_48 = arith.constant 0 : i32
      %dma_wait3A_49 = tpu.memref_slice %arg5[%mul3A_2, %dma_wait3A_48] : memref<10240x64xf32, #tpu.memory_space<hbm>> -> memref<640x64xf32, #tpu.memory_space<hbm>>
      tpu.wait_dma2 semaphore(%run_scoped3A : memref<!tpu.dma_semaphore, #tpu.memory_space<semaphore_mem>>) src(%dma_wait3A_49 : memref<640x64xf32, #tpu.memory_space<hbm>>) dst(%dma_wait3A_47 : memref<640x64xf32, #tpu.memory_space<vmem_shared>>)
      tpu.yield
    }) : () -> ()
    "tpu.region"() ({
      %run_scoped3A = tpu.sem_alloc : memref<!tpu.dma_semaphore, #tpu.memory_space<semaphore_mem>>
      %dma_start3A_43 = arith.constant 0 : i32
      %dma_start3A_44 = arith.constant 0 : i32
      %dma_start3A_45 = tpu.memref_slice %arg3[%arg0, %arg1, %dma_start3A_43, %dma_start3A_44] : memref<2x16x64x128xi32, #tpu.memory_space<hbm>> -> memref<1x1x64x128xi32, #tpu.memory_space<hbm>>
      %dma_start3A_46 = tpu.memref_squeeze %dma_start3A_45 : memref<1x1x64x128xi32, #tpu.memory_space<hbm>> -> memref<64x128xi32, #tpu.memory_space<hbm>>
      %dma_start3A_47 = arith.constant 0 : i32
      %dma_start3A_48 = arith.constant 0 : i32
      %dma_start3A_49 = tpu.memref_slice %arg3[%arg0, %arg1, %dma_start3A_47, %dma_start3A_48] : memref<2x16x64x128xi32, #tpu.memory_space<hbm>> -> memref<1x1x64x128xi32, #tpu.memory_space<hbm>>
      %dma_start3A_50 = tpu.memref_squeeze %dma_start3A_49 : memref<1x1x64x128xi32, #tpu.memory_space<hbm>> -> memref<64x128xi32, #tpu.memory_space<hbm>>
      tpu.enqueue_dma source(%dma_start3A_50 : memref<64x128xi32, #tpu.memory_space<hbm>>) target(%arg7 : memref<64x128xi32, #tpu.memory_space<vmem>>) target_semaphore(%run_scoped3A : memref<!tpu.dma_semaphore, #tpu.memory_space<semaphore_mem>>)
      %dma_wait3A = arith.constant 0 : i32
      %dma_wait3A_51 = arith.constant 0 : i32
      %dma_wait3A_52 = tpu.memref_slice %arg3[%arg0, %arg1, %dma_wait3A, %dma_wait3A_51] : memref<2x16x64x128xi32, #tpu.memory_space<hbm>> -> memref<1x1x64x128xi32, #tpu.memory_space<hbm>>
      %dma_wait3A_53 = tpu.memref_squeeze %dma_wait3A_52 : memref<1x1x64x128xi32, #tpu.memory_space<hbm>> -> memref<64x128xi32, #tpu.memory_space<hbm>>
      %dma_wait3A_54 = arith.constant 0 : i32
      %dma_wait3A_55 = arith.constant 0 : i32
      %dma_wait3A_56 = tpu.memref_slice %arg3[%arg0, %arg1, %dma_wait3A_54, %dma_wait3A_55] : memref<2x16x64x128xi32, #tpu.memory_space<hbm>> -> memref<1x1x64x128xi32, #tpu.memory_space<hbm>>
      %dma_wait3A_57 = tpu.memref_squeeze %dma_wait3A_56 : memref<1x1x64x128xi32, #tpu.memory_space<hbm>> -> memref<64x128xi32, #tpu.memory_space<hbm>>
      tpu.wait_dma2 semaphore(%run_scoped3A : memref<!tpu.dma_semaphore, #tpu.memory_space<semaphore_mem>>) src(%dma_wait3A_57 : memref<64x128xi32, #tpu.memory_space<hbm>>) dst(%arg7 : memref<64x128xi32, #tpu.memory_space<vmem>>)
      tpu.yield
    }) : () -> ()
    "tpu.region"() ({
      %run_scoped3A = tpu.sem_alloc : memref<!tpu.dma_semaphore, #tpu.memory_space<semaphore_mem>>
      %dma_start3A_43 = arith.constant 0 : i32
      %dma_start3A_44 = arith.constant 0 : i32
      %dma_start3A_45 = tpu.memref_slice %arg4[%arg0, %arg1, %dma_start3A_43, %dma_start3A_44] : memref<2x16x64x128xi32, #tpu.memory_space<hbm>> -> memref<1x1x64x128xi32, #tpu.memory_space<hbm>>
      %dma_start3A_46 = tpu.memref_squeeze %dma_start3A_45 : memref<1x1x64x128xi32, #tpu.memory_space<hbm>> -> memref<64x128xi32, #tpu.memory_space<hbm>>
      %dma_start3A_47 = arith.constant 0 : i32
      %dma_start3A_48 = arith.constant 0 : i32
      %dma_start3A_49 = tpu.memref_slice %arg4[%arg0, %arg1, %dma_start3A_47, %dma_start3A_48] : memref<2x16x64x128xi32, #tpu.memory_space<hbm>> -> memref<1x1x64x128xi32, #tpu.memory_space<hbm>>
      %dma_start3A_50 = tpu.memref_squeeze %dma_start3A_49 : memref<1x1x64x128xi32, #tpu.memory_space<hbm>> -> memref<64x128xi32, #tpu.memory_space<hbm>>
      tpu.enqueue_dma source(%dma_start3A_50 : memref<64x128xi32, #tpu.memory_space<hbm>>) target(%arg8 : memref<64x128xi32, #tpu.memory_space<vmem>>) target_semaphore(%run_scoped3A : memref<!tpu.dma_semaphore, #tpu.memory_space<semaphore_mem>>)
      %dma_wait3A = arith.constant 0 : i32
      %dma_wait3A_51 = arith.constant 0 : i32
      %dma_wait3A_52 = tpu.memref_slice %arg4[%arg0, %arg1, %dma_wait3A, %dma_wait3A_51] : memref<2x16x64x128xi32, #tpu.memory_space<hbm>> -> memref<1x1x64x128xi32, #tpu.memory_space<hbm>>
      %dma_wait3A_53 = tpu.memref_squeeze %dma_wait3A_52 : memref<1x1x64x128xi32, #tpu.memory_space<hbm>> -> memref<64x128xi32, #tpu.memory_space<hbm>>
      %dma_wait3A_54 = arith.constant 0 : i32
      %dma_wait3A_55 = arith.constant 0 : i32
      %dma_wait3A_56 = tpu.memref_slice %arg4[%arg0, %arg1, %dma_wait3A_54, %dma_wait3A_55] : memref<2x16x64x128xi32, #tpu.memory_space<hbm>> -> memref<1x1x64x128xi32, #tpu.memory_space<hbm>>
      %dma_wait3A_57 = tpu.memref_squeeze %dma_wait3A_56 : memref<1x1x64x128xi32, #tpu.memory_space<hbm>> -> memref<64x128xi32, #tpu.memory_space<hbm>>
      tpu.wait_dma2 semaphore(%run_scoped3A : memref<!tpu.dma_semaphore, #tpu.memory_space<semaphore_mem>>) src(%dma_wait3A_57 : memref<64x128xi32, #tpu.memory_space<hbm>>) dst(%arg8 : memref<64x128xi32, #tpu.memory_space<vmem>>)
      tpu.yield
    }) : () -> ()
    %barrier3A = arith.constant 0 : index
    tpu.barrier barrier_id(%barrier3A)
    %dma_start3A = arith.constant 0 : i32
    %dma_start3A_5 = arith.constant 0 : i32
    %dma_start3A_6 = tpu.memref_slice %arg7[%dma_start3A, %dma_start3A_5] : memref<64x128xi32, #tpu.memory_space<vmem>> -> memref<1x128xi32, #tpu.memory_space<vmem>>
    %dma_start3A_7 = tpu.memref_squeeze %dma_start3A_6 : memref<1x128xi32, #tpu.memory_space<vmem>> -> memref<128xi32, #tpu.memory_space<vmem>>
    %dma_start3A_8 = arith.constant 0 : i32
    %dma_start3A_9 = arith.constant 0 : i32
    %dma_start3A_10 = tpu.memref_slice %arg2[%dma_start3A_8, %dma_start3A_9] : memref<10000x64xf32, #tpu.memory_space<hbm>> -> memref<10000x64xf32, #tpu.memory_space<hbm>>
    tpu.enqueue_indirect_dma source(%dma_start3A_10 : memref<10000x64xf32, #tpu.memory_space<hbm>>) target(%arg9 : memref<128x64xf32, #tpu.memory_space<vmem>>) offsets(%dma_start3A_7 : memref<128xi32, #tpu.memory_space<vmem>>) semaphore(%arg11 : memref<!tpu.dma_semaphore, #tpu.memory_space<semaphore_mem>>)
    %jit3A_11 = arith.constant 2 : i32
    %div3A = arith.divsi %select_n3A, %jit3A_11 : i32
    %sign3A = arith.constant 0 : i32
    %sign3A_12 = arith.cmpi sgt, %select_n3A, %sign3A : i32
    %sign3A_13 = arith.extui %sign3A_12 : i1 to i32
    %sign3A_14 = arith.constant 0 : i32
    %sign3A_15 = arith.cmpi slt, %select_n3A, %sign3A_14 : i32
    %sign3A_16 = arith.extui %sign3A_15 : i1 to i32
    %sign3A_17 = arith.subi %sign3A_13, %sign3A_16 : i32
    %sign3A_18 = arith.constant 0 : i32
    %sign3A_19 = arith.cmpi sgt, %jit3A_11, %sign3A_18 : i32
    %sign3A_20 = arith.extui %sign3A_19 : i1 to i32
    %sign3A_21 = arith.constant 0 : i32
    %sign3A_22 = arith.cmpi slt, %jit3A_11, %sign3A_21 : i32
    %sign3A_23 = arith.extui %sign3A_22 : i1 to i32
    %sign3A_24 = arith.subi %sign3A_20, %sign3A_23 : i32
    %ne3A = arith.cmpi ne, %sign3A_17, %sign3A_24 : i32
    %rem3A = arith.remsi %select_n3A, %jit3A_11 : i32
    %ne3A_25 = arith.constant 0 : i32
    %ne3A_26 = arith.cmpi ne, %rem3A, %ne3A_25 : i32
    %and3A = arith.andi %ne3A, %ne3A_26 : i1
    %sub3A = arith.constant 1 : i32
    %sub3A_27 = arith.subi %div3A, %sub3A : i32
    %select_n3A_28 = arith.select %and3A, %sub3A_27, %div3A : i32
    %while3A = arith.constant 0 : i32
    %while3A_29 = arith.constant 0 : i32
    %while3A_30 = arith.subi %select_n3A_28, %while3A_29 : i32
    %while3A_31 = arith.addi %while3A_29, %while3A_30 : i32
    %while3A_32 = arith.constant 1 : i32
    %while3A_33 = arith.divsi %while3A_30, %while3A_32 : i32
    %while3A_34 = arith.muli %while3A_33, %while3A_32 : i32
    %while3A_35 = arith.addi %while3A_29, %while3A_34 : i32
    %while3A_36 = arith.constant 1 : i32
    scf.for %while3A_43 = %while3A_29 to %while3A_35 step %while3A_36  : i32 {
      %mul3A_44 = arith.constant 2 : i32
      %mul3A_45 = arith.muli %mul3A_44, %while3A_43 : i32
      %add3A = arith.constant 1 : i32
      %add3A_46 = arith.addi %mul3A_45, %add3A : i32
      %dma_start3A_47 = arith.constant 0 : i32
      %dma_start3A_48 = tpu.memref_slice %arg7[%add3A_46, %dma_start3A_47] : memref<64x128xi32, #tpu.memory_space<vmem>> -> memref<1x128xi32, #tpu.memory_space<vmem>>
      %dma_start3A_49 = tpu.memref_squeeze %dma_start3A_48 : memref<1x128xi32, #tpu.memory_space<vmem>> -> memref<128xi32, #tpu.memory_space<vmem>>
      %dma_start3A_50 = arith.constant 0 : i32
      %dma_start3A_51 = arith.constant 0 : i32
      %dma_start3A_52 = tpu.memref_slice %arg2[%dma_start3A_50, %dma_start3A_51] : memref<10000x64xf32, #tpu.memory_space<hbm>> -> memref<10000x64xf32, #tpu.memory_space<hbm>>
      tpu.enqueue_indirect_dma source(%dma_start3A_52 : memref<10000x64xf32, #tpu.memory_space<hbm>>) target(%arg10 : memref<128x64xf32, #tpu.memory_space<vmem>>) offsets(%dma_start3A_49 : memref<128xi32, #tpu.memory_space<vmem>>) semaphore(%arg12 : memref<!tpu.dma_semaphore, #tpu.memory_space<semaphore_mem>>)
      %dma_wait3A = arith.constant 0 : i32
      %dma_wait3A_53 = tpu.memref_slice %arg7[%mul3A_45, %dma_wait3A] : memref<64x128xi32, #tpu.memory_space<vmem>> -> memref<1x128xi32, #tpu.memory_space<vmem>>
      %dma_wait3A_54 = tpu.memref_squeeze %dma_wait3A_53 : memref<1x128xi32, #tpu.memory_space<vmem>> -> memref<128xi32, #tpu.memory_space<vmem>>
      %dma_wait3A_55 = arith.constant 0 : i32
      %dma_wait3A_56 = arith.constant 0 : i32
      %dma_wait3A_57 = tpu.memref_slice %arg2[%dma_wait3A_55, %dma_wait3A_56] : memref<10000x64xf32, #tpu.memory_space<hbm>> -> memref<10000x64xf32, #tpu.memory_space<hbm>>
      tpu.wait_indirect_dma semaphore(%arg11 : memref<!tpu.dma_semaphore, #tpu.memory_space<semaphore_mem>>) src(%dma_wait3A_57 : memref<10000x64xf32, #tpu.memory_space<hbm>>) dst(%arg9 : memref<128x64xf32, #tpu.memory_space<vmem>>)
      "tpu.region"() ({
        %run_scoped3A = tpu.sem_alloc : memref<!tpu.dma_semaphore, #tpu.memory_space<semaphore_mem>>
        %dma_start3A_67 = arith.constant 0 : i32
        %dma_start3A_68 = tpu.memref_slice %arg8[%mul3A_45, %dma_start3A_67] : memref<64x128xi32, #tpu.memory_space<vmem>> -> memref<1x128xi32, #tpu.memory_space<vmem>>
        %dma_start3A_69 = tpu.memref_squeeze %dma_start3A_68 : memref<1x128xi32, #tpu.memory_space<vmem>> -> memref<128xi32, #tpu.memory_space<vmem>>
        %dma_start3A_70 = arith.constant 0 : i32
        %dma_start3A_71 = arith.constant 0 : i32
        %dma_start3A_72 = tpu.memref_slice %arg13[%dma_start3A_70, %dma_start3A_71] : memref<10240x64xf32, #tpu.memory_space<vmem_shared>> -> memref<10240x64xf32, #tpu.memory_space<vmem_shared>>
        tpu.enqueue_indirect_dma source(%arg9 : memref<128x64xf32, #tpu.memory_space<vmem>>) target(%dma_start3A_72 : memref<10240x64xf32, #tpu.memory_space<vmem_shared>>) offsets(%dma_start3A_69 : memref<128xi32, #tpu.memory_space<vmem>>) semaphore(%run_scoped3A : memref<!tpu.dma_semaphore, #tpu.memory_space<semaphore_mem>>) {add = true}
        %dma_wait3A_73 = arith.constant 0 : i32
        %dma_wait3A_74 = tpu.memref_slice %arg8[%mul3A_45, %dma_wait3A_73] : memref<64x128xi32, #tpu.memory_space<vmem>> -> memref<1x128xi32, #tpu.memory_space<vmem>>
        %dma_wait3A_75 = tpu.memref_squeeze %dma_wait3A_74 : memref<1x128xi32, #tpu.memory_space<vmem>> -> memref<128xi32, #tpu.memory_space<vmem>>
        %dma_wait3A_76 = arith.constant 0 : i32
        %dma_wait3A_77 = arith.constant 0 : i32
        %dma_wait3A_78 = tpu.memref_slice %arg13[%dma_wait3A_76, %dma_wait3A_77] : memref<10240x64xf32, #tpu.memory_space<vmem_shared>> -> memref<10240x64xf32, #tpu.memory_space<vmem_shared>>
        tpu.wait_indirect_dma semaphore(%run_scoped3A : memref<!tpu.dma_semaphore, #tpu.memory_space<semaphore_mem>>) src(%arg9 : memref<128x64xf32, #tpu.memory_space<vmem>>) dst(%dma_wait3A_78 : memref<10240x64xf32, #tpu.memory_space<vmem_shared>>)
        tpu.yield
      }) : () -> ()
      %add3A_58 = arith.constant 2 : i32
      %add3A_59 = arith.addi %mul3A_45, %add3A_58 : i32
      %lt3A = arith.cmpi slt, %add3A_59, %select_n3A : i32
      %convert_element_type3A = arith.extui %lt3A : i1 to i32
      %cond3A = arith.constant 0 : i32
      %cond3A_60 = arith.cmpi ne, %convert_element_type3A, %cond3A : i32
      scf.if %cond3A_60 {
        %add3A_67 = arith.constant 2 : i32
        %add3A_68 = arith.addi %mul3A_45, %add3A_67 : i32
        %dma_start3A_69 = arith.constant 0 : i32
        %dma_start3A_70 = tpu.memref_slice %arg7[%add3A_68, %dma_start3A_69] : memref<64x128xi32, #tpu.memory_space<vmem>> -> memref<1x128xi32, #tpu.memory_space<vmem>>
        %dma_start3A_71 = tpu.memref_squeeze %dma_start3A_70 : memref<1x128xi32, #tpu.memory_space<vmem>> -> memref<128xi32, #tpu.memory_space<vmem>>
        %dma_start3A_72 = arith.constant 0 : i32
        %dma_start3A_73 = arith.constant 0 : i32
        %dma_start3A_74 = tpu.memref_slice %arg2[%dma_start3A_72, %dma_start3A_73] : memref<10000x64xf32, #tpu.memory_space<hbm>> -> memref<10000x64xf32, #tpu.memory_space<hbm>>
        tpu.enqueue_indirect_dma source(%dma_start3A_74 : memref<10000x64xf32, #tpu.memory_space<hbm>>) target(%arg9 : memref<128x64xf32, #tpu.memory_space<vmem>>) offsets(%dma_start3A_71 : memref<128xi32, #tpu.memory_space<vmem>>) semaphore(%arg11 : memref<!tpu.dma_semaphore, #tpu.memory_space<semaphore_mem>>)
      } else {
      }
      %dma_wait3A_61 = arith.constant 0 : i32
      %dma_wait3A_62 = tpu.memref_slice %arg7[%add3A_46, %dma_wait3A_61] : memref<64x128xi32, #tpu.memory_space<vmem>> -> memref<1x128xi32, #tpu.memory_space<vmem>>
      %dma_wait3A_63 = tpu.memref_squeeze %dma_wait3A_62 : memref<1x128xi32, #tpu.memory_space<vmem>> -> memref<128xi32, #tpu.memory_space<vmem>>
      %dma_wait3A_64 = arith.constant 0 : i32
      %dma_wait3A_65 = arith.constant 0 : i32
      %dma_wait3A_66 = tpu.memref_slice %arg2[%dma_wait3A_64, %dma_wait3A_65] : memref<10000x64xf32, #tpu.memory_space<hbm>> -> memref<10000x64xf32, #tpu.memory_space<hbm>>
      tpu.wait_indirect_dma semaphore(%arg12 : memref<!tpu.dma_semaphore, #tpu.memory_space<semaphore_mem>>) src(%dma_wait3A_66 : memref<10000x64xf32, #tpu.memory_space<hbm>>) dst(%arg10 : memref<128x64xf32, #tpu.memory_space<vmem>>)
      "tpu.region"() ({
        %run_scoped3A = tpu.sem_alloc : memref<!tpu.dma_semaphore, #tpu.memory_space<semaphore_mem>>
        %dma_start3A_67 = arith.constant 0 : i32
        %dma_start3A_68 = tpu.memref_slice %arg8[%add3A_46, %dma_start3A_67] : memref<64x128xi32, #tpu.memory_space<vmem>> -> memref<1x128xi32, #tpu.memory_space<vmem>>
        %dma_start3A_69 = tpu.memref_squeeze %dma_start3A_68 : memref<1x128xi32, #tpu.memory_space<vmem>> -> memref<128xi32, #tpu.memory_space<vmem>>
        %dma_start3A_70 = arith.constant 0 : i32
        %dma_start3A_71 = arith.constant 0 : i32
        %dma_start3A_72 = tpu.memref_slice %arg13[%dma_start3A_70, %dma_start3A_71] : memref<10240x64xf32, #tpu.memory_space<vmem_shared>> -> memref<10240x64xf32, #tpu.memory_space<vmem_shared>>
        tpu.enqueue_indirect_dma source(%arg10 : memref<128x64xf32, #tpu.memory_space<vmem>>) target(%dma_start3A_72 : memref<10240x64xf32, #tpu.memory_space<vmem_shared>>) offsets(%dma_start3A_69 : memref<128xi32, #tpu.memory_space<vmem>>) semaphore(%run_scoped3A : memref<!tpu.dma_semaphore, #tpu.memory_space<semaphore_mem>>) {add = true}
        %dma_wait3A_73 = arith.constant 0 : i32
        %dma_wait3A_74 = tpu.memref_slice %arg8[%add3A_46, %dma_wait3A_73] : memref<64x128xi32, #tpu.memory_space<vmem>> -> memref<1x128xi32, #tpu.memory_space<vmem>>
        %dma_wait3A_75 = tpu.memref_squeeze %dma_wait3A_74 : memref<1x128xi32, #tpu.memory_space<vmem>> -> memref<128xi32, #tpu.memory_space<vmem>>
        %dma_wait3A_76 = arith.constant 0 : i32
        %dma_wait3A_77 = arith.constant 0 : i32
        %dma_wait3A_78 = tpu.memref_slice %arg13[%dma_wait3A_76, %dma_wait3A_77] : memref<10240x64xf32, #tpu.memory_space<vmem_shared>> -> memref<10240x64xf32, #tpu.memory_space<vmem_shared>>
        tpu.wait_indirect_dma semaphore(%run_scoped3A : memref<!tpu.dma_semaphore, #tpu.memory_space<semaphore_mem>>) src(%arg10 : memref<128x64xf32, #tpu.memory_space<vmem>>) dst(%dma_wait3A_78 : memref<10240x64xf32, #tpu.memory_space<vmem_shared>>)
        tpu.yield
      }) : () -> ()
    }
    %while3A_37 = arith.constant 1 : i32
    scf.for %while3A_43 = %while3A_35 to %while3A_31 step %while3A_37  : i32 {
      %mul3A_44 = arith.constant 2 : i32
      %mul3A_45 = arith.muli %mul3A_44, %while3A_43 : i32
      %add3A = arith.constant 1 : i32
      %add3A_46 = arith.addi %mul3A_45, %add3A : i32
      %dma_start3A_47 = arith.constant 0 : i32
      %dma_start3A_48 = tpu.memref_slice %arg7[%add3A_46, %dma_start3A_47] : memref<64x128xi32, #tpu.memory_space<vmem>> -> memref<1x128xi32, #tpu.memory_space<vmem>>
      %dma_start3A_49 = tpu.memref_squeeze %dma_start3A_48 : memref<1x128xi32, #tpu.memory_space<vmem>> -> memref<128xi32, #tpu.memory_space<vmem>>
      %dma_start3A_50 = arith.constant 0 : i32
      %dma_start3A_51 = arith.constant 0 : i32
      %dma_start3A_52 = tpu.memref_slice %arg2[%dma_start3A_50, %dma_start3A_51] : memref<10000x64xf32, #tpu.memory_space<hbm>> -> memref<10000x64xf32, #tpu.memory_space<hbm>>
      tpu.enqueue_indirect_dma source(%dma_start3A_52 : memref<10000x64xf32, #tpu.memory_space<hbm>>) target(%arg10 : memref<128x64xf32, #tpu.memory_space<vmem>>) offsets(%dma_start3A_49 : memref<128xi32, #tpu.memory_space<vmem>>) semaphore(%arg12 : memref<!tpu.dma_semaphore, #tpu.memory_space<semaphore_mem>>)
      %dma_wait3A = arith.constant 0 : i32
      %dma_wait3A_53 = tpu.memref_slice %arg7[%mul3A_45, %dma_wait3A] : memref<64x128xi32, #tpu.memory_space<vmem>> -> memref<1x128xi32, #tpu.memory_space<vmem>>
      %dma_wait3A_54 = tpu.memref_squeeze %dma_wait3A_53 : memref<1x128xi32, #tpu.memory_space<vmem>> -> memref<128xi32, #tpu.memory_space<vmem>>
      %dma_wait3A_55 = arith.constant 0 : i32
      %dma_wait3A_56 = arith.constant 0 : i32
      %dma_wait3A_57 = tpu.memref_slice %arg2[%dma_wait3A_55, %dma_wait3A_56] : memref<10000x64xf32, #tpu.memory_space<hbm>> -> memref<10000x64xf32, #tpu.memory_space<hbm>>
      tpu.wait_indirect_dma semaphore(%arg11 : memref<!tpu.dma_semaphore, #tpu.memory_space<semaphore_mem>>) src(%dma_wait3A_57 : memref<10000x64xf32, #tpu.memory_space<hbm>>) dst(%arg9 : memref<128x64xf32, #tpu.memory_space<vmem>>)
      "tpu.region"() ({
        %run_scoped3A = tpu.sem_alloc : memref<!tpu.dma_semaphore, #tpu.memory_space<semaphore_mem>>
        %dma_start3A_67 = arith.constant 0 : i32
        %dma_start3A_68 = tpu.memref_slice %arg8[%mul3A_45, %dma_start3A_67] : memref<64x128xi32, #tpu.memory_space<vmem>> -> memref<1x128xi32, #tpu.memory_space<vmem>>
        %dma_start3A_69 = tpu.memref_squeeze %dma_start3A_68 : memref<1x128xi32, #tpu.memory_space<vmem>> -> memref<128xi32, #tpu.memory_space<vmem>>
        %dma_start3A_70 = arith.constant 0 : i32
        %dma_start3A_71 = arith.constant 0 : i32
        %dma_start3A_72 = tpu.memref_slice %arg13[%dma_start3A_70, %dma_start3A_71] : memref<10240x64xf32, #tpu.memory_space<vmem_shared>> -> memref<10240x64xf32, #tpu.memory_space<vmem_shared>>
        tpu.enqueue_indirect_dma source(%arg9 : memref<128x64xf32, #tpu.memory_space<vmem>>) target(%dma_start3A_72 : memref<10240x64xf32, #tpu.memory_space<vmem_shared>>) offsets(%dma_start3A_69 : memref<128xi32, #tpu.memory_space<vmem>>) semaphore(%run_scoped3A : memref<!tpu.dma_semaphore, #tpu.memory_space<semaphore_mem>>) {add = true}
        %dma_wait3A_73 = arith.constant 0 : i32
        %dma_wait3A_74 = tpu.memref_slice %arg8[%mul3A_45, %dma_wait3A_73] : memref<64x128xi32, #tpu.memory_space<vmem>> -> memref<1x128xi32, #tpu.memory_space<vmem>>
        %dma_wait3A_75 = tpu.memref_squeeze %dma_wait3A_74 : memref<1x128xi32, #tpu.memory_space<vmem>> -> memref<128xi32, #tpu.memory_space<vmem>>
        %dma_wait3A_76 = arith.constant 0 : i32
        %dma_wait3A_77 = arith.constant 0 : i32
        %dma_wait3A_78 = tpu.memref_slice %arg13[%dma_wait3A_76, %dma_wait3A_77] : memref<10240x64xf32, #tpu.memory_space<vmem_shared>> -> memref<10240x64xf32, #tpu.memory_space<vmem_shared>>
        tpu.wait_indirect_dma semaphore(%run_scoped3A : memref<!tpu.dma_semaphore, #tpu.memory_space<semaphore_mem>>) src(%arg9 : memref<128x64xf32, #tpu.memory_space<vmem>>) dst(%dma_wait3A_78 : memref<10240x64xf32, #tpu.memory_space<vmem_shared>>)
        tpu.yield
      }) : () -> ()
      %add3A_58 = arith.constant 2 : i32
      %add3A_59 = arith.addi %mul3A_45, %add3A_58 : i32
      %lt3A = arith.cmpi slt, %add3A_59, %select_n3A : i32
      %convert_element_type3A = arith.extui %lt3A : i1 to i32
      %cond3A = arith.constant 0 : i32
      %cond3A_60 = arith.cmpi ne, %convert_element_type3A, %cond3A : i32
      scf.if %cond3A_60 {
        %add3A_67 = arith.constant 2 : i32
        %add3A_68 = arith.addi %mul3A_45, %add3A_67 : i32
        %dma_start3A_69 = arith.constant 0 : i32
        %dma_start3A_70 = tpu.memref_slice %arg7[%add3A_68, %dma_start3A_69] : memref<64x128xi32, #tpu.memory_space<vmem>> -> memref<1x128xi32, #tpu.memory_space<vmem>>
        %dma_start3A_71 = tpu.memref_squeeze %dma_start3A_70 : memref<1x128xi32, #tpu.memory_space<vmem>> -> memref<128xi32, #tpu.memory_space<vmem>>
        %dma_start3A_72 = arith.constant 0 : i32
        %dma_start3A_73 = arith.constant 0 : i32
        %dma_start3A_74 = tpu.memref_slice %arg2[%dma_start3A_72, %dma_start3A_73] : memref<10000x64xf32, #tpu.memory_space<hbm>> -> memref<10000x64xf32, #tpu.memory_space<hbm>>
        tpu.enqueue_indirect_dma source(%dma_start3A_74 : memref<10000x64xf32, #tpu.memory_space<hbm>>) target(%arg9 : memref<128x64xf32, #tpu.memory_space<vmem>>) offsets(%dma_start3A_71 : memref<128xi32, #tpu.memory_space<vmem>>) semaphore(%arg11 : memref<!tpu.dma_semaphore, #tpu.memory_space<semaphore_mem>>)
      } else {
      }
      %dma_wait3A_61 = arith.constant 0 : i32
      %dma_wait3A_62 = tpu.memref_slice %arg7[%add3A_46, %dma_wait3A_61] : memref<64x128xi32, #tpu.memory_space<vmem>> -> memref<1x128xi32, #tpu.memory_space<vmem>>
      %dma_wait3A_63 = tpu.memref_squeeze %dma_wait3A_62 : memref<1x128xi32, #tpu.memory_space<vmem>> -> memref<128xi32, #tpu.memory_space<vmem>>
      %dma_wait3A_64 = arith.constant 0 : i32
      %dma_wait3A_65 = arith.constant 0 : i32
      %dma_wait3A_66 = tpu.memref_slice %arg2[%dma_wait3A_64, %dma_wait3A_65] : memref<10000x64xf32, #tpu.memory_space<hbm>> -> memref<10000x64xf32, #tpu.memory_space<hbm>>
      tpu.wait_indirect_dma semaphore(%arg12 : memref<!tpu.dma_semaphore, #tpu.memory_space<semaphore_mem>>) src(%dma_wait3A_66 : memref<10000x64xf32, #tpu.memory_space<hbm>>) dst(%arg10 : memref<128x64xf32, #tpu.memory_space<vmem>>)
      "tpu.region"() ({
        %run_scoped3A = tpu.sem_alloc : memref<!tpu.dma_semaphore, #tpu.memory_space<semaphore_mem>>
        %dma_start3A_67 = arith.constant 0 : i32
        %dma_start3A_68 = tpu.memref_slice %arg8[%add3A_46, %dma_start3A_67] : memref<64x128xi32, #tpu.memory_space<vmem>> -> memref<1x128xi32, #tpu.memory_space<vmem>>
        %dma_start3A_69 = tpu.memref_squeeze %dma_start3A_68 : memref<1x128xi32, #tpu.memory_space<vmem>> -> memref<128xi32, #tpu.memory_space<vmem>>
        %dma_start3A_70 = arith.constant 0 : i32
        %dma_start3A_71 = arith.constant 0 : i32
        %dma_start3A_72 = tpu.memref_slice %arg13[%dma_start3A_70, %dma_start3A_71] : memref<10240x64xf32, #tpu.memory_space<vmem_shared>> -> memref<10240x64xf32, #tpu.memory_space<vmem_shared>>
        tpu.enqueue_indirect_dma source(%arg10 : memref<128x64xf32, #tpu.memory_space<vmem>>) target(%dma_start3A_72 : memref<10240x64xf32, #tpu.memory_space<vmem_shared>>) offsets(%dma_start3A_69 : memref<128xi32, #tpu.memory_space<vmem>>) semaphore(%run_scoped3A : memref<!tpu.dma_semaphore, #tpu.memory_space<semaphore_mem>>) {add = true}
        %dma_wait3A_73 = arith.constant 0 : i32
        %dma_wait3A_74 = tpu.memref_slice %arg8[%add3A_46, %dma_wait3A_73] : memref<64x128xi32, #tpu.memory_space<vmem>> -> memref<1x128xi32, #tpu.memory_space<vmem>>
        %dma_wait3A_75 = tpu.memref_squeeze %dma_wait3A_74 : memref<1x128xi32, #tpu.memory_space<vmem>> -> memref<128xi32, #tpu.memory_space<vmem>>
        %dma_wait3A_76 = arith.constant 0 : i32
        %dma_wait3A_77 = arith.constant 0 : i32
        %dma_wait3A_78 = tpu.memref_slice %arg13[%dma_wait3A_76, %dma_wait3A_77] : memref<10240x64xf32, #tpu.memory_space<vmem_shared>> -> memref<10240x64xf32, #tpu.memory_space<vmem_shared>>
        tpu.wait_indirect_dma semaphore(%run_scoped3A : memref<!tpu.dma_semaphore, #tpu.memory_space<semaphore_mem>>) src(%arg10 : memref<128x64xf32, #tpu.memory_space<vmem>>) dst(%dma_wait3A_78 : memref<10240x64xf32, #tpu.memory_space<vmem_shared>>)
        tpu.yield
      }) : () -> ()
    }
    %barrier3A_38 = arith.constant 0 : index
    tpu.barrier barrier_id(%barrier3A_38)
    %mul3A_39 = arith.constant 640 : i32
    %mul3A_40 = arith.muli %arg1, %mul3A_39 : i32
    %mul3A_41 = arith.constant 640 : i32
    %mul3A_42 = arith.muli %arg1, %mul3A_41 : i32
    "tpu.region"() ({
      %run_scoped3A = tpu.sem_alloc : memref<!tpu.dma_semaphore, #tpu.memory_space<semaphore_mem>>
      %dma_start3A_43 = arith.constant 0 : i32
      %dma_start3A_44 = tpu.memref_slice %arg6[%arg0, %mul3A_42, %dma_start3A_43] : memref<2x10240x64xf32, #tpu.memory_space<hbm>> -> memref<1x640x64xf32, #tpu.memory_space<hbm>>
      %dma_start3A_45 = tpu.memref_squeeze %dma_start3A_44 : memref<1x640x64xf32, #tpu.memory_space<hbm>> -> memref<640x64xf32, #tpu.memory_space<hbm>>
      %dma_start3A_46 = arith.constant 0 : i32
      %dma_start3A_47 = tpu.memref_slice %arg13[%mul3A_40, %dma_start3A_46] : memref<10240x64xf32, #tpu.memory_space<vmem_shared>> -> memref<640x64xf32, #tpu.memory_space<vmem_shared>>
      tpu.enqueue_dma source(%dma_start3A_47 : memref<640x64xf32, #tpu.memory_space<vmem_shared>>) target(%dma_start3A_45 : memref<640x64xf32, #tpu.memory_space<hbm>>) target_semaphore(%run_scoped3A : memref<!tpu.dma_semaphore, #tpu.memory_space<semaphore_mem>>)
      %dma_wait3A = arith.constant 0 : i32
      %dma_wait3A_48 = tpu.memref_slice %arg6[%arg0, %mul3A_42, %dma_wait3A] : memref<2x10240x64xf32, #tpu.memory_space<hbm>> -> memref<1x640x64xf32, #tpu.memory_space<hbm>>
      %dma_wait3A_49 = tpu.memref_squeeze %dma_wait3A_48 : memref<1x640x64xf32, #tpu.memory_space<hbm>> -> memref<640x64xf32, #tpu.memory_space<hbm>>
      %dma_wait3A_50 = arith.constant 0 : i32
      %dma_wait3A_51 = tpu.memref_slice %arg13[%mul3A_40, %dma_wait3A_50] : memref<10240x64xf32, #tpu.memory_space<vmem_shared>> -> memref<640x64xf32, #tpu.memory_space<vmem_shared>>
      tpu.wait_dma2 semaphore(%run_scoped3A : memref<!tpu.dma_semaphore, #tpu.memory_space<semaphore_mem>>) src(%dma_wait3A_51 : memref<640x64xf32, #tpu.memory_space<vmem_shared>>) dst(%dma_wait3A_49 : memref<640x64xf32, #tpu.memory_space<hbm>>)
      tpu.yield
    }) : () -> ()
    return
  }
}

#map = affine_map<(d0, d1) -> (0, 0)>
#map1 = affine_map<(d0, d1) -> (0, 0, 0, 0)>
module attributes {stable_mosaic.version = 14 : i64} {
  func.func @k(%arg0: i32, %arg1: i32, %arg2: memref<10000x128xf32, #tpu.memory_space<hbm>>, %arg3: memref<2x16x64x128xi32, #tpu.memory_space<hbm>>, %arg4: memref<2x16x64x128xi32, #tpu.memory_space<hbm>>, %arg5: memref<163840x128xf32, #tpu.memory_space<hbm>>, %arg6: memref<163840x128xf32, #tpu.memory_space<hbm>>, %arg7: memref<64x128xi32, #tpu.memory_space<vmem>>, %arg8: memref<64x128xi32, #tpu.memory_space<vmem>>, %arg9: memref<128x128xf32, #tpu.memory_space<vmem>>, %arg10: memref<128x128xf32, #tpu.memory_space<vmem>>, %arg11: memref<128x128xf32, #tpu.memory_space<vmem>>, %arg12: memref<128x128xf32, #tpu.memory_space<vmem>>, %arg13: memref<!tpu.dma_semaphore, #tpu.memory_space<semaphore_mem>>, %arg14: memref<!tpu.dma_semaphore, #tpu.memory_space<semaphore_mem>>, %arg15: memref<!tpu.dma_semaphore, #tpu.memory_space<semaphore_mem>>, %arg16: memref<!tpu.dma_semaphore, #tpu.memory_space<semaphore_mem>>) attributes {dimension_semantics = [#tpu.dimension_semantics<core_parallel>, #tpu.dimension_semantics<subcore_parallel>], iteration_bounds = array<i64: 2, 16>, scalar_prefetch = 0 : i64, scratch_operands = 10 : i64, tpu.core_type = #tpu.core_type<sc_vector_subcore>, window_params = [{transform_indices = #map}, {transform_indices = #map1}, {transform_indices = #map1}, {transform_indices = #map}, {transform_indices = #map}]} {
    %eq3A = arith.constant 0 : i32
    %eq3A_0 = arith.cmpi eq, %arg0, %eq3A : i32
    %jit3A = arith.constant 64 : i32
    %jit3A_1 = arith.constant 16 : i32
    %select_n3A = arith.select %eq3A_0, %jit3A, %jit3A_1 : i32
    %eq3A_2 = arith.constant 0 : i32
    %eq3A_3 = arith.cmpi eq, %arg0, %eq3A_2 : i32
    %mul3A = arith.constant 64 : i32
    %mul3A_4 = arith.muli %arg1, %mul3A : i32
    %mul3A_5 = arith.constant 16 : i32
    %mul3A_6 = arith.muli %arg1, %mul3A_5 : i32
    %add3A = arith.constant 1024 : i32
    %add3A_7 = arith.addi %add3A, %mul3A_6 : i32
    %select_n3A_8 = arith.select %eq3A_3, %mul3A_4, %add3A_7 : i32
    %mul3A_9 = arith.constant 128 : i32
    %mul3A_10 = arith.muli %select_n3A_8, %mul3A_9 : i32
    "tpu.region"() ({
      %run_scoped3A = tpu.sem_alloc : memref<!tpu.dma_semaphore, #tpu.memory_space<semaphore_mem>>
      %dma_start3A_51 = arith.constant 0 : i32
      %dma_start3A_52 = arith.constant 0 : i32
      %dma_start3A_53 = tpu.memref_slice %arg3[%arg0, %arg1, %dma_start3A_51, %dma_start3A_52] : memref<2x16x64x128xi32, #tpu.memory_space<hbm>> -> memref<1x1x64x128xi32, #tpu.memory_space<hbm>>
      %dma_start3A_54 = tpu.memref_squeeze %dma_start3A_53 : memref<1x1x64x128xi32, #tpu.memory_space<hbm>> -> memref<64x128xi32, #tpu.memory_space<hbm>>
      %dma_start3A_55 = arith.constant 0 : i32
      %dma_start3A_56 = arith.constant 0 : i32
      %dma_start3A_57 = tpu.memref_slice %arg3[%arg0, %arg1, %dma_start3A_55, %dma_start3A_56] : memref<2x16x64x128xi32, #tpu.memory_space<hbm>> -> memref<1x1x64x128xi32, #tpu.memory_space<hbm>>
      %dma_start3A_58 = tpu.memref_squeeze %dma_start3A_57 : memref<1x1x64x128xi32, #tpu.memory_space<hbm>> -> memref<64x128xi32, #tpu.memory_space<hbm>>
      tpu.enqueue_dma source(%dma_start3A_58 : memref<64x128xi32, #tpu.memory_space<hbm>>) target(%arg7 : memref<64x128xi32, #tpu.memory_space<vmem>>) target_semaphore(%run_scoped3A : memref<!tpu.dma_semaphore, #tpu.memory_space<semaphore_mem>>)
      %dma_wait3A = arith.constant 0 : i32
      %dma_wait3A_59 = arith.constant 0 : i32
      %dma_wait3A_60 = tpu.memref_slice %arg3[%arg0, %arg1, %dma_wait3A, %dma_wait3A_59] : memref<2x16x64x128xi32, #tpu.memory_space<hbm>> -> memref<1x1x64x128xi32, #tpu.memory_space<hbm>>
      %dma_wait3A_61 = tpu.memref_squeeze %dma_wait3A_60 : memref<1x1x64x128xi32, #tpu.memory_space<hbm>> -> memref<64x128xi32, #tpu.memory_space<hbm>>
      %dma_wait3A_62 = arith.constant 0 : i32
      %dma_wait3A_63 = arith.constant 0 : i32
      %dma_wait3A_64 = tpu.memref_slice %arg3[%arg0, %arg1, %dma_wait3A_62, %dma_wait3A_63] : memref<2x16x64x128xi32, #tpu.memory_space<hbm>> -> memref<1x1x64x128xi32, #tpu.memory_space<hbm>>
      %dma_wait3A_65 = tpu.memref_squeeze %dma_wait3A_64 : memref<1x1x64x128xi32, #tpu.memory_space<hbm>> -> memref<64x128xi32, #tpu.memory_space<hbm>>
      tpu.wait_dma2 semaphore(%run_scoped3A : memref<!tpu.dma_semaphore, #tpu.memory_space<semaphore_mem>>) src(%dma_wait3A_65 : memref<64x128xi32, #tpu.memory_space<hbm>>) dst(%arg7 : memref<64x128xi32, #tpu.memory_space<vmem>>)
      tpu.yield
    }) : () -> ()
    "tpu.region"() ({
      %run_scoped3A = tpu.sem_alloc : memref<!tpu.dma_semaphore, #tpu.memory_space<semaphore_mem>>
      %dma_start3A_51 = arith.constant 0 : i32
      %dma_start3A_52 = arith.constant 0 : i32
      %dma_start3A_53 = tpu.memref_slice %arg4[%arg0, %arg1, %dma_start3A_51, %dma_start3A_52] : memref<2x16x64x128xi32, #tpu.memory_space<hbm>> -> memref<1x1x64x128xi32, #tpu.memory_space<hbm>>
      %dma_start3A_54 = tpu.memref_squeeze %dma_start3A_53 : memref<1x1x64x128xi32, #tpu.memory_space<hbm>> -> memref<64x128xi32, #tpu.memory_space<hbm>>
      %dma_start3A_55 = arith.constant 0 : i32
      %dma_start3A_56 = arith.constant 0 : i32
      %dma_start3A_57 = tpu.memref_slice %arg4[%arg0, %arg1, %dma_start3A_55, %dma_start3A_56] : memref<2x16x64x128xi32, #tpu.memory_space<hbm>> -> memref<1x1x64x128xi32, #tpu.memory_space<hbm>>
      %dma_start3A_58 = tpu.memref_squeeze %dma_start3A_57 : memref<1x1x64x128xi32, #tpu.memory_space<hbm>> -> memref<64x128xi32, #tpu.memory_space<hbm>>
      tpu.enqueue_dma source(%dma_start3A_58 : memref<64x128xi32, #tpu.memory_space<hbm>>) target(%arg8 : memref<64x128xi32, #tpu.memory_space<vmem>>) target_semaphore(%run_scoped3A : memref<!tpu.dma_semaphore, #tpu.memory_space<semaphore_mem>>)
      %dma_wait3A = arith.constant 0 : i32
      %dma_wait3A_59 = arith.constant 0 : i32
      %dma_wait3A_60 = tpu.memref_slice %arg4[%arg0, %arg1, %dma_wait3A, %dma_wait3A_59] : memref<2x16x64x128xi32, #tpu.memory_space<hbm>> -> memref<1x1x64x128xi32, #tpu.memory_space<hbm>>
      %dma_wait3A_61 = tpu.memref_squeeze %dma_wait3A_60 : memref<1x1x64x128xi32, #tpu.memory_space<hbm>> -> memref<64x128xi32, #tpu.memory_space<hbm>>
      %dma_wait3A_62 = arith.constant 0 : i32
      %dma_wait3A_63 = arith.constant 0 : i32
      %dma_wait3A_64 = tpu.memref_slice %arg4[%arg0, %arg1, %dma_wait3A_62, %dma_wait3A_63] : memref<2x16x64x128xi32, #tpu.memory_space<hbm>> -> memref<1x1x64x128xi32, #tpu.memory_space<hbm>>
      %dma_wait3A_65 = tpu.memref_squeeze %dma_wait3A_64 : memref<1x1x64x128xi32, #tpu.memory_space<hbm>> -> memref<64x128xi32, #tpu.memory_space<hbm>>
      tpu.wait_dma2 semaphore(%run_scoped3A : memref<!tpu.dma_semaphore, #tpu.memory_space<semaphore_mem>>) src(%dma_wait3A_65 : memref<64x128xi32, #tpu.memory_space<hbm>>) dst(%arg8 : memref<64x128xi32, #tpu.memory_space<vmem>>)
      tpu.yield
    }) : () -> ()
    %dma_start3A = arith.constant 0 : i32
    %dma_start3A_11 = arith.constant 0 : i32
    %dma_start3A_12 = tpu.memref_slice %arg7[%dma_start3A, %dma_start3A_11] : memref<64x128xi32, #tpu.memory_space<vmem>> -> memref<1x128xi32, #tpu.memory_space<vmem>>
    %dma_start3A_13 = tpu.memref_squeeze %dma_start3A_12 : memref<1x128xi32, #tpu.memory_space<vmem>> -> memref<128xi32, #tpu.memory_space<vmem>>
    %dma_start3A_14 = arith.constant 0 : i32
    %dma_start3A_15 = arith.constant 0 : i32
    %dma_start3A_16 = tpu.memref_slice %arg2[%dma_start3A_14, %dma_start3A_15] : memref<10000x128xf32, #tpu.memory_space<hbm>> -> memref<10000x128xf32, #tpu.memory_space<hbm>>
    tpu.enqueue_indirect_dma source(%dma_start3A_16 : memref<10000x128xf32, #tpu.memory_space<hbm>>) target(%arg9 : memref<128x128xf32, #tpu.memory_space<vmem>>) offsets(%dma_start3A_13 : memref<128xi32, #tpu.memory_space<vmem>>) semaphore(%arg13 : memref<!tpu.dma_semaphore, #tpu.memory_space<semaphore_mem>>)
    %dma_start3A_17 = arith.constant 0 : i32
    %dma_start3A_18 = arith.constant 0 : i32
    %dma_start3A_19 = tpu.memref_slice %arg8[%dma_start3A_17, %dma_start3A_18] : memref<64x128xi32, #tpu.memory_space<vmem>> -> memref<1x128xi32, #tpu.memory_space<vmem>>
    %dma_start3A_20 = tpu.memref_squeeze %dma_start3A_19 : memref<1x128xi32, #tpu.memory_space<vmem>> -> memref<128xi32, #tpu.memory_space<vmem>>
    %dma_start3A_21 = arith.constant 0 : i32
    %dma_start3A_22 = arith.constant 0 : i32
    %dma_start3A_23 = tpu.memref_slice %arg2[%dma_start3A_21, %dma_start3A_22] : memref<10000x128xf32, #tpu.memory_space<hbm>> -> memref<10000x128xf32, #tpu.memory_space<hbm>>
    tpu.enqueue_indirect_dma source(%dma_start3A_23 : memref<10000x128xf32, #tpu.memory_space<hbm>>) target(%arg10 : memref<128x128xf32, #tpu.memory_space<vmem>>) offsets(%dma_start3A_20 : memref<128xi32, #tpu.memory_space<vmem>>) semaphore(%arg14 : memref<!tpu.dma_semaphore, #tpu.memory_space<semaphore_mem>>)
    %jit3A_24 = arith.constant 2 : i32
    %div3A = arith.divsi %select_n3A, %jit3A_24 : i32
    %sign3A = arith.constant 0 : i32
    %sign3A_25 = arith.cmpi sgt, %select_n3A, %sign3A : i32
    %sign3A_26 = arith.extui %sign3A_25 : i1 to i32
    %sign3A_27 = arith.constant 0 : i32
    %sign3A_28 = arith.cmpi slt, %select_n3A, %sign3A_27 : i32
    %sign3A_29 = arith.extui %sign3A_28 : i1 to i32
    %sign3A_30 = arith.subi %sign3A_26, %sign3A_29 : i32
    %sign3A_31 = arith.constant 0 : i32
    %sign3A_32 = arith.cmpi sgt, %jit3A_24, %sign3A_31 : i32
    %sign3A_33 = arith.extui %sign3A_32 : i1 to i32
    %sign3A_34 = arith.constant 0 : i32
    %sign3A_35 = arith.cmpi slt, %jit3A_24, %sign3A_34 : i32
    %sign3A_36 = arith.extui %sign3A_35 : i1 to i32
    %sign3A_37 = arith.subi %sign3A_33, %sign3A_36 : i32
    %ne3A = arith.cmpi ne, %sign3A_30, %sign3A_37 : i32
    %rem3A = arith.remsi %select_n3A, %jit3A_24 : i32
    %ne3A_38 = arith.constant 0 : i32
    %ne3A_39 = arith.cmpi ne, %rem3A, %ne3A_38 : i32
    %and3A = arith.andi %ne3A, %ne3A_39 : i1
    %sub3A = arith.constant 1 : i32
    %sub3A_40 = arith.subi %div3A, %sub3A : i32
    %select_n3A_41 = arith.select %and3A, %sub3A_40, %div3A : i32
    %while3A = arith.constant 0 : i32
    %while3A_42 = arith.constant 0 : i32
    %while3A_43 = arith.subi %select_n3A_41, %while3A_42 : i32
    %while3A_44 = arith.addi %while3A_42, %while3A_43 : i32
    %while3A_45 = arith.constant 1 : i32
    %while3A_46 = arith.divsi %while3A_43, %while3A_45 : i32
    %while3A_47 = arith.muli %while3A_46, %while3A_45 : i32
    %while3A_48 = arith.addi %while3A_42, %while3A_47 : i32
    %while3A_49 = arith.constant 1 : i32
    scf.for %while3A_51 = %while3A_42 to %while3A_48 step %while3A_49  : i32 {
      %mul3A_52 = arith.constant 2 : i32
      %mul3A_53 = arith.muli %mul3A_52, %while3A_51 : i32
      %add3A_54 = arith.constant 1 : i32
      %add3A_55 = arith.addi %mul3A_53, %add3A_54 : i32
      %mul3A_56 = arith.constant 128 : i32
      %mul3A_57 = arith.muli %mul3A_53, %mul3A_56 : i32
      %add3A_58 = arith.addi %mul3A_10, %mul3A_57 : i32
      %mul3A_59 = arith.constant 128 : i32
      %mul3A_60 = arith.muli %add3A_55, %mul3A_59 : i32
      %add3A_61 = arith.addi %mul3A_10, %mul3A_60 : i32
      %dma_start3A_62 = arith.constant 0 : i32
      %dma_start3A_63 = tpu.memref_slice %arg7[%add3A_55, %dma_start3A_62] : memref<64x128xi32, #tpu.memory_space<vmem>> -> memref<1x128xi32, #tpu.memory_space<vmem>>
      %dma_start3A_64 = tpu.memref_squeeze %dma_start3A_63 : memref<1x128xi32, #tpu.memory_space<vmem>> -> memref<128xi32, #tpu.memory_space<vmem>>
      %dma_start3A_65 = arith.constant 0 : i32
      %dma_start3A_66 = arith.constant 0 : i32
      %dma_start3A_67 = tpu.memref_slice %arg2[%dma_start3A_65, %dma_start3A_66] : memref<10000x128xf32, #tpu.memory_space<hbm>> -> memref<10000x128xf32, #tpu.memory_space<hbm>>
      tpu.enqueue_indirect_dma source(%dma_start3A_67 : memref<10000x128xf32, #tpu.memory_space<hbm>>) target(%arg11 : memref<128x128xf32, #tpu.memory_space<vmem>>) offsets(%dma_start3A_64 : memref<128xi32, #tpu.memory_space<vmem>>) semaphore(%arg15 : memref<!tpu.dma_semaphore, #tpu.memory_space<semaphore_mem>>)
      %dma_start3A_68 = arith.constant 0 : i32
      %dma_start3A_69 = tpu.memref_slice %arg8[%add3A_55, %dma_start3A_68] : memref<64x128xi32, #tpu.memory_space<vmem>> -> memref<1x128xi32, #tpu.memory_space<vmem>>
      %dma_start3A_70 = tpu.memref_squeeze %dma_start3A_69 : memref<1x128xi32, #tpu.memory_space<vmem>> -> memref<128xi32, #tpu.memory_space<vmem>>
      %dma_start3A_71 = arith.constant 0 : i32
      %dma_start3A_72 = arith.constant 0 : i32
      %dma_start3A_73 = tpu.memref_slice %arg2[%dma_start3A_71, %dma_start3A_72] : memref<10000x128xf32, #tpu.memory_space<hbm>> -> memref<10000x128xf32, #tpu.memory_space<hbm>>
      tpu.enqueue_indirect_dma source(%dma_start3A_73 : memref<10000x128xf32, #tpu.memory_space<hbm>>) target(%arg12 : memref<128x128xf32, #tpu.memory_space<vmem>>) offsets(%dma_start3A_70 : memref<128xi32, #tpu.memory_space<vmem>>) semaphore(%arg16 : memref<!tpu.dma_semaphore, #tpu.memory_space<semaphore_mem>>)
      %dma_wait3A = arith.constant 0 : i32
      %dma_wait3A_74 = tpu.memref_slice %arg7[%mul3A_53, %dma_wait3A] : memref<64x128xi32, #tpu.memory_space<vmem>> -> memref<1x128xi32, #tpu.memory_space<vmem>>
      %dma_wait3A_75 = tpu.memref_squeeze %dma_wait3A_74 : memref<1x128xi32, #tpu.memory_space<vmem>> -> memref<128xi32, #tpu.memory_space<vmem>>
      %dma_wait3A_76 = arith.constant 0 : i32
      %dma_wait3A_77 = arith.constant 0 : i32
      %dma_wait3A_78 = tpu.memref_slice %arg2[%dma_wait3A_76, %dma_wait3A_77] : memref<10000x128xf32, #tpu.memory_space<hbm>> -> memref<10000x128xf32, #tpu.memory_space<hbm>>
      tpu.wait_indirect_dma semaphore(%arg13 : memref<!tpu.dma_semaphore, #tpu.memory_space<semaphore_mem>>) src(%dma_wait3A_78 : memref<10000x128xf32, #tpu.memory_space<hbm>>) dst(%arg9 : memref<128x128xf32, #tpu.memory_space<vmem>>)
      "tpu.region"() ({
        %run_scoped3A = tpu.sem_alloc : memref<!tpu.dma_semaphore, #tpu.memory_space<semaphore_mem>>
        %dma_start3A_100 = arith.constant 0 : i32
        %dma_start3A_101 = tpu.memref_slice %arg5[%add3A_58, %dma_start3A_100] : memref<163840x128xf32, #tpu.memory_space<hbm>> -> memref<128x128xf32, #tpu.memory_space<hbm>>
        %dma_start3A_102 = arith.constant 0 : i32
        %dma_start3A_103 = tpu.memref_slice %arg5[%add3A_58, %dma_start3A_102] : memref<163840x128xf32, #tpu.memory_space<hbm>> -> memref<128x128xf32, #tpu.memory_space<hbm>>
        tpu.enqueue_dma source(%arg9 : memref<128x128xf32, #tpu.memory_space<vmem>>) target(%dma_start3A_103 : memref<128x128xf32, #tpu.memory_space<hbm>>) target_semaphore(%run_scoped3A : memref<!tpu.dma_semaphore, #tpu.memory_space<semaphore_mem>>)
        %dma_wait3A_104 = arith.constant 0 : i32
        %dma_wait3A_105 = tpu.memref_slice %arg5[%add3A_58, %dma_wait3A_104] : memref<163840x128xf32, #tpu.memory_space<hbm>> -> memref<128x128xf32, #tpu.memory_space<hbm>>
        %dma_wait3A_106 = arith.constant 0 : i32
        %dma_wait3A_107 = tpu.memref_slice %arg5[%add3A_58, %dma_wait3A_106] : memref<163840x128xf32, #tpu.memory_space<hbm>> -> memref<128x128xf32, #tpu.memory_space<hbm>>
        tpu.wait_dma2 semaphore(%run_scoped3A : memref<!tpu.dma_semaphore, #tpu.memory_space<semaphore_mem>>) src(%arg9 : memref<128x128xf32, #tpu.memory_space<vmem>>) dst(%dma_wait3A_107 : memref<128x128xf32, #tpu.memory_space<hbm>>)
        tpu.yield
      }) : () -> ()
      %dma_wait3A_79 = arith.constant 0 : i32
      %dma_wait3A_80 = tpu.memref_slice %arg8[%mul3A_53, %dma_wait3A_79] : memref<64x128xi32, #tpu.memory_space<vmem>> -> memref<1x128xi32, #tpu.memory_space<vmem>>
      %dma_wait3A_81 = tpu.memref_squeeze %dma_wait3A_80 : memref<1x128xi32, #tpu.memory_space<vmem>> -> memref<128xi32, #tpu.memory_space<vmem>>
      %dma_wait3A_82 = arith.constant 0 : i32
      %dma_wait3A_83 = arith.constant 0 : i32
      %dma_wait3A_84 = tpu.memref_slice %arg2[%dma_wait3A_82, %dma_wait3A_83] : memref<10000x128xf32, #tpu.memory_space<hbm>> -> memref<10000x128xf32, #tpu.memory_space<hbm>>
      tpu.wait_indirect_dma semaphore(%arg14 : memref<!tpu.dma_semaphore, #tpu.memory_space<semaphore_mem>>) src(%dma_wait3A_84 : memref<10000x128xf32, #tpu.memory_space<hbm>>) dst(%arg10 : memref<128x128xf32, #tpu.memory_space<vmem>>)
      "tpu.region"() ({
        %run_scoped3A = tpu.sem_alloc : memref<!tpu.dma_semaphore, #tpu.memory_space<semaphore_mem>>
        %dma_start3A_100 = arith.constant 0 : i32
        %dma_start3A_101 = tpu.memref_slice %arg6[%add3A_58, %dma_start3A_100] : memref<163840x128xf32, #tpu.memory_space<hbm>> -> memref<128x128xf32, #tpu.memory_space<hbm>>
        %dma_start3A_102 = arith.constant 0 : i32
        %dma_start3A_103 = tpu.memref_slice %arg6[%add3A_58, %dma_start3A_102] : memref<163840x128xf32, #tpu.memory_space<hbm>> -> memref<128x128xf32, #tpu.memory_space<hbm>>
        tpu.enqueue_dma source(%arg10 : memref<128x128xf32, #tpu.memory_space<vmem>>) target(%dma_start3A_103 : memref<128x128xf32, #tpu.memory_space<hbm>>) target_semaphore(%run_scoped3A : memref<!tpu.dma_semaphore, #tpu.memory_space<semaphore_mem>>)
        %dma_wait3A_104 = arith.constant 0 : i32
        %dma_wait3A_105 = tpu.memref_slice %arg6[%add3A_58, %dma_wait3A_104] : memref<163840x128xf32, #tpu.memory_space<hbm>> -> memref<128x128xf32, #tpu.memory_space<hbm>>
        %dma_wait3A_106 = arith.constant 0 : i32
        %dma_wait3A_107 = tpu.memref_slice %arg6[%add3A_58, %dma_wait3A_106] : memref<163840x128xf32, #tpu.memory_space<hbm>> -> memref<128x128xf32, #tpu.memory_space<hbm>>
        tpu.wait_dma2 semaphore(%run_scoped3A : memref<!tpu.dma_semaphore, #tpu.memory_space<semaphore_mem>>) src(%arg10 : memref<128x128xf32, #tpu.memory_space<vmem>>) dst(%dma_wait3A_107 : memref<128x128xf32, #tpu.memory_space<hbm>>)
        tpu.yield
      }) : () -> ()
      %add3A_85 = arith.constant 2 : i32
      %add3A_86 = arith.addi %mul3A_53, %add3A_85 : i32
      %lt3A = arith.cmpi slt, %add3A_86, %select_n3A : i32
      %convert_element_type3A = arith.extui %lt3A : i1 to i32
      %cond3A = arith.constant 0 : i32
      %cond3A_87 = arith.cmpi ne, %convert_element_type3A, %cond3A : i32
      scf.if %cond3A_87 {
        %add3A_100 = arith.constant 2 : i32
        %add3A_101 = arith.addi %mul3A_53, %add3A_100 : i32
        %dma_start3A_102 = arith.constant 0 : i32
        %dma_start3A_103 = tpu.memref_slice %arg7[%add3A_101, %dma_start3A_102] : memref<64x128xi32, #tpu.memory_space<vmem>> -> memref<1x128xi32, #tpu.memory_space<vmem>>
        %dma_start3A_104 = tpu.memref_squeeze %dma_start3A_103 : memref<1x128xi32, #tpu.memory_space<vmem>> -> memref<128xi32, #tpu.memory_space<vmem>>
        %dma_start3A_105 = arith.constant 0 : i32
        %dma_start3A_106 = arith.constant 0 : i32
        %dma_start3A_107 = tpu.memref_slice %arg2[%dma_start3A_105, %dma_start3A_106] : memref<10000x128xf32, #tpu.memory_space<hbm>> -> memref<10000x128xf32, #tpu.memory_space<hbm>>
        tpu.enqueue_indirect_dma source(%dma_start3A_107 : memref<10000x128xf32, #tpu.memory_space<hbm>>) target(%arg9 : memref<128x128xf32, #tpu.memory_space<vmem>>) offsets(%dma_start3A_104 : memref<128xi32, #tpu.memory_space<vmem>>) semaphore(%arg13 : memref<!tpu.dma_semaphore, #tpu.memory_space<semaphore_mem>>)
        %add3A_108 = arith.constant 2 : i32
        %add3A_109 = arith.addi %mul3A_53, %add3A_108 : i32
        %dma_start3A_110 = arith.constant 0 : i32
        %dma_start3A_111 = tpu.memref_slice %arg8[%add3A_109, %dma_start3A_110] : memref<64x128xi32, #tpu.memory_space<vmem>> -> memref<1x128xi32, #tpu.memory_space<vmem>>
        %dma_start3A_112 = tpu.memref_squeeze %dma_start3A_111 : memref<1x128xi32, #tpu.memory_space<vmem>> -> memref<128xi32, #tpu.memory_space<vmem>>
        %dma_start3A_113 = arith.constant 0 : i32
        %dma_start3A_114 = arith.constant 0 : i32
        %dma_start3A_115 = tpu.memref_slice %arg2[%dma_start3A_113, %dma_start3A_114] : memref<10000x128xf32, #tpu.memory_space<hbm>> -> memref<10000x128xf32, #tpu.memory_space<hbm>>
        tpu.enqueue_indirect_dma source(%dma_start3A_115 : memref<10000x128xf32, #tpu.memory_space<hbm>>) target(%arg10 : memref<128x128xf32, #tpu.memory_space<vmem>>) offsets(%dma_start3A_112 : memref<128xi32, #tpu.memory_space<vmem>>) semaphore(%arg14 : memref<!tpu.dma_semaphore, #tpu.memory_space<semaphore_mem>>)
      } else {
      }
      %dma_wait3A_88 = arith.constant 0 : i32
      %dma_wait3A_89 = tpu.memref_slice %arg7[%add3A_55, %dma_wait3A_88] : memref<64x128xi32, #tpu.memory_space<vmem>> -> memref<1x128xi32, #tpu.memory_space<vmem>>
      %dma_wait3A_90 = tpu.memref_squeeze %dma_wait3A_89 : memref<1x128xi32, #tpu.memory_space<vmem>> -> memref<128xi32, #tpu.memory_space<vmem>>
      %dma_wait3A_91 = arith.constant 0 : i32
      %dma_wait3A_92 = arith.constant 0 : i32
      %dma_wait3A_93 = tpu.memref_slice %arg2[%dma_wait3A_91, %dma_wait3A_92] : memref<10000x128xf32, #tpu.memory_space<hbm>> -> memref<10000x128xf32, #tpu.memory_space<hbm>>
      tpu.wait_indirect_dma semaphore(%arg15 : memref<!tpu.dma_semaphore, #tpu.memory_space<semaphore_mem>>) src(%dma_wait3A_93 : memref<10000x128xf32, #tpu.memory_space<hbm>>) dst(%arg11 : memref<128x128xf32, #tpu.memory_space<vmem>>)
      "tpu.region"() ({
        %run_scoped3A = tpu.sem_alloc : memref<!tpu.dma_semaphore, #tpu.memory_space<semaphore_mem>>
        %dma_start3A_100 = arith.constant 0 : i32
        %dma_start3A_101 = tpu.memref_slice %arg5[%add3A_61, %dma_start3A_100] : memref<163840x128xf32, #tpu.memory_space<hbm>> -> memref<128x128xf32, #tpu.memory_space<hbm>>
        %dma_start3A_102 = arith.constant 0 : i32
        %dma_start3A_103 = tpu.memref_slice %arg5[%add3A_61, %dma_start3A_102] : memref<163840x128xf32, #tpu.memory_space<hbm>> -> memref<128x128xf32, #tpu.memory_space<hbm>>
        tpu.enqueue_dma source(%arg11 : memref<128x128xf32, #tpu.memory_space<vmem>>) target(%dma_start3A_103 : memref<128x128xf32, #tpu.memory_space<hbm>>) target_semaphore(%run_scoped3A : memref<!tpu.dma_semaphore, #tpu.memory_space<semaphore_mem>>)
        %dma_wait3A_104 = arith.constant 0 : i32
        %dma_wait3A_105 = tpu.memref_slice %arg5[%add3A_61, %dma_wait3A_104] : memref<163840x128xf32, #tpu.memory_space<hbm>> -> memref<128x128xf32, #tpu.memory_space<hbm>>
        %dma_wait3A_106 = arith.constant 0 : i32
        %dma_wait3A_107 = tpu.memref_slice %arg5[%add3A_61, %dma_wait3A_106] : memref<163840x128xf32, #tpu.memory_space<hbm>> -> memref<128x128xf32, #tpu.memory_space<hbm>>
        tpu.wait_dma2 semaphore(%run_scoped3A : memref<!tpu.dma_semaphore, #tpu.memory_space<semaphore_mem>>) src(%arg11 : memref<128x128xf32, #tpu.memory_space<vmem>>) dst(%dma_wait3A_107 : memref<128x128xf32, #tpu.memory_space<hbm>>)
        tpu.yield
      }) : () -> ()
      %dma_wait3A_94 = arith.constant 0 : i32
      %dma_wait3A_95 = tpu.memref_slice %arg8[%add3A_55, %dma_wait3A_94] : memref<64x128xi32, #tpu.memory_space<vmem>> -> memref<1x128xi32, #tpu.memory_space<vmem>>
      %dma_wait3A_96 = tpu.memref_squeeze %dma_wait3A_95 : memref<1x128xi32, #tpu.memory_space<vmem>> -> memref<128xi32, #tpu.memory_space<vmem>>
      %dma_wait3A_97 = arith.constant 0 : i32
      %dma_wait3A_98 = arith.constant 0 : i32
      %dma_wait3A_99 = tpu.memref_slice %arg2[%dma_wait3A_97, %dma_wait3A_98] : memref<10000x128xf32, #tpu.memory_space<hbm>> -> memref<10000x128xf32, #tpu.memory_space<hbm>>
      tpu.wait_indirect_dma semaphore(%arg16 : memref<!tpu.dma_semaphore, #tpu.memory_space<semaphore_mem>>) src(%dma_wait3A_99 : memref<10000x128xf32, #tpu.memory_space<hbm>>) dst(%arg12 : memref<128x128xf32, #tpu.memory_space<vmem>>)
      "tpu.region"() ({
        %run_scoped3A = tpu.sem_alloc : memref<!tpu.dma_semaphore, #tpu.memory_space<semaphore_mem>>
        %dma_start3A_100 = arith.constant 0 : i32
        %dma_start3A_101 = tpu.memref_slice %arg6[%add3A_61, %dma_start3A_100] : memref<163840x128xf32, #tpu.memory_space<hbm>> -> memref<128x128xf32, #tpu.memory_space<hbm>>
        %dma_start3A_102 = arith.constant 0 : i32
        %dma_start3A_103 = tpu.memref_slice %arg6[%add3A_61, %dma_start3A_102] : memref<163840x128xf32, #tpu.memory_space<hbm>> -> memref<128x128xf32, #tpu.memory_space<hbm>>
        tpu.enqueue_dma source(%arg12 : memref<128x128xf32, #tpu.memory_space<vmem>>) target(%dma_start3A_103 : memref<128x128xf32, #tpu.memory_space<hbm>>) target_semaphore(%run_scoped3A : memref<!tpu.dma_semaphore, #tpu.memory_space<semaphore_mem>>)
        %dma_wait3A_104 = arith.constant 0 : i32
        %dma_wait3A_105 = tpu.memref_slice %arg6[%add3A_61, %dma_wait3A_104] : memref<163840x128xf32, #tpu.memory_space<hbm>> -> memref<128x128xf32, #tpu.memory_space<hbm>>
        %dma_wait3A_106 = arith.constant 0 : i32
        %dma_wait3A_107 = tpu.memref_slice %arg6[%add3A_61, %dma_wait3A_106] : memref<163840x128xf32, #tpu.memory_space<hbm>> -> memref<128x128xf32, #tpu.memory_space<hbm>>
        tpu.wait_dma2 semaphore(%run_scoped3A : memref<!tpu.dma_semaphore, #tpu.memory_space<semaphore_mem>>) src(%arg12 : memref<128x128xf32, #tpu.memory_space<vmem>>) dst(%dma_wait3A_107 : memref<128x128xf32, #tpu.memory_space<hbm>>)
        tpu.yield
      }) : () -> ()
    }
    %while3A_50 = arith.constant 1 : i32
    scf.for %while3A_51 = %while3A_48 to %while3A_44 step %while3A_50  : i32 {
      %mul3A_52 = arith.constant 2 : i32
      %mul3A_53 = arith.muli %mul3A_52, %while3A_51 : i32
      %add3A_54 = arith.constant 1 : i32
      %add3A_55 = arith.addi %mul3A_53, %add3A_54 : i32
      %mul3A_56 = arith.constant 128 : i32
      %mul3A_57 = arith.muli %mul3A_53, %mul3A_56 : i32
      %add3A_58 = arith.addi %mul3A_10, %mul3A_57 : i32
      %mul3A_59 = arith.constant 128 : i32
      %mul3A_60 = arith.muli %add3A_55, %mul3A_59 : i32
      %add3A_61 = arith.addi %mul3A_10, %mul3A_60 : i32
      %dma_start3A_62 = arith.constant 0 : i32
      %dma_start3A_63 = tpu.memref_slice %arg7[%add3A_55, %dma_start3A_62] : memref<64x128xi32, #tpu.memory_space<vmem>> -> memref<1x128xi32, #tpu.memory_space<vmem>>
      %dma_start3A_64 = tpu.memref_squeeze %dma_start3A_63 : memref<1x128xi32, #tpu.memory_space<vmem>> -> memref<128xi32, #tpu.memory_space<vmem>>
      %dma_start3A_65 = arith.constant 0 : i32
      %dma_start3A_66 = arith.constant 0 : i32
      %dma_start3A_67 = tpu.memref_slice %arg2[%dma_start3A_65, %dma_start3A_66] : memref<10000x128xf32, #tpu.memory_space<hbm>> -> memref<10000x128xf32, #tpu.memory_space<hbm>>
      tpu.enqueue_indirect_dma source(%dma_start3A_67 : memref<10000x128xf32, #tpu.memory_space<hbm>>) target(%arg11 : memref<128x128xf32, #tpu.memory_space<vmem>>) offsets(%dma_start3A_64 : memref<128xi32, #tpu.memory_space<vmem>>) semaphore(%arg15 : memref<!tpu.dma_semaphore, #tpu.memory_space<semaphore_mem>>)
      %dma_start3A_68 = arith.constant 0 : i32
      %dma_start3A_69 = tpu.memref_slice %arg8[%add3A_55, %dma_start3A_68] : memref<64x128xi32, #tpu.memory_space<vmem>> -> memref<1x128xi32, #tpu.memory_space<vmem>>
      %dma_start3A_70 = tpu.memref_squeeze %dma_start3A_69 : memref<1x128xi32, #tpu.memory_space<vmem>> -> memref<128xi32, #tpu.memory_space<vmem>>
      %dma_start3A_71 = arith.constant 0 : i32
      %dma_start3A_72 = arith.constant 0 : i32
      %dma_start3A_73 = tpu.memref_slice %arg2[%dma_start3A_71, %dma_start3A_72] : memref<10000x128xf32, #tpu.memory_space<hbm>> -> memref<10000x128xf32, #tpu.memory_space<hbm>>
      tpu.enqueue_indirect_dma source(%dma_start3A_73 : memref<10000x128xf32, #tpu.memory_space<hbm>>) target(%arg12 : memref<128x128xf32, #tpu.memory_space<vmem>>) offsets(%dma_start3A_70 : memref<128xi32, #tpu.memory_space<vmem>>) semaphore(%arg16 : memref<!tpu.dma_semaphore, #tpu.memory_space<semaphore_mem>>)
      %dma_wait3A = arith.constant 0 : i32
      %dma_wait3A_74 = tpu.memref_slice %arg7[%mul3A_53, %dma_wait3A] : memref<64x128xi32, #tpu.memory_space<vmem>> -> memref<1x128xi32, #tpu.memory_space<vmem>>
      %dma_wait3A_75 = tpu.memref_squeeze %dma_wait3A_74 : memref<1x128xi32, #tpu.memory_space<vmem>> -> memref<128xi32, #tpu.memory_space<vmem>>
      %dma_wait3A_76 = arith.constant 0 : i32
      %dma_wait3A_77 = arith.constant 0 : i32
      %dma_wait3A_78 = tpu.memref_slice %arg2[%dma_wait3A_76, %dma_wait3A_77] : memref<10000x128xf32, #tpu.memory_space<hbm>> -> memref<10000x128xf32, #tpu.memory_space<hbm>>
      tpu.wait_indirect_dma semaphore(%arg13 : memref<!tpu.dma_semaphore, #tpu.memory_space<semaphore_mem>>) src(%dma_wait3A_78 : memref<10000x128xf32, #tpu.memory_space<hbm>>) dst(%arg9 : memref<128x128xf32, #tpu.memory_space<vmem>>)
      "tpu.region"() ({
        %run_scoped3A = tpu.sem_alloc : memref<!tpu.dma_semaphore, #tpu.memory_space<semaphore_mem>>
        %dma_start3A_100 = arith.constant 0 : i32
        %dma_start3A_101 = tpu.memref_slice %arg5[%add3A_58, %dma_start3A_100] : memref<163840x128xf32, #tpu.memory_space<hbm>> -> memref<128x128xf32, #tpu.memory_space<hbm>>
        %dma_start3A_102 = arith.constant 0 : i32
        %dma_start3A_103 = tpu.memref_slice %arg5[%add3A_58, %dma_start3A_102] : memref<163840x128xf32, #tpu.memory_space<hbm>> -> memref<128x128xf32, #tpu.memory_space<hbm>>
        tpu.enqueue_dma source(%arg9 : memref<128x128xf32, #tpu.memory_space<vmem>>) target(%dma_start3A_103 : memref<128x128xf32, #tpu.memory_space<hbm>>) target_semaphore(%run_scoped3A : memref<!tpu.dma_semaphore, #tpu.memory_space<semaphore_mem>>)
        %dma_wait3A_104 = arith.constant 0 : i32
        %dma_wait3A_105 = tpu.memref_slice %arg5[%add3A_58, %dma_wait3A_104] : memref<163840x128xf32, #tpu.memory_space<hbm>> -> memref<128x128xf32, #tpu.memory_space<hbm>>
        %dma_wait3A_106 = arith.constant 0 : i32
        %dma_wait3A_107 = tpu.memref_slice %arg5[%add3A_58, %dma_wait3A_106] : memref<163840x128xf32, #tpu.memory_space<hbm>> -> memref<128x128xf32, #tpu.memory_space<hbm>>
        tpu.wait_dma2 semaphore(%run_scoped3A : memref<!tpu.dma_semaphore, #tpu.memory_space<semaphore_mem>>) src(%arg9 : memref<128x128xf32, #tpu.memory_space<vmem>>) dst(%dma_wait3A_107 : memref<128x128xf32, #tpu.memory_space<hbm>>)
        tpu.yield
      }) : () -> ()
      %dma_wait3A_79 = arith.constant 0 : i32
      %dma_wait3A_80 = tpu.memref_slice %arg8[%mul3A_53, %dma_wait3A_79] : memref<64x128xi32, #tpu.memory_space<vmem>> -> memref<1x128xi32, #tpu.memory_space<vmem>>
      %dma_wait3A_81 = tpu.memref_squeeze %dma_wait3A_80 : memref<1x128xi32, #tpu.memory_space<vmem>> -> memref<128xi32, #tpu.memory_space<vmem>>
      %dma_wait3A_82 = arith.constant 0 : i32
      %dma_wait3A_83 = arith.constant 0 : i32
      %dma_wait3A_84 = tpu.memref_slice %arg2[%dma_wait3A_82, %dma_wait3A_83] : memref<10000x128xf32, #tpu.memory_space<hbm>> -> memref<10000x128xf32, #tpu.memory_space<hbm>>
      tpu.wait_indirect_dma semaphore(%arg14 : memref<!tpu.dma_semaphore, #tpu.memory_space<semaphore_mem>>) src(%dma_wait3A_84 : memref<10000x128xf32, #tpu.memory_space<hbm>>) dst(%arg10 : memref<128x128xf32, #tpu.memory_space<vmem>>)
      "tpu.region"() ({
        %run_scoped3A = tpu.sem_alloc : memref<!tpu.dma_semaphore, #tpu.memory_space<semaphore_mem>>
        %dma_start3A_100 = arith.constant 0 : i32
        %dma_start3A_101 = tpu.memref_slice %arg6[%add3A_58, %dma_start3A_100] : memref<163840x128xf32, #tpu.memory_space<hbm>> -> memref<128x128xf32, #tpu.memory_space<hbm>>
        %dma_start3A_102 = arith.constant 0 : i32
        %dma_start3A_103 = tpu.memref_slice %arg6[%add3A_58, %dma_start3A_102] : memref<163840x128xf32, #tpu.memory_space<hbm>> -> memref<128x128xf32, #tpu.memory_space<hbm>>
        tpu.enqueue_dma source(%arg10 : memref<128x128xf32, #tpu.memory_space<vmem>>) target(%dma_start3A_103 : memref<128x128xf32, #tpu.memory_space<hbm>>) target_semaphore(%run_scoped3A : memref<!tpu.dma_semaphore, #tpu.memory_space<semaphore_mem>>)
        %dma_wait3A_104 = arith.constant 0 : i32
        %dma_wait3A_105 = tpu.memref_slice %arg6[%add3A_58, %dma_wait3A_104] : memref<163840x128xf32, #tpu.memory_space<hbm>> -> memref<128x128xf32, #tpu.memory_space<hbm>>
        %dma_wait3A_106 = arith.constant 0 : i32
        %dma_wait3A_107 = tpu.memref_slice %arg6[%add3A_58, %dma_wait3A_106] : memref<163840x128xf32, #tpu.memory_space<hbm>> -> memref<128x128xf32, #tpu.memory_space<hbm>>
        tpu.wait_dma2 semaphore(%run_scoped3A : memref<!tpu.dma_semaphore, #tpu.memory_space<semaphore_mem>>) src(%arg10 : memref<128x128xf32, #tpu.memory_space<vmem>>) dst(%dma_wait3A_107 : memref<128x128xf32, #tpu.memory_space<hbm>>)
        tpu.yield
      }) : () -> ()
      %add3A_85 = arith.constant 2 : i32
      %add3A_86 = arith.addi %mul3A_53, %add3A_85 : i32
      %lt3A = arith.cmpi slt, %add3A_86, %select_n3A : i32
      %convert_element_type3A = arith.extui %lt3A : i1 to i32
      %cond3A = arith.constant 0 : i32
      %cond3A_87 = arith.cmpi ne, %convert_element_type3A, %cond3A : i32
      scf.if %cond3A_87 {
        %add3A_100 = arith.constant 2 : i32
        %add3A_101 = arith.addi %mul3A_53, %add3A_100 : i32
        %dma_start3A_102 = arith.constant 0 : i32
        %dma_start3A_103 = tpu.memref_slice %arg7[%add3A_101, %dma_start3A_102] : memref<64x128xi32, #tpu.memory_space<vmem>> -> memref<1x128xi32, #tpu.memory_space<vmem>>
        %dma_start3A_104 = tpu.memref_squeeze %dma_start3A_103 : memref<1x128xi32, #tpu.memory_space<vmem>> -> memref<128xi32, #tpu.memory_space<vmem>>
        %dma_start3A_105 = arith.constant 0 : i32
        %dma_start3A_106 = arith.constant 0 : i32
        %dma_start3A_107 = tpu.memref_slice %arg2[%dma_start3A_105, %dma_start3A_106] : memref<10000x128xf32, #tpu.memory_space<hbm>> -> memref<10000x128xf32, #tpu.memory_space<hbm>>
        tpu.enqueue_indirect_dma source(%dma_start3A_107 : memref<10000x128xf32, #tpu.memory_space<hbm>>) target(%arg9 : memref<128x128xf32, #tpu.memory_space<vmem>>) offsets(%dma_start3A_104 : memref<128xi32, #tpu.memory_space<vmem>>) semaphore(%arg13 : memref<!tpu.dma_semaphore, #tpu.memory_space<semaphore_mem>>)
        %add3A_108 = arith.constant 2 : i32
        %add3A_109 = arith.addi %mul3A_53, %add3A_108 : i32
        %dma_start3A_110 = arith.constant 0 : i32
        %dma_start3A_111 = tpu.memref_slice %arg8[%add3A_109, %dma_start3A_110] : memref<64x128xi32, #tpu.memory_space<vmem>> -> memref<1x128xi32, #tpu.memory_space<vmem>>
        %dma_start3A_112 = tpu.memref_squeeze %dma_start3A_111 : memref<1x128xi32, #tpu.memory_space<vmem>> -> memref<128xi32, #tpu.memory_space<vmem>>
        %dma_start3A_113 = arith.constant 0 : i32
        %dma_start3A_114 = arith.constant 0 : i32
        %dma_start3A_115 = tpu.memref_slice %arg2[%dma_start3A_113, %dma_start3A_114] : memref<10000x128xf32, #tpu.memory_space<hbm>> -> memref<10000x128xf32, #tpu.memory_space<hbm>>
        tpu.enqueue_indirect_dma source(%dma_start3A_115 : memref<10000x128xf32, #tpu.memory_space<hbm>>) target(%arg10 : memref<128x128xf32, #tpu.memory_space<vmem>>) offsets(%dma_start3A_112 : memref<128xi32, #tpu.memory_space<vmem>>) semaphore(%arg14 : memref<!tpu.dma_semaphore, #tpu.memory_space<semaphore_mem>>)
      } else {
      }
      %dma_wait3A_88 = arith.constant 0 : i32
      %dma_wait3A_89 = tpu.memref_slice %arg7[%add3A_55, %dma_wait3A_88] : memref<64x128xi32, #tpu.memory_space<vmem>> -> memref<1x128xi32, #tpu.memory_space<vmem>>
      %dma_wait3A_90 = tpu.memref_squeeze %dma_wait3A_89 : memref<1x128xi32, #tpu.memory_space<vmem>> -> memref<128xi32, #tpu.memory_space<vmem>>
      %dma_wait3A_91 = arith.constant 0 : i32
      %dma_wait3A_92 = arith.constant 0 : i32
      %dma_wait3A_93 = tpu.memref_slice %arg2[%dma_wait3A_91, %dma_wait3A_92] : memref<10000x128xf32, #tpu.memory_space<hbm>> -> memref<10000x128xf32, #tpu.memory_space<hbm>>
      tpu.wait_indirect_dma semaphore(%arg15 : memref<!tpu.dma_semaphore, #tpu.memory_space<semaphore_mem>>) src(%dma_wait3A_93 : memref<10000x128xf32, #tpu.memory_space<hbm>>) dst(%arg11 : memref<128x128xf32, #tpu.memory_space<vmem>>)
      "tpu.region"() ({
        %run_scoped3A = tpu.sem_alloc : memref<!tpu.dma_semaphore, #tpu.memory_space<semaphore_mem>>
        %dma_start3A_100 = arith.constant 0 : i32
        %dma_start3A_101 = tpu.memref_slice %arg5[%add3A_61, %dma_start3A_100] : memref<163840x128xf32, #tpu.memory_space<hbm>> -> memref<128x128xf32, #tpu.memory_space<hbm>>
        %dma_start3A_102 = arith.constant 0 : i32
        %dma_start3A_103 = tpu.memref_slice %arg5[%add3A_61, %dma_start3A_102] : memref<163840x128xf32, #tpu.memory_space<hbm>> -> memref<128x128xf32, #tpu.memory_space<hbm>>
        tpu.enqueue_dma source(%arg11 : memref<128x128xf32, #tpu.memory_space<vmem>>) target(%dma_start3A_103 : memref<128x128xf32, #tpu.memory_space<hbm>>) target_semaphore(%run_scoped3A : memref<!tpu.dma_semaphore, #tpu.memory_space<semaphore_mem>>)
        %dma_wait3A_104 = arith.constant 0 : i32
        %dma_wait3A_105 = tpu.memref_slice %arg5[%add3A_61, %dma_wait3A_104] : memref<163840x128xf32, #tpu.memory_space<hbm>> -> memref<128x128xf32, #tpu.memory_space<hbm>>
        %dma_wait3A_106 = arith.constant 0 : i32
        %dma_wait3A_107 = tpu.memref_slice %arg5[%add3A_61, %dma_wait3A_106] : memref<163840x128xf32, #tpu.memory_space<hbm>> -> memref<128x128xf32, #tpu.memory_space<hbm>>
        tpu.wait_dma2 semaphore(%run_scoped3A : memref<!tpu.dma_semaphore, #tpu.memory_space<semaphore_mem>>) src(%arg11 : memref<128x128xf32, #tpu.memory_space<vmem>>) dst(%dma_wait3A_107 : memref<128x128xf32, #tpu.memory_space<hbm>>)
        tpu.yield
      }) : () -> ()
      %dma_wait3A_94 = arith.constant 0 : i32
      %dma_wait3A_95 = tpu.memref_slice %arg8[%add3A_55, %dma_wait3A_94] : memref<64x128xi32, #tpu.memory_space<vmem>> -> memref<1x128xi32, #tpu.memory_space<vmem>>
      %dma_wait3A_96 = tpu.memref_squeeze %dma_wait3A_95 : memref<1x128xi32, #tpu.memory_space<vmem>> -> memref<128xi32, #tpu.memory_space<vmem>>
      %dma_wait3A_97 = arith.constant 0 : i32
      %dma_wait3A_98 = arith.constant 0 : i32
      %dma_wait3A_99 = tpu.memref_slice %arg2[%dma_wait3A_97, %dma_wait3A_98] : memref<10000x128xf32, #tpu.memory_space<hbm>> -> memref<10000x128xf32, #tpu.memory_space<hbm>>
      tpu.wait_indirect_dma semaphore(%arg16 : memref<!tpu.dma_semaphore, #tpu.memory_space<semaphore_mem>>) src(%dma_wait3A_99 : memref<10000x128xf32, #tpu.memory_space<hbm>>) dst(%arg12 : memref<128x128xf32, #tpu.memory_space<vmem>>)
      "tpu.region"() ({
        %run_scoped3A = tpu.sem_alloc : memref<!tpu.dma_semaphore, #tpu.memory_space<semaphore_mem>>
        %dma_start3A_100 = arith.constant 0 : i32
        %dma_start3A_101 = tpu.memref_slice %arg6[%add3A_61, %dma_start3A_100] : memref<163840x128xf32, #tpu.memory_space<hbm>> -> memref<128x128xf32, #tpu.memory_space<hbm>>
        %dma_start3A_102 = arith.constant 0 : i32
        %dma_start3A_103 = tpu.memref_slice %arg6[%add3A_61, %dma_start3A_102] : memref<163840x128xf32, #tpu.memory_space<hbm>> -> memref<128x128xf32, #tpu.memory_space<hbm>>
        tpu.enqueue_dma source(%arg12 : memref<128x128xf32, #tpu.memory_space<vmem>>) target(%dma_start3A_103 : memref<128x128xf32, #tpu.memory_space<hbm>>) target_semaphore(%run_scoped3A : memref<!tpu.dma_semaphore, #tpu.memory_space<semaphore_mem>>)
        %dma_wait3A_104 = arith.constant 0 : i32
        %dma_wait3A_105 = tpu.memref_slice %arg6[%add3A_61, %dma_wait3A_104] : memref<163840x128xf32, #tpu.memory_space<hbm>> -> memref<128x128xf32, #tpu.memory_space<hbm>>
        %dma_wait3A_106 = arith.constant 0 : i32
        %dma_wait3A_107 = tpu.memref_slice %arg6[%add3A_61, %dma_wait3A_106] : memref<163840x128xf32, #tpu.memory_space<hbm>> -> memref<128x128xf32, #tpu.memory_space<hbm>>
        tpu.wait_dma2 semaphore(%run_scoped3A : memref<!tpu.dma_semaphore, #tpu.memory_space<semaphore_mem>>) src(%arg12 : memref<128x128xf32, #tpu.memory_space<vmem>>) dst(%dma_wait3A_107 : memref<128x128xf32, #tpu.memory_space<hbm>>)
        tpu.yield
      }) : () -> ()
    }
    return
  }
}

#map = affine_map<(d0, d1) -> (0, 0)>
#map1 = affine_map<(d0, d1) -> (0, 0, 0, 0)>
#map2 = affine_map<(d0, d1) -> (0, 0, 0)>
module attributes {stable_mosaic.version = 14 : i64} {
  func.func @k(%arg0: i32, %arg1: i32, %arg2: memref<10000x64xf32, #tpu.memory_space<hbm>>, %arg3: memref<2x16x64x128xi32, #tpu.memory_space<hbm>>, %arg4: memref<2x16x64x128xi32, #tpu.memory_space<hbm>>, %arg5: memref<10240x64xf32, #tpu.memory_space<hbm>>, %arg6: memref<2x10240x64xf32, #tpu.memory_space<hbm>>, %arg7: memref<64x128xi32, #tpu.memory_space<vmem>>, %arg8: memref<64x128xi32, #tpu.memory_space<vmem>>, %arg9: memref<128x64xf32, #tpu.memory_space<vmem>>, %arg10: memref<128x64xf32, #tpu.memory_space<vmem>>, %arg11: memref<!tpu.dma_semaphore, #tpu.memory_space<semaphore_mem>>, %arg12: memref<!tpu.dma_semaphore, #tpu.memory_space<semaphore_mem>>, %arg13: memref<10240x64xf32, #tpu.memory_space<vmem_shared>>) attributes {dimension_semantics = [#tpu.dimension_semantics<core_parallel>, #tpu.dimension_semantics<subcore_parallel>], iteration_bounds = array<i64: 2, 16>, scalar_prefetch = 0 : i64, scratch_operands = 7 : i64, tpu.core_type = #tpu.core_type<sc_vector_subcore>, window_params = [{transform_indices = #map}, {transform_indices = #map1}, {transform_indices = #map1}, {transform_indices = #map}, {transform_indices = #map2}]} {
    %eq3A = arith.constant 0 : i32
    %eq3A_0 = arith.cmpi eq, %arg0, %eq3A : i32
    %jit3A = arith.constant 64 : i32
    %jit3A_1 = arith.constant 16 : i32
    %select_n3A = arith.select %eq3A_0, %jit3A, %jit3A_1 : i32
    %mul3A = arith.constant 640 : i32
    %mul3A_2 = arith.muli %arg1, %mul3A : i32
    %mul3A_3 = arith.constant 640 : i32
    %mul3A_4 = arith.muli %arg1, %mul3A_3 : i32
    "tpu.region"() ({
      %run_scoped3A = tpu.sem_alloc : memref<!tpu.dma_semaphore, #tpu.memory_space<semaphore_mem>>
      %dma_start3A_43 = arith.constant 0 : i32
      %dma_start3A_44 = tpu.memref_slice %arg13[%mul3A_4, %dma_start3A_43] : memref<10240x64xf32, #tpu.memory_space<vmem_shared>> -> memref<640x64xf32, #tpu.memory_space<vmem_shared>>
      %dma_start3A_45 = arith.constant 0 : i32
      %dma_start3A_46 = tpu.memref_slice %arg5[%mul3A_2, %dma_start3A_45] : memref<10240x64xf32, #tpu.memory_space<hbm>> -> memref<640x64xf32, #tpu.memory_space<hbm>>
      tpu.enqueue_dma source(%dma_start3A_46 : memref<640x64xf32, #tpu.memory_space<hbm>>) target(%dma_start3A_44 : memref<640x64xf32, #tpu.memory_space<vmem_shared>>) target_semaphore(%run_scoped3A : memref<!tpu.dma_semaphore, #tpu.memory_space<semaphore_mem>>)
      %dma_wait3A = arith.constant 0 : i32
      %dma_wait3A_47 = tpu.memref_slice %arg13[%mul3A_4, %dma_wait3A] : memref<10240x64xf32, #tpu.memory_space<vmem_shared>> -> memref<640x64xf32, #tpu.memory_space<vmem_shared>>
      %dma_wait3A_48 = arith.constant 0 : i32
      %dma_wait3A_49 = tpu.memref_slice %arg5[%mul3A_2, %dma_wait3A_48] : memref<10240x64xf32, #tpu.memory_space<hbm>> -> memref<640x64xf32, #tpu.memory_space<hbm>>
      tpu.wait_dma2 semaphore(%run_scoped3A : memref<!tpu.dma_semaphore, #tpu.memory_space<semaphore_mem>>) src(%dma_wait3A_49 : memref<640x64xf32, #tpu.memory_space<hbm>>) dst(%dma_wait3A_47 : memref<640x64xf32, #tpu.memory_space<vmem_shared>>)
      tpu.yield
    }) : () -> ()
    "tpu.region"() ({
      %run_scoped3A = tpu.sem_alloc : memref<!tpu.dma_semaphore, #tpu.memory_space<semaphore_mem>>
      %dma_start3A_43 = arith.constant 0 : i32
      %dma_start3A_44 = arith.constant 0 : i32
      %dma_start3A_45 = tpu.memref_slice %arg3[%arg0, %arg1, %dma_start3A_43, %dma_start3A_44] : memref<2x16x64x128xi32, #tpu.memory_space<hbm>> -> memref<1x1x64x128xi32, #tpu.memory_space<hbm>>
      %dma_start3A_46 = tpu.memref_squeeze %dma_start3A_45 : memref<1x1x64x128xi32, #tpu.memory_space<hbm>> -> memref<64x128xi32, #tpu.memory_space<hbm>>
      %dma_start3A_47 = arith.constant 0 : i32
      %dma_start3A_48 = arith.constant 0 : i32
      %dma_start3A_49 = tpu.memref_slice %arg3[%arg0, %arg1, %dma_start3A_47, %dma_start3A_48] : memref<2x16x64x128xi32, #tpu.memory_space<hbm>> -> memref<1x1x64x128xi32, #tpu.memory_space<hbm>>
      %dma_start3A_50 = tpu.memref_squeeze %dma_start3A_49 : memref<1x1x64x128xi32, #tpu.memory_space<hbm>> -> memref<64x128xi32, #tpu.memory_space<hbm>>
      tpu.enqueue_dma source(%dma_start3A_50 : memref<64x128xi32, #tpu.memory_space<hbm>>) target(%arg7 : memref<64x128xi32, #tpu.memory_space<vmem>>) target_semaphore(%run_scoped3A : memref<!tpu.dma_semaphore, #tpu.memory_space<semaphore_mem>>)
      %dma_wait3A = arith.constant 0 : i32
      %dma_wait3A_51 = arith.constant 0 : i32
      %dma_wait3A_52 = tpu.memref_slice %arg3[%arg0, %arg1, %dma_wait3A, %dma_wait3A_51] : memref<2x16x64x128xi32, #tpu.memory_space<hbm>> -> memref<1x1x64x128xi32, #tpu.memory_space<hbm>>
      %dma_wait3A_53 = tpu.memref_squeeze %dma_wait3A_52 : memref<1x1x64x128xi32, #tpu.memory_space<hbm>> -> memref<64x128xi32, #tpu.memory_space<hbm>>
      %dma_wait3A_54 = arith.constant 0 : i32
      %dma_wait3A_55 = arith.constant 0 : i32
      %dma_wait3A_56 = tpu.memref_slice %arg3[%arg0, %arg1, %dma_wait3A_54, %dma_wait3A_55] : memref<2x16x64x128xi32, #tpu.memory_space<hbm>> -> memref<1x1x64x128xi32, #tpu.memory_space<hbm>>
      %dma_wait3A_57 = tpu.memref_squeeze %dma_wait3A_56 : memref<1x1x64x128xi32, #tpu.memory_space<hbm>> -> memref<64x128xi32, #tpu.memory_space<hbm>>
      tpu.wait_dma2 semaphore(%run_scoped3A : memref<!tpu.dma_semaphore, #tpu.memory_space<semaphore_mem>>) src(%dma_wait3A_57 : memref<64x128xi32, #tpu.memory_space<hbm>>) dst(%arg7 : memref<64x128xi32, #tpu.memory_space<vmem>>)
      tpu.yield
    }) : () -> ()
    "tpu.region"() ({
      %run_scoped3A = tpu.sem_alloc : memref<!tpu.dma_semaphore, #tpu.memory_space<semaphore_mem>>
      %dma_start3A_43 = arith.constant 0 : i32
      %dma_start3A_44 = arith.constant 0 : i32
      %dma_start3A_45 = tpu.memref_slice %arg4[%arg0, %arg1, %dma_start3A_43, %dma_start3A_44] : memref<2x16x64x128xi32, #tpu.memory_space<hbm>> -> memref<1x1x64x128xi32, #tpu.memory_space<hbm>>
      %dma_start3A_46 = tpu.memref_squeeze %dma_start3A_45 : memref<1x1x64x128xi32, #tpu.memory_space<hbm>> -> memref<64x128xi32, #tpu.memory_space<hbm>>
      %dma_start3A_47 = arith.constant 0 : i32
      %dma_start3A_48 = arith.constant 0 : i32
      %dma_start3A_49 = tpu.memref_slice %arg4[%arg0, %arg1, %dma_start3A_47, %dma_start3A_48] : memref<2x16x64x128xi32, #tpu.memory_space<hbm>> -> memref<1x1x64x128xi32, #tpu.memory_space<hbm>>
      %dma_start3A_50 = tpu.memref_squeeze %dma_start3A_49 : memref<1x1x64x128xi32, #tpu.memory_space<hbm>> -> memref<64x128xi32, #tpu.memory_space<hbm>>
      tpu.enqueue_dma source(%dma_start3A_50 : memref<64x128xi32, #tpu.memory_space<hbm>>) target(%arg8 : memref<64x128xi32, #tpu.memory_space<vmem>>) target_semaphore(%run_scoped3A : memref<!tpu.dma_semaphore, #tpu.memory_space<semaphore_mem>>)
      %dma_wait3A = arith.constant 0 : i32
      %dma_wait3A_51 = arith.constant 0 : i32
      %dma_wait3A_52 = tpu.memref_slice %arg4[%arg0, %arg1, %dma_wait3A, %dma_wait3A_51] : memref<2x16x64x128xi32, #tpu.memory_space<hbm>> -> memref<1x1x64x128xi32, #tpu.memory_space<hbm>>
      %dma_wait3A_53 = tpu.memref_squeeze %dma_wait3A_52 : memref<1x1x64x128xi32, #tpu.memory_space<hbm>> -> memref<64x128xi32, #tpu.memory_space<hbm>>
      %dma_wait3A_54 = arith.constant 0 : i32
      %dma_wait3A_55 = arith.constant 0 : i32
      %dma_wait3A_56 = tpu.memref_slice %arg4[%arg0, %arg1, %dma_wait3A_54, %dma_wait3A_55] : memref<2x16x64x128xi32, #tpu.memory_space<hbm>> -> memref<1x1x64x128xi32, #tpu.memory_space<hbm>>
      %dma_wait3A_57 = tpu.memref_squeeze %dma_wait3A_56 : memref<1x1x64x128xi32, #tpu.memory_space<hbm>> -> memref<64x128xi32, #tpu.memory_space<hbm>>
      tpu.wait_dma2 semaphore(%run_scoped3A : memref<!tpu.dma_semaphore, #tpu.memory_space<semaphore_mem>>) src(%dma_wait3A_57 : memref<64x128xi32, #tpu.memory_space<hbm>>) dst(%arg8 : memref<64x128xi32, #tpu.memory_space<vmem>>)
      tpu.yield
    }) : () -> ()
    %barrier3A = arith.constant 0 : index
    tpu.barrier barrier_id(%barrier3A)
    %dma_start3A = arith.constant 0 : i32
    %dma_start3A_5 = arith.constant 0 : i32
    %dma_start3A_6 = tpu.memref_slice %arg7[%dma_start3A, %dma_start3A_5] : memref<64x128xi32, #tpu.memory_space<vmem>> -> memref<1x128xi32, #tpu.memory_space<vmem>>
    %dma_start3A_7 = tpu.memref_squeeze %dma_start3A_6 : memref<1x128xi32, #tpu.memory_space<vmem>> -> memref<128xi32, #tpu.memory_space<vmem>>
    %dma_start3A_8 = arith.constant 0 : i32
    %dma_start3A_9 = arith.constant 0 : i32
    %dma_start3A_10 = tpu.memref_slice %arg2[%dma_start3A_8, %dma_start3A_9] : memref<10000x64xf32, #tpu.memory_space<hbm>> -> memref<10000x64xf32, #tpu.memory_space<hbm>>
    tpu.enqueue_indirect_dma source(%dma_start3A_10 : memref<10000x64xf32, #tpu.memory_space<hbm>>) target(%arg9 : memref<128x64xf32, #tpu.memory_space<vmem>>) offsets(%dma_start3A_7 : memref<128xi32, #tpu.memory_space<vmem>>) semaphore(%arg11 : memref<!tpu.dma_semaphore, #tpu.memory_space<semaphore_mem>>)
    %jit3A_11 = arith.constant 2 : i32
    %div3A = arith.divsi %select_n3A, %jit3A_11 : i32
    %sign3A = arith.constant 0 : i32
    %sign3A_12 = arith.cmpi sgt, %select_n3A, %sign3A : i32
    %sign3A_13 = arith.extui %sign3A_12 : i1 to i32
    %sign3A_14 = arith.constant 0 : i32
    %sign3A_15 = arith.cmpi slt, %select_n3A, %sign3A_14 : i32
    %sign3A_16 = arith.extui %sign3A_15 : i1 to i32
    %sign3A_17 = arith.subi %sign3A_13, %sign3A_16 : i32
    %sign3A_18 = arith.constant 0 : i32
    %sign3A_19 = arith.cmpi sgt, %jit3A_11, %sign3A_18 : i32
    %sign3A_20 = arith.extui %sign3A_19 : i1 to i32
    %sign3A_21 = arith.constant 0 : i32
    %sign3A_22 = arith.cmpi slt, %jit3A_11, %sign3A_21 : i32
    %sign3A_23 = arith.extui %sign3A_22 : i1 to i32
    %sign3A_24 = arith.subi %sign3A_20, %sign3A_23 : i32
    %ne3A = arith.cmpi ne, %sign3A_17, %sign3A_24 : i32
    %rem3A = arith.remsi %select_n3A, %jit3A_11 : i32
    %ne3A_25 = arith.constant 0 : i32
    %ne3A_26 = arith.cmpi ne, %rem3A, %ne3A_25 : i32
    %and3A = arith.andi %ne3A, %ne3A_26 : i1
    %sub3A = arith.constant 1 : i32
    %sub3A_27 = arith.subi %div3A, %sub3A : i32
    %select_n3A_28 = arith.select %and3A, %sub3A_27, %div3A : i32
    %while3A = arith.constant 0 : i32
    %while3A_29 = arith.constant 0 : i32
    %while3A_30 = arith.subi %select_n3A_28, %while3A_29 : i32
    %while3A_31 = arith.addi %while3A_29, %while3A_30 : i32
    %while3A_32 = arith.constant 1 : i32
    %while3A_33 = arith.divsi %while3A_30, %while3A_32 : i32
    %while3A_34 = arith.muli %while3A_33, %while3A_32 : i32
    %while3A_35 = arith.addi %while3A_29, %while3A_34 : i32
    %while3A_36 = arith.constant 1 : i32
    scf.for %while3A_43 = %while3A_29 to %while3A_35 step %while3A_36  : i32 {
      %mul3A_44 = arith.constant 2 : i32
      %mul3A_45 = arith.muli %mul3A_44, %while3A_43 : i32
      %add3A = arith.constant 1 : i32
      %add3A_46 = arith.addi %mul3A_45, %add3A : i32
      %dma_start3A_47 = arith.constant 0 : i32
      %dma_start3A_48 = tpu.memref_slice %arg7[%add3A_46, %dma_start3A_47] : memref<64x128xi32, #tpu.memory_space<vmem>> -> memref<1x128xi32, #tpu.memory_space<vmem>>
      %dma_start3A_49 = tpu.memref_squeeze %dma_start3A_48 : memref<1x128xi32, #tpu.memory_space<vmem>> -> memref<128xi32, #tpu.memory_space<vmem>>
      %dma_start3A_50 = arith.constant 0 : i32
      %dma_start3A_51 = arith.constant 0 : i32
      %dma_start3A_52 = tpu.memref_slice %arg2[%dma_start3A_50, %dma_start3A_51] : memref<10000x64xf32, #tpu.memory_space<hbm>> -> memref<10000x64xf32, #tpu.memory_space<hbm>>
      tpu.enqueue_indirect_dma source(%dma_start3A_52 : memref<10000x64xf32, #tpu.memory_space<hbm>>) target(%arg10 : memref<128x64xf32, #tpu.memory_space<vmem>>) offsets(%dma_start3A_49 : memref<128xi32, #tpu.memory_space<vmem>>) semaphore(%arg12 : memref<!tpu.dma_semaphore, #tpu.memory_space<semaphore_mem>>)
      %dma_wait3A = arith.constant 0 : i32
      %dma_wait3A_53 = tpu.memref_slice %arg7[%mul3A_45, %dma_wait3A] : memref<64x128xi32, #tpu.memory_space<vmem>> -> memref<1x128xi32, #tpu.memory_space<vmem>>
      %dma_wait3A_54 = tpu.memref_squeeze %dma_wait3A_53 : memref<1x128xi32, #tpu.memory_space<vmem>> -> memref<128xi32, #tpu.memory_space<vmem>>
      %dma_wait3A_55 = arith.constant 0 : i32
      %dma_wait3A_56 = arith.constant 0 : i32
      %dma_wait3A_57 = tpu.memref_slice %arg2[%dma_wait3A_55, %dma_wait3A_56] : memref<10000x64xf32, #tpu.memory_space<hbm>> -> memref<10000x64xf32, #tpu.memory_space<hbm>>
      tpu.wait_indirect_dma semaphore(%arg11 : memref<!tpu.dma_semaphore, #tpu.memory_space<semaphore_mem>>) src(%dma_wait3A_57 : memref<10000x64xf32, #tpu.memory_space<hbm>>) dst(%arg9 : memref<128x64xf32, #tpu.memory_space<vmem>>)
      "tpu.region"() ({
        %run_scoped3A = tpu.sem_alloc : memref<!tpu.dma_semaphore, #tpu.memory_space<semaphore_mem>>
        %dma_start3A_67 = arith.constant 0 : i32
        %dma_start3A_68 = tpu.memref_slice %arg8[%mul3A_45, %dma_start3A_67] : memref<64x128xi32, #tpu.memory_space<vmem>> -> memref<1x128xi32, #tpu.memory_space<vmem>>
        %dma_start3A_69 = tpu.memref_squeeze %dma_start3A_68 : memref<1x128xi32, #tpu.memory_space<vmem>> -> memref<128xi32, #tpu.memory_space<vmem>>
        %dma_start3A_70 = arith.constant 0 : i32
        %dma_start3A_71 = arith.constant 0 : i32
        %dma_start3A_72 = tpu.memref_slice %arg13[%dma_start3A_70, %dma_start3A_71] : memref<10240x64xf32, #tpu.memory_space<vmem_shared>> -> memref<10240x64xf32, #tpu.memory_space<vmem_shared>>
        tpu.enqueue_indirect_dma source(%arg9 : memref<128x64xf32, #tpu.memory_space<vmem>>) target(%dma_start3A_72 : memref<10240x64xf32, #tpu.memory_space<vmem_shared>>) offsets(%dma_start3A_69 : memref<128xi32, #tpu.memory_space<vmem>>) semaphore(%run_scoped3A : memref<!tpu.dma_semaphore, #tpu.memory_space<semaphore_mem>>) {add = true}
        %dma_wait3A_73 = arith.constant 0 : i32
        %dma_wait3A_74 = tpu.memref_slice %arg8[%mul3A_45, %dma_wait3A_73] : memref<64x128xi32, #tpu.memory_space<vmem>> -> memref<1x128xi32, #tpu.memory_space<vmem>>
        %dma_wait3A_75 = tpu.memref_squeeze %dma_wait3A_74 : memref<1x128xi32, #tpu.memory_space<vmem>> -> memref<128xi32, #tpu.memory_space<vmem>>
        %dma_wait3A_76 = arith.constant 0 : i32
        %dma_wait3A_77 = arith.constant 0 : i32
        %dma_wait3A_78 = tpu.memref_slice %arg13[%dma_wait3A_76, %dma_wait3A_77] : memref<10240x64xf32, #tpu.memory_space<vmem_shared>> -> memref<10240x64xf32, #tpu.memory_space<vmem_shared>>
        tpu.wait_indirect_dma semaphore(%run_scoped3A : memref<!tpu.dma_semaphore, #tpu.memory_space<semaphore_mem>>) src(%arg9 : memref<128x64xf32, #tpu.memory_space<vmem>>) dst(%dma_wait3A_78 : memref<10240x64xf32, #tpu.memory_space<vmem_shared>>)
        tpu.yield
      }) : () -> ()
      %add3A_58 = arith.constant 2 : i32
      %add3A_59 = arith.addi %mul3A_45, %add3A_58 : i32
      %lt3A = arith.cmpi slt, %add3A_59, %select_n3A : i32
      %convert_element_type3A = arith.extui %lt3A : i1 to i32
      %cond3A = arith.constant 0 : i32
      %cond3A_60 = arith.cmpi ne, %convert_element_type3A, %cond3A : i32
      scf.if %cond3A_60 {
        %add3A_67 = arith.constant 2 : i32
        %add3A_68 = arith.addi %mul3A_45, %add3A_67 : i32
        %dma_start3A_69 = arith.constant 0 : i32
        %dma_start3A_70 = tpu.memref_slice %arg7[%add3A_68, %dma_start3A_69] : memref<64x128xi32, #tpu.memory_space<vmem>> -> memref<1x128xi32, #tpu.memory_space<vmem>>
        %dma_start3A_71 = tpu.memref_squeeze %dma_start3A_70 : memref<1x128xi32, #tpu.memory_space<vmem>> -> memref<128xi32, #tpu.memory_space<vmem>>
        %dma_start3A_72 = arith.constant 0 : i32
        %dma_start3A_73 = arith.constant 0 : i32
        %dma_start3A_74 = tpu.memref_slice %arg2[%dma_start3A_72, %dma_start3A_73] : memref<10000x64xf32, #tpu.memory_space<hbm>> -> memref<10000x64xf32, #tpu.memory_space<hbm>>
        tpu.enqueue_indirect_dma source(%dma_start3A_74 : memref<10000x64xf32, #tpu.memory_space<hbm>>) target(%arg9 : memref<128x64xf32, #tpu.memory_space<vmem>>) offsets(%dma_start3A_71 : memref<128xi32, #tpu.memory_space<vmem>>) semaphore(%arg11 : memref<!tpu.dma_semaphore, #tpu.memory_space<semaphore_mem>>)
      } else {
      }
      %dma_wait3A_61 = arith.constant 0 : i32
      %dma_wait3A_62 = tpu.memref_slice %arg7[%add3A_46, %dma_wait3A_61] : memref<64x128xi32, #tpu.memory_space<vmem>> -> memref<1x128xi32, #tpu.memory_space<vmem>>
      %dma_wait3A_63 = tpu.memref_squeeze %dma_wait3A_62 : memref<1x128xi32, #tpu.memory_space<vmem>> -> memref<128xi32, #tpu.memory_space<vmem>>
      %dma_wait3A_64 = arith.constant 0 : i32
      %dma_wait3A_65 = arith.constant 0 : i32
      %dma_wait3A_66 = tpu.memref_slice %arg2[%dma_wait3A_64, %dma_wait3A_65] : memref<10000x64xf32, #tpu.memory_space<hbm>> -> memref<10000x64xf32, #tpu.memory_space<hbm>>
      tpu.wait_indirect_dma semaphore(%arg12 : memref<!tpu.dma_semaphore, #tpu.memory_space<semaphore_mem>>) src(%dma_wait3A_66 : memref<10000x64xf32, #tpu.memory_space<hbm>>) dst(%arg10 : memref<128x64xf32, #tpu.memory_space<vmem>>)
      "tpu.region"() ({
        %run_scoped3A = tpu.sem_alloc : memref<!tpu.dma_semaphore, #tpu.memory_space<semaphore_mem>>
        %dma_start3A_67 = arith.constant 0 : i32
        %dma_start3A_68 = tpu.memref_slice %arg8[%add3A_46, %dma_start3A_67] : memref<64x128xi32, #tpu.memory_space<vmem>> -> memref<1x128xi32, #tpu.memory_space<vmem>>
        %dma_start3A_69 = tpu.memref_squeeze %dma_start3A_68 : memref<1x128xi32, #tpu.memory_space<vmem>> -> memref<128xi32, #tpu.memory_space<vmem>>
        %dma_start3A_70 = arith.constant 0 : i32
        %dma_start3A_71 = arith.constant 0 : i32
        %dma_start3A_72 = tpu.memref_slice %arg13[%dma_start3A_70, %dma_start3A_71] : memref<10240x64xf32, #tpu.memory_space<vmem_shared>> -> memref<10240x64xf32, #tpu.memory_space<vmem_shared>>
        tpu.enqueue_indirect_dma source(%arg10 : memref<128x64xf32, #tpu.memory_space<vmem>>) target(%dma_start3A_72 : memref<10240x64xf32, #tpu.memory_space<vmem_shared>>) offsets(%dma_start3A_69 : memref<128xi32, #tpu.memory_space<vmem>>) semaphore(%run_scoped3A : memref<!tpu.dma_semaphore, #tpu.memory_space<semaphore_mem>>) {add = true}
        %dma_wait3A_73 = arith.constant 0 : i32
        %dma_wait3A_74 = tpu.memref_slice %arg8[%add3A_46, %dma_wait3A_73] : memref<64x128xi32, #tpu.memory_space<vmem>> -> memref<1x128xi32, #tpu.memory_space<vmem>>
        %dma_wait3A_75 = tpu.memref_squeeze %dma_wait3A_74 : memref<1x128xi32, #tpu.memory_space<vmem>> -> memref<128xi32, #tpu.memory_space<vmem>>
        %dma_wait3A_76 = arith.constant 0 : i32
        %dma_wait3A_77 = arith.constant 0 : i32
        %dma_wait3A_78 = tpu.memref_slice %arg13[%dma_wait3A_76, %dma_wait3A_77] : memref<10240x64xf32, #tpu.memory_space<vmem_shared>> -> memref<10240x64xf32, #tpu.memory_space<vmem_shared>>
        tpu.wait_indirect_dma semaphore(%run_scoped3A : memref<!tpu.dma_semaphore, #tpu.memory_space<semaphore_mem>>) src(%arg10 : memref<128x64xf32, #tpu.memory_space<vmem>>) dst(%dma_wait3A_78 : memref<10240x64xf32, #tpu.memory_space<vmem_shared>>)
        tpu.yield
      }) : () -> ()
    }
    %while3A_37 = arith.constant 1 : i32
    scf.for %while3A_43 = %while3A_35 to %while3A_31 step %while3A_37  : i32 {
      %mul3A_44 = arith.constant 2 : i32
      %mul3A_45 = arith.muli %mul3A_44, %while3A_43 : i32
      %add3A = arith.constant 1 : i32
      %add3A_46 = arith.addi %mul3A_45, %add3A : i32
      %dma_start3A_47 = arith.constant 0 : i32
      %dma_start3A_48 = tpu.memref_slice %arg7[%add3A_46, %dma_start3A_47] : memref<64x128xi32, #tpu.memory_space<vmem>> -> memref<1x128xi32, #tpu.memory_space<vmem>>
      %dma_start3A_49 = tpu.memref_squeeze %dma_start3A_48 : memref<1x128xi32, #tpu.memory_space<vmem>> -> memref<128xi32, #tpu.memory_space<vmem>>
      %dma_start3A_50 = arith.constant 0 : i32
      %dma_start3A_51 = arith.constant 0 : i32
      %dma_start3A_52 = tpu.memref_slice %arg2[%dma_start3A_50, %dma_start3A_51] : memref<10000x64xf32, #tpu.memory_space<hbm>> -> memref<10000x64xf32, #tpu.memory_space<hbm>>
      tpu.enqueue_indirect_dma source(%dma_start3A_52 : memref<10000x64xf32, #tpu.memory_space<hbm>>) target(%arg10 : memref<128x64xf32, #tpu.memory_space<vmem>>) offsets(%dma_start3A_49 : memref<128xi32, #tpu.memory_space<vmem>>) semaphore(%arg12 : memref<!tpu.dma_semaphore, #tpu.memory_space<semaphore_mem>>)
      %dma_wait3A = arith.constant 0 : i32
      %dma_wait3A_53 = tpu.memref_slice %arg7[%mul3A_45, %dma_wait3A] : memref<64x128xi32, #tpu.memory_space<vmem>> -> memref<1x128xi32, #tpu.memory_space<vmem>>
      %dma_wait3A_54 = tpu.memref_squeeze %dma_wait3A_53 : memref<1x128xi32, #tpu.memory_space<vmem>> -> memref<128xi32, #tpu.memory_space<vmem>>
      %dma_wait3A_55 = arith.constant 0 : i32
      %dma_wait3A_56 = arith.constant 0 : i32
      %dma_wait3A_57 = tpu.memref_slice %arg2[%dma_wait3A_55, %dma_wait3A_56] : memref<10000x64xf32, #tpu.memory_space<hbm>> -> memref<10000x64xf32, #tpu.memory_space<hbm>>
      tpu.wait_indirect_dma semaphore(%arg11 : memref<!tpu.dma_semaphore, #tpu.memory_space<semaphore_mem>>) src(%dma_wait3A_57 : memref<10000x64xf32, #tpu.memory_space<hbm>>) dst(%arg9 : memref<128x64xf32, #tpu.memory_space<vmem>>)
      "tpu.region"() ({
        %run_scoped3A = tpu.sem_alloc : memref<!tpu.dma_semaphore, #tpu.memory_space<semaphore_mem>>
        %dma_start3A_67 = arith.constant 0 : i32
        %dma_start3A_68 = tpu.memref_slice %arg8[%mul3A_45, %dma_start3A_67] : memref<64x128xi32, #tpu.memory_space<vmem>> -> memref<1x128xi32, #tpu.memory_space<vmem>>
        %dma_start3A_69 = tpu.memref_squeeze %dma_start3A_68 : memref<1x128xi32, #tpu.memory_space<vmem>> -> memref<128xi32, #tpu.memory_space<vmem>>
        %dma_start3A_70 = arith.constant 0 : i32
        %dma_start3A_71 = arith.constant 0 : i32
        %dma_start3A_72 = tpu.memref_slice %arg13[%dma_start3A_70, %dma_start3A_71] : memref<10240x64xf32, #tpu.memory_space<vmem_shared>> -> memref<10240x64xf32, #tpu.memory_space<vmem_shared>>
        tpu.enqueue_indirect_dma source(%arg9 : memref<128x64xf32, #tpu.memory_space<vmem>>) target(%dma_start3A_72 : memref<10240x64xf32, #tpu.memory_space<vmem_shared>>) offsets(%dma_start3A_69 : memref<128xi32, #tpu.memory_space<vmem>>) semaphore(%run_scoped3A : memref<!tpu.dma_semaphore, #tpu.memory_space<semaphore_mem>>) {add = true}
        %dma_wait3A_73 = arith.constant 0 : i32
        %dma_wait3A_74 = tpu.memref_slice %arg8[%mul3A_45, %dma_wait3A_73] : memref<64x128xi32, #tpu.memory_space<vmem>> -> memref<1x128xi32, #tpu.memory_space<vmem>>
        %dma_wait3A_75 = tpu.memref_squeeze %dma_wait3A_74 : memref<1x128xi32, #tpu.memory_space<vmem>> -> memref<128xi32, #tpu.memory_space<vmem>>
        %dma_wait3A_76 = arith.constant 0 : i32
        %dma_wait3A_77 = arith.constant 0 : i32
        %dma_wait3A_78 = tpu.memref_slice %arg13[%dma_wait3A_76, %dma_wait3A_77] : memref<10240x64xf32, #tpu.memory_space<vmem_shared>> -> memref<10240x64xf32, #tpu.memory_space<vmem_shared>>
        tpu.wait_indirect_dma semaphore(%run_scoped3A : memref<!tpu.dma_semaphore, #tpu.memory_space<semaphore_mem>>) src(%arg9 : memref<128x64xf32, #tpu.memory_space<vmem>>) dst(%dma_wait3A_78 : memref<10240x64xf32, #tpu.memory_space<vmem_shared>>)
        tpu.yield
      }) : () -> ()
      %add3A_58 = arith.constant 2 : i32
      %add3A_59 = arith.addi %mul3A_45, %add3A_58 : i32
      %lt3A = arith.cmpi slt, %add3A_59, %select_n3A : i32
      %convert_element_type3A = arith.extui %lt3A : i1 to i32
      %cond3A = arith.constant 0 : i32
      %cond3A_60 = arith.cmpi ne, %convert_element_type3A, %cond3A : i32
      scf.if %cond3A_60 {
        %add3A_67 = arith.constant 2 : i32
        %add3A_68 = arith.addi %mul3A_45, %add3A_67 : i32
        %dma_start3A_69 = arith.constant 0 : i32
        %dma_start3A_70 = tpu.memref_slice %arg7[%add3A_68, %dma_start3A_69] : memref<64x128xi32, #tpu.memory_space<vmem>> -> memref<1x128xi32, #tpu.memory_space<vmem>>
        %dma_start3A_71 = tpu.memref_squeeze %dma_start3A_70 : memref<1x128xi32, #tpu.memory_space<vmem>> -> memref<128xi32, #tpu.memory_space<vmem>>
        %dma_start3A_72 = arith.constant 0 : i32
        %dma_start3A_73 = arith.constant 0 : i32
        %dma_start3A_74 = tpu.memref_slice %arg2[%dma_start3A_72, %dma_start3A_73] : memref<10000x64xf32, #tpu.memory_space<hbm>> -> memref<10000x64xf32, #tpu.memory_space<hbm>>
        tpu.enqueue_indirect_dma source(%dma_start3A_74 : memref<10000x64xf32, #tpu.memory_space<hbm>>) target(%arg9 : memref<128x64xf32, #tpu.memory_space<vmem>>) offsets(%dma_start3A_71 : memref<128xi32, #tpu.memory_space<vmem>>) semaphore(%arg11 : memref<!tpu.dma_semaphore, #tpu.memory_space<semaphore_mem>>)
      } else {
      }
      %dma_wait3A_61 = arith.constant 0 : i32
      %dma_wait3A_62 = tpu.memref_slice %arg7[%add3A_46, %dma_wait3A_61] : memref<64x128xi32, #tpu.memory_space<vmem>> -> memref<1x128xi32, #tpu.memory_space<vmem>>
      %dma_wait3A_63 = tpu.memref_squeeze %dma_wait3A_62 : memref<1x128xi32, #tpu.memory_space<vmem>> -> memref<128xi32, #tpu.memory_space<vmem>>
      %dma_wait3A_64 = arith.constant 0 : i32
      %dma_wait3A_65 = arith.constant 0 : i32
      %dma_wait3A_66 = tpu.memref_slice %arg2[%dma_wait3A_64, %dma_wait3A_65] : memref<10000x64xf32, #tpu.memory_space<hbm>> -> memref<10000x64xf32, #tpu.memory_space<hbm>>
      tpu.wait_indirect_dma semaphore(%arg12 : memref<!tpu.dma_semaphore, #tpu.memory_space<semaphore_mem>>) src(%dma_wait3A_66 : memref<10000x64xf32, #tpu.memory_space<hbm>>) dst(%arg10 : memref<128x64xf32, #tpu.memory_space<vmem>>)
      "tpu.region"() ({
        %run_scoped3A = tpu.sem_alloc : memref<!tpu.dma_semaphore, #tpu.memory_space<semaphore_mem>>
        %dma_start3A_67 = arith.constant 0 : i32
        %dma_start3A_68 = tpu.memref_slice %arg8[%add3A_46, %dma_start3A_67] : memref<64x128xi32, #tpu.memory_space<vmem>> -> memref<1x128xi32, #tpu.memory_space<vmem>>
        %dma_start3A_69 = tpu.memref_squeeze %dma_start3A_68 : memref<1x128xi32, #tpu.memory_space<vmem>> -> memref<128xi32, #tpu.memory_space<vmem>>
        %dma_start3A_70 = arith.constant 0 : i32
        %dma_start3A_71 = arith.constant 0 : i32
        %dma_start3A_72 = tpu.memref_slice %arg13[%dma_start3A_70, %dma_start3A_71] : memref<10240x64xf32, #tpu.memory_space<vmem_shared>> -> memref<10240x64xf32, #tpu.memory_space<vmem_shared>>
        tpu.enqueue_indirect_dma source(%arg10 : memref<128x64xf32, #tpu.memory_space<vmem>>) target(%dma_start3A_72 : memref<10240x64xf32, #tpu.memory_space<vmem_shared>>) offsets(%dma_start3A_69 : memref<128xi32, #tpu.memory_space<vmem>>) semaphore(%run_scoped3A : memref<!tpu.dma_semaphore, #tpu.memory_space<semaphore_mem>>) {add = true}
        %dma_wait3A_73 = arith.constant 0 : i32
        %dma_wait3A_74 = tpu.memref_slice %arg8[%add3A_46, %dma_wait3A_73] : memref<64x128xi32, #tpu.memory_space<vmem>> -> memref<1x128xi32, #tpu.memory_space<vmem>>
        %dma_wait3A_75 = tpu.memref_squeeze %dma_wait3A_74 : memref<1x128xi32, #tpu.memory_space<vmem>> -> memref<128xi32, #tpu.memory_space<vmem>>
        %dma_wait3A_76 = arith.constant 0 : i32
        %dma_wait3A_77 = arith.constant 0 : i32
        %dma_wait3A_78 = tpu.memref_slice %arg13[%dma_wait3A_76, %dma_wait3A_77] : memref<10240x64xf32, #tpu.memory_space<vmem_shared>> -> memref<10240x64xf32, #tpu.memory_space<vmem_shared>>
        tpu.wait_indirect_dma semaphore(%run_scoped3A : memref<!tpu.dma_semaphore, #tpu.memory_space<semaphore_mem>>) src(%arg10 : memref<128x64xf32, #tpu.memory_space<vmem>>) dst(%dma_wait3A_78 : memref<10240x64xf32, #tpu.memory_space<vmem_shared>>)
        tpu.yield
      }) : () -> ()
    }
    %barrier3A_38 = arith.constant 0 : index
    tpu.barrier barrier_id(%barrier3A_38)
    %mul3A_39 = arith.constant 640 : i32
    %mul3A_40 = arith.muli %arg1, %mul3A_39 : i32
    %mul3A_41 = arith.constant 640 : i32
    %mul3A_42 = arith.muli %arg1, %mul3A_41 : i32
    "tpu.region"() ({
      %run_scoped3A = tpu.sem_alloc : memref<!tpu.dma_semaphore, #tpu.memory_space<semaphore_mem>>
      %dma_start3A_43 = arith.constant 0 : i32
      %dma_start3A_44 = tpu.memref_slice %arg6[%arg0, %mul3A_42, %dma_start3A_43] : memref<2x10240x64xf32, #tpu.memory_space<hbm>> -> memref<1x640x64xf32, #tpu.memory_space<hbm>>
      %dma_start3A_45 = tpu.memref_squeeze %dma_start3A_44 : memref<1x640x64xf32, #tpu.memory_space<hbm>> -> memref<640x64xf32, #tpu.memory_space<hbm>>
      %dma_start3A_46 = arith.constant 0 : i32
      %dma_start3A_47 = tpu.memref_slice %arg13[%mul3A_40, %dma_start3A_46] : memref<10240x64xf32, #tpu.memory_space<vmem_shared>> -> memref<640x64xf32, #tpu.memory_space<vmem_shared>>
      tpu.enqueue_dma source(%dma_start3A_47 : memref<640x64xf32, #tpu.memory_space<vmem_shared>>) target(%dma_start3A_45 : memref<640x64xf32, #tpu.memory_space<hbm>>) target_semaphore(%run_scoped3A : memref<!tpu.dma_semaphore, #tpu.memory_space<semaphore_mem>>)
      %dma_wait3A = arith.constant 0 : i32
      %dma_wait3A_48 = tpu.memref_slice %arg6[%arg0, %mul3A_42, %dma_wait3A] : memref<2x10240x64xf32, #tpu.memory_space<hbm>> -> memref<1x640x64xf32, #tpu.memory_space<hbm>>
      %dma_wait3A_49 = tpu.memref_squeeze %dma_wait3A_48 : memref<1x640x64xf32, #tpu.memory_space<hbm>> -> memref<640x64xf32, #tpu.memory_space<hbm>>
      %dma_wait3A_50 = arith.constant 0 : i32
      %dma_wait3A_51 = tpu.memref_slice %arg13[%mul3A_40, %dma_wait3A_50] : memref<10240x64xf32, #tpu.memory_space<vmem_shared>> -> memref<640x64xf32, #tpu.memory_space<vmem_shared>>
      tpu.wait_dma2 semaphore(%run_scoped3A : memref<!tpu.dma_semaphore, #tpu.memory_space<semaphore_mem>>) src(%dma_wait3A_51 : memref<640x64xf32, #tpu.memory_space<vmem_shared>>) dst(%dma_wait3A_49 : memref<640x64xf32, #tpu.memory_space<hbm>>)
      tpu.yield
    }) : () -> ()
    return
  }
}

module attributes {stable_mosaic.version = 14 : i64} {
  func.func @body(%arg0: memref<10000x256xf32, #tpu.memory_space<vmem>>, %arg1: memref<256x64xf32, #tpu.memory_space<vmem>>, %arg2: memref<10240x1xf32, #tpu.memory_space<vmem>>, %arg3: memref<10240x1xf32, #tpu.memory_space<vmem>>, %arg4: memref<10000x64xf32, #tpu.memory_space<vmem>>) attributes {dimension_semantics = [], scalar_prefetch = 0 : i64, scratch_operands = 0 : i64, tpu.core_type = #tpu.core_type<tc>} {
    %get3A = arith.constant 0 : index
    %get3A_0 = arith.constant 0 : index
    %get3A_1 = vector.load %arg2[%get3A, %get3A_0] : memref<10240x1xf32, #tpu.memory_space<vmem>>, vector<10000x1xf32>
    %get3A_2 = arith.constant 0 : index
    %get3A_3 = arith.constant 0 : index
    %get3A_4 = vector.load %arg3[%get3A_2, %get3A_3] : memref<10240x1xf32, #tpu.memory_space<vmem>>, vector<10000x1xf32>
    %add3A = arith.addf %get3A_1, %get3A_4 : vector<10000x1xf32>
    %add3A_5 = arith.constant 1.000000e+00 : f32
    %add3A_6 = vector.broadcast %add3A_5 : f32 to vector<10000x1xf32>
    %add3A_7 = arith.addf %add3A, %add3A_6 : vector<10000x1xf32>
    %rsqrt3A = math.rsqrt %add3A_7 : vector<10000x1xf32>
    %get3A_8 = arith.constant 0 : index
    %get3A_9 = arith.constant 0 : index
    %get3A_10 = vector.load %arg0[%get3A_8, %get3A_9] : memref<10000x256xf32, #tpu.memory_space<vmem>>, vector<10000x256xf32>
    %get3A_11 = arith.constant 0 : index
    %get3A_12 = arith.constant 0 : index
    %get3A_13 = vector.load %arg1[%get3A_11, %get3A_12] : memref<256x64xf32, #tpu.memory_space<vmem>>, vector<256x64xf32>
    %dot_general3A = arith.constant dense<0.000000e+00> : vector<10000x64xf32>
    %dot_general3A_14 = tpu.matmul %get3A_10, %get3A_13, %dot_general3A {dimension_numbers = #tpu.dot_dimension_numbers<[1], [0], [0], [1], [0, 0, 1, 1], [], []>, transpose_lhs_hint = false} : vector<10000x256xf32>, vector<256x64xf32>, vector<10000x64xf32> -> vector<10000x64xf32>
    %mul3A = vector.broadcast %rsqrt3A : vector<10000x1xf32> to vector<10000x64xf32>
    %mul3A_15 = arith.mulf %dot_general3A_14, %mul3A : vector<10000x64xf32>
    %swap3A = arith.constant 0 : index
    %swap3A_16 = arith.constant 0 : index
    %swap3A_17 = vector.load %arg4[%swap3A, %swap3A_16] : memref<10000x64xf32, #tpu.memory_space<vmem>>, vector<10000x64xf32>
    tpu.vector_store %arg4[%swap3A, %swap3A_16], %mul3A_15 {strides = array<i32>} : memref<10000x64xf32, #tpu.memory_space<vmem>>, vector<10000x64xf32>,
    return
  }
}

module attributes {stable_mosaic.version = 14 : i64} {
  func.func @body(%arg0: memref<10240x64xf32, #tpu.memory_space<vmem>>, %arg1: memref<10240x64xf32, #tpu.memory_space<vmem>>, %arg2: memref<10000x64xf32, #tpu.memory_space<vmem>>, %arg3: memref<10240x1xf32, #tpu.memory_space<vmem>>, %arg4: memref<10240x1xf32, #tpu.memory_space<vmem>>, %arg5: memref<64x64xf32, #tpu.memory_space<vmem>>, %arg6: memref<64xf32, #tpu.memory_space<vmem>>, %arg7: memref<10000x64xf32, #tpu.memory_space<vmem>>) attributes {dimension_semantics = [], scalar_prefetch = 0 : i64, scratch_operands = 0 : i64, tpu.core_type = #tpu.core_type<tc>} {
    %get3A = arith.constant 0 : index
    %get3A_0 = arith.constant 0 : index
    %get3A_1 = vector.load %arg3[%get3A, %get3A_0] : memref<10240x1xf32, #tpu.memory_space<vmem>>, vector<10000x1xf32>
    %get3A_2 = arith.constant 0 : index
    %get3A_3 = arith.constant 0 : index
    %get3A_4 = vector.load %arg4[%get3A_2, %get3A_3] : memref<10240x1xf32, #tpu.memory_space<vmem>>, vector<10000x1xf32>
    %add3A = arith.addf %get3A_1, %get3A_4 : vector<10000x1xf32>
    %add3A_5 = arith.constant 1.000000e+00 : f32
    %add3A_6 = vector.broadcast %add3A_5 : f32 to vector<10000x1xf32>
    %add3A_7 = arith.addf %add3A, %add3A_6 : vector<10000x1xf32>
    %rsqrt3A = math.rsqrt %add3A_7 : vector<10000x1xf32>
    %get3A_8 = arith.constant 0 : index
    %get3A_9 = arith.constant 0 : index
    %get3A_10 = vector.load %arg0[%get3A_8, %get3A_9] : memref<10240x64xf32, #tpu.memory_space<vmem>>, vector<10000x64xf32>
    %get3A_11 = arith.constant 0 : index
    %get3A_12 = arith.constant 0 : index
    %get3A_13 = vector.load %arg1[%get3A_11, %get3A_12] : memref<10240x64xf32, #tpu.memory_space<vmem>>, vector<10000x64xf32>
    %add3A_14 = arith.addf %get3A_10, %get3A_13 : vector<10000x64xf32>
    %get3A_15 = arith.constant 0 : index
    %get3A_16 = arith.constant 0 : index
    %get3A_17 = vector.load %arg2[%get3A_15, %get3A_16] : memref<10000x64xf32, #tpu.memory_space<vmem>>, vector<10000x64xf32>
    %add3A_18 = arith.addf %add3A_14, %get3A_17 : vector<10000x64xf32>
    %mul3A = vector.broadcast %rsqrt3A : vector<10000x1xf32> to vector<10000x64xf32>
    %mul3A_19 = arith.mulf %add3A_18, %mul3A : vector<10000x64xf32>
    %get3A_20 = arith.constant 0 : index
    %get3A_21 = vector.load %arg6[%get3A_20] : memref<64xf32, #tpu.memory_space<vmem>>, vector<64xf32>
    %broadcast_in_dim3A = vector.shape_cast %get3A_21 : vector<64xf32> to vector<1x64xf32>
    %add3A_22 = vector.broadcast %broadcast_in_dim3A : vector<1x64xf32> to vector<10000x64xf32>
    %add3A_23 = arith.addf %mul3A_19, %add3A_22 : vector<10000x64xf32>
    %max3A = arith.constant 0.000000e+00 : f32
    %max3A_24 = vector.broadcast %max3A : f32 to vector<10000x64xf32>
    %max3A_25 = arith.maximumf %add3A_23, %max3A_24 : vector<10000x64xf32>
    %get3A_26 = arith.constant 0 : index
    %get3A_27 = arith.constant 0 : index
    %get3A_28 = vector.load %arg5[%get3A_26, %get3A_27] : memref<64x64xf32, #tpu.memory_space<vmem>>, vector<64x64xf32>
    %dot_general3A = arith.constant dense<0.000000e+00> : vector<10000x64xf32>
    %dot_general3A_29 = tpu.matmul %max3A_25, %get3A_28, %dot_general3A {dimension_numbers = #tpu.dot_dimension_numbers<[1], [0], [0], [1], [0, 0, 1, 1], [], []>, transpose_lhs_hint = false} : vector<10000x64xf32>, vector<64x64xf32>, vector<10000x64xf32> -> vector<10000x64xf32>
    %mul3A_30 = vector.broadcast %rsqrt3A : vector<10000x1xf32> to vector<10000x64xf32>
    %mul3A_31 = arith.mulf %dot_general3A_29, %mul3A_30 : vector<10000x64xf32>
    %swap3A = arith.constant 0 : index
    %swap3A_32 = arith.constant 0 : index
    %swap3A_33 = vector.load %arg7[%swap3A, %swap3A_32] : memref<10000x64xf32, #tpu.memory_space<vmem>>, vector<10000x64xf32>
    tpu.vector_store %arg7[%swap3A, %swap3A_32], %mul3A_31 {strides = array<i32>} : memref<10000x64xf32, #tpu.memory_space<vmem>>, vector<10000x64xf32>,
    return
  }
}

module attributes {stable_mosaic.version = 14 : i64} {
  func.func @body(%arg0: memref<10240x64xf32, #tpu.memory_space<vmem>>, %arg1: memref<10240x64xf32, #tpu.memory_space<vmem>>, %arg2: memref<10000x64xf32, #tpu.memory_space<vmem>>, %arg3: memref<10240x1xf32, #tpu.memory_space<vmem>>, %arg4: memref<10240x1xf32, #tpu.memory_space<vmem>>, %arg5: memref<64xf32, #tpu.memory_space<vmem>>, %arg6: memref<64x64xf32, #tpu.memory_space<vmem>>, %arg7: memref<64xf32, #tpu.memory_space<vmem>>, %arg8: memref<64x1xf32, #tpu.memory_space<vmem>>, %arg9: memref<1xf32, #tpu.memory_space<vmem>>, %arg10: memref<10000x1xf32, #tpu.memory_space<vmem>>, %arg11: memref<10000x1xf32, #tpu.memory_space<vmem>>, %arg12: memref<10000x128xf32, #tpu.memory_space<vmem>>) attributes {dimension_semantics = [], scalar_prefetch = 0 : i64, scratch_operands = 0 : i64, tpu.core_type = #tpu.core_type<tc>} {
    %get3A = arith.constant 0 : index
    %get3A_0 = arith.constant 0 : index
    %get3A_1 = vector.load %arg3[%get3A, %get3A_0] : memref<10240x1xf32, #tpu.memory_space<vmem>>, vector<10000x1xf32>
    %get3A_2 = arith.constant 0 : index
    %get3A_3 = arith.constant 0 : index
    %get3A_4 = vector.load %arg4[%get3A_2, %get3A_3] : memref<10240x1xf32, #tpu.memory_space<vmem>>, vector<10000x1xf32>
    %add3A = arith.addf %get3A_1, %get3A_4 : vector<10000x1xf32>
    %add3A_5 = arith.constant 1.000000e+00 : f32
    %add3A_6 = vector.broadcast %add3A_5 : f32 to vector<10000x1xf32>
    %add3A_7 = arith.addf %add3A, %add3A_6 : vector<10000x1xf32>
    %rsqrt3A = math.rsqrt %add3A_7 : vector<10000x1xf32>
    %get3A_8 = arith.constant 0 : index
    %get3A_9 = arith.constant 0 : index
    %get3A_10 = vector.load %arg0[%get3A_8, %get3A_9] : memref<10240x64xf32, #tpu.memory_space<vmem>>, vector<10000x64xf32>
    %get3A_11 = arith.constant 0 : index
    %get3A_12 = arith.constant 0 : index
    %get3A_13 = vector.load %arg1[%get3A_11, %get3A_12] : memref<10240x64xf32, #tpu.memory_space<vmem>>, vector<10000x64xf32>
    %add3A_14 = arith.addf %get3A_10, %get3A_13 : vector<10000x64xf32>
    %get3A_15 = arith.constant 0 : index
    %get3A_16 = arith.constant 0 : index
    %get3A_17 = vector.load %arg2[%get3A_15, %get3A_16] : memref<10000x64xf32, #tpu.memory_space<vmem>>, vector<10000x64xf32>
    %add3A_18 = arith.addf %add3A_14, %get3A_17 : vector<10000x64xf32>
    %mul3A = vector.broadcast %rsqrt3A : vector<10000x1xf32> to vector<10000x64xf32>
    %mul3A_19 = arith.mulf %add3A_18, %mul3A : vector<10000x64xf32>
    %get3A_20 = arith.constant 0 : index
    %get3A_21 = vector.load %arg5[%get3A_20] : memref<64xf32, #tpu.memory_space<vmem>>, vector<64xf32>
    %broadcast_in_dim3A = vector.shape_cast %get3A_21 : vector<64xf32> to vector<1x64xf32>
    %add3A_22 = vector.broadcast %broadcast_in_dim3A : vector<1x64xf32> to vector<10000x64xf32>
    %add3A_23 = arith.addf %mul3A_19, %add3A_22 : vector<10000x64xf32>
    %get3A_24 = arith.constant 0 : index
    %get3A_25 = arith.constant 0 : index
    %get3A_26 = vector.load %arg6[%get3A_24, %get3A_25] : memref<64x64xf32, #tpu.memory_space<vmem>>, vector<64x64xf32>
    %dot_general3A = arith.constant dense<0.000000e+00> : vector<10000x64xf32>
    %dot_general3A_27 = tpu.matmul %add3A_23, %get3A_26, %dot_general3A {dimension_numbers = #tpu.dot_dimension_numbers<[1], [0], [0], [1], [0, 0, 1, 1], [], []>, transpose_lhs_hint = false} : vector<10000x64xf32>, vector<64x64xf32>, vector<10000x64xf32> -> vector<10000x64xf32>
    %get3A_28 = arith.constant 0 : index
    %get3A_29 = vector.load %arg7[%get3A_28] : memref<64xf32, #tpu.memory_space<vmem>>, vector<64xf32>
    %broadcast_in_dim3A_30 = vector.shape_cast %get3A_29 : vector<64xf32> to vector<1x64xf32>
    %add3A_31 = vector.broadcast %broadcast_in_dim3A_30 : vector<1x64xf32> to vector<10000x64xf32>
    %add3A_32 = arith.addf %dot_general3A_27, %add3A_31 : vector<10000x64xf32>
    %max3A = arith.constant 0.000000e+00 : f32
    %max3A_33 = vector.broadcast %max3A : f32 to vector<10000x64xf32>
    %max3A_34 = arith.maximumf %add3A_32, %max3A_33 : vector<10000x64xf32>
    %get3A_35 = arith.constant 0 : index
    %get3A_36 = arith.constant 0 : index
    %get3A_37 = vector.load %arg8[%get3A_35, %get3A_36] : memref<64x1xf32, #tpu.memory_space<vmem>>, vector<64x1xf32>
    %dot_general3A_38 = arith.constant dense<0.000000e+00> : vector<10000x1xf32>
    %dot_general3A_39 = tpu.matmul %max3A_34, %get3A_37, %dot_general3A_38 {dimension_numbers = #tpu.dot_dimension_numbers<[1], [0], [0], [1], [0, 0, 1, 1], [], []>, transpose_lhs_hint = false} : vector<10000x64xf32>, vector<64x1xf32>, vector<10000x1xf32> -> vector<10000x1xf32>
    %get3A_40 = arith.constant 0 : index
    %get3A_41 = vector.load %arg9[%get3A_40] : memref<1xf32, #tpu.memory_space<vmem>>, vector<1xf32>
    %broadcast_in_dim3A_42 = vector.shape_cast %get3A_41 : vector<1xf32> to vector<1x1xf32>
    %add3A_43 = vector.broadcast %broadcast_in_dim3A_42 : vector<1x1xf32> to vector<10000x1xf32>
    %add3A_44 = arith.addf %dot_general3A_39, %add3A_43 : vector<10000x1xf32>
    %swap3A = arith.constant 0 : index
    %swap3A_45 = arith.constant 0 : index
    %swap3A_46 = vector.load %arg11[%swap3A, %swap3A_45] : memref<10000x1xf32, #tpu.memory_space<vmem>>, vector<10000x1xf32>
    tpu.vector_store %arg11[%swap3A, %swap3A_45], %add3A_44 {strides = array<i32>} : memref<10000x1xf32, #tpu.memory_space<vmem>>, vector<10000x1xf32>,
    %iota3A = tpu.iota {dimensions = array<i32: 0>} : vector<10000x1xi32>
    %convert_element_type3A = arith.sitofp %iota3A : vector<10000x1xi32> to vector<10000x1xf32>
    %get3A_47 = arith.constant 0 : index
    %get3A_48 = arith.constant 0 : index
    %get3A_49 = vector.load %arg10[%get3A_47, %get3A_48] : memref<10000x1xf32, #tpu.memory_space<vmem>>, vector<10000x1xf32>
    %broadcast_in_dim3A_50 = arith.constant 0.000000e+00 : f32
    %broadcast_in_dim3A_51 = vector.broadcast %broadcast_in_dim3A_50 : f32 to vector<10000x62xf32>
    %concatenate3A = tpu.concatenate %add3A_23, %get3A_49, %convert_element_type3A, %broadcast_in_dim3A_51 in 1 : vector<10000x64xf32>, vector<10000x1xf32>, vector<10000x1xf32>, vector<10000x62xf32> -> vector<10000x128xf32>
    %swap3A_52 = arith.constant 0 : index
    %swap3A_53 = arith.constant 0 : index
    %swap3A_54 = vector.load %arg12[%swap3A_52, %swap3A_53] : memref<10000x128xf32, #tpu.memory_space<vmem>>, vector<10000x128xf32>
    tpu.vector_store %arg12[%swap3A_52, %swap3A_53], %concatenate3A {strides = array<i32>} : memref<10000x128xf32, #tpu.memory_space<vmem>>, vector<10000x128xf32>,
    return
  }
}

module attributes {stable_mosaic.version = 14 : i64} {
  func.func @body(%arg0: i32, %arg1: memref<3200x128xf32, #tpu.memory_space<vmem>>, %arg2: memref<3200x128xf32, #tpu.memory_space<vmem>>, %arg3: memref<64x192xf32, #tpu.memory_space<vmem>>, %arg4: memref<64x192xf32, #tpu.memory_space<vmem>>, %arg5: memref<192xf32, #tpu.memory_space<vmem>>, %arg6: memref<64x1xf32, #tpu.memory_space<vmem>>, %arg7: memref<1xf32, #tpu.memory_space<vmem>>, %arg8: memref<128x50xf32, #tpu.memory_space<vmem>>, %arg9: memref<50xf32, #tpu.memory_space<vmem>>, %arg10: memref<1x3200xf32, #tpu.memory_space<vmem>>, %arg11: memref<50x3200xf32, #tpu.memory_space<vmem>>) attributes {dimension_semantics = [#tpu.dimension_semantics<arbitrary>], iteration_bounds = array<i64: 50>, scalar_prefetch = 0 : i64, scratch_operands = 0 : i64, tpu.core_type = #tpu.core_type<tc>, window_params = [{transform_indices = @transform_0, window_bounds = array<i64: 3200, 128>}, {transform_indices = @transform_1, window_bounds = array<i64: 3200, 128>}, {pipeline_mode = #tpu.pipeline_mode<synchronous>, transform_indices = @transform_2, window_bounds = array<i64: 64, 192>}, {pipeline_mode = #tpu.pipeline_mode<synchronous>, transform_indices = @transform_3, window_bounds = array<i64: 64, 192>}, {pipeline_mode = #tpu.pipeline_mode<synchronous>, transform_indices = @transform_4, window_bounds = array<i64: 192>}, {pipeline_mode = #tpu.pipeline_mode<synchronous>, transform_indices = @transform_5, window_bounds = array<i64: 64, 1>}, {pipeline_mode = #tpu.pipeline_mode<synchronous>, transform_indices = @transform_6, window_bounds = array<i64: 1>}, {pipeline_mode = #tpu.pipeline_mode<synchronous>, transform_indices = @transform_7, window_bounds = array<i64: 128, 50>}, {pipeline_mode = #tpu.pipeline_mode<synchronous>, transform_indices = @transform_8, window_bounds = array<i64: 50>}, {transform_indices = @transform_9, window_bounds = array<i64: 1, 3200>}, {transform_indices = @transform_10, window_bounds = array<i64: 50, 3200>}]} {
    %get3A = arith.constant 0 : index
    %get3A_0 = arith.constant 0 : index
    %get3A_1 = vector.load %arg1[%get3A, %get3A_0] : memref<3200x128xf32, #tpu.memory_space<vmem>>, vector<3200x64xf32>
    %get3A_2 = arith.constant 0 : index
    %get3A_3 = arith.constant 0 : index
    %get3A_4 = vector.load %arg2[%get3A_2, %get3A_3] : memref<3200x128xf32, #tpu.memory_space<vmem>>, vector<3200x64xf32>
    %get3A_5 = arith.constant 0 : index
    %get3A_6 = arith.constant 64 : index
    %get3A_7 = vector.load %arg1[%get3A_5, %get3A_6] : memref<3200x128xf32, #tpu.memory_space<vmem>>, vector<3200x1xf32>
    %get3A_8 = arith.constant 0 : index
    %get3A_9 = arith.constant 64 : index
    %get3A_10 = vector.load %arg2[%get3A_8, %get3A_9] : memref<3200x128xf32, #tpu.memory_space<vmem>>, vector<3200x1xf32>
    %get3A_11 = arith.constant 0 : index
    %get3A_12 = arith.constant 0 : index
    %get3A_13 = vector.load %arg3[%get3A_11, %get3A_12] : memref<64x192xf32, #tpu.memory_space<vmem>>, vector<64x192xf32>
    %dot_general3A = arith.constant dense<0.000000e+00> : vector<3200x192xf32>
    %dot_general3A_14 = tpu.matmul %get3A_1, %get3A_13, %dot_general3A {dimension_numbers = #tpu.dot_dimension_numbers<[1], [0], [0], [1], [0, 0, 1, 1], [], []>, transpose_lhs_hint = false} : vector<3200x64xf32>, vector<64x192xf32>, vector<3200x192xf32> -> vector<3200x192xf32>
    %get3A_15 = arith.constant 0 : index
    %get3A_16 = arith.constant 0 : index
    %get3A_17 = vector.load %arg4[%get3A_15, %get3A_16] : memref<64x192xf32, #tpu.memory_space<vmem>>, vector<64x192xf32>
    %dot_general3A_18 = arith.constant dense<0.000000e+00> : vector<3200x192xf32>
    %dot_general3A_19 = tpu.matmul %get3A_4, %get3A_17, %dot_general3A_18 {dimension_numbers = #tpu.dot_dimension_numbers<[1], [0], [0], [1], [0, 0, 1, 1], [], []>, transpose_lhs_hint = false} : vector<3200x64xf32>, vector<64x192xf32>, vector<3200x192xf32> -> vector<3200x192xf32>
    %add3A = arith.addf %dot_general3A_14, %dot_general3A_19 : vector<3200x192xf32>
    %get3A_20 = arith.constant 0 : index
    %get3A_21 = vector.load %arg5[%get3A_20] : memref<192xf32, #tpu.memory_space<vmem>>, vector<192xf32>
    %broadcast_in_dim3A = vector.shape_cast %get3A_21 : vector<192xf32> to vector<1x192xf32>
    %add3A_22 = vector.broadcast %broadcast_in_dim3A : vector<1x192xf32> to vector<3200x192xf32>
    %add3A_23 = arith.addf %add3A, %add3A_22 : vector<3200x192xf32>
    %max3A = arith.constant 0.000000e+00 : f32
    %max3A_24 = vector.broadcast %max3A : f32 to vector<3200x192xf32>
    %max3A_25 = arith.maximumf %add3A_23, %max3A_24 : vector<3200x192xf32>
    %slice3A = vector.extract_strided_slice %max3A_25 {offsets = [0, 0], sizes = [3200, 64], strides = [1, 1]} : vector<3200x192xf32> to vector<3200x64xf32>
    %get3A_26 = arith.constant 0 : index
    %get3A_27 = arith.constant 0 : index
    %get3A_28 = vector.load %arg6[%get3A_26, %get3A_27] : memref<64x1xf32, #tpu.memory_space<vmem>>, vector<64x1xf32>
    %dot_general3A_29 = arith.constant dense<0.000000e+00> : vector<3200x1xf32>
    %dot_general3A_30 = tpu.matmul %slice3A, %get3A_28, %dot_general3A_29 {dimension_numbers = #tpu.dot_dimension_numbers<[1], [0], [0], [1], [0, 0, 1, 1], [], []>, transpose_lhs_hint = false} : vector<3200x64xf32>, vector<64x1xf32>, vector<3200x1xf32> -> vector<3200x1xf32>
    %get3A_31 = arith.constant 0 : index
    %get3A_32 = vector.load %arg7[%get3A_31] : memref<1xf32, #tpu.memory_space<vmem>>, vector<1xf32>
    %broadcast_in_dim3A_33 = vector.shape_cast %get3A_32 : vector<1xf32> to vector<1x1xf32>
    %add3A_34 = vector.broadcast %broadcast_in_dim3A_33 : vector<1x1xf32> to vector<3200x1xf32>
    %add3A_35 = arith.addf %dot_general3A_30, %add3A_34 : vector<3200x1xf32>
    %le3A = arith.constant 2.000000e+00 : f32
    %le3A_36 = vector.broadcast %le3A : f32 to vector<3200x1xf32>
    %le3A_37 = arith.cmpf ole, %get3A_7, %le3A_36 : vector<3200x1xf32>
    %mul3A = arith.constant 3.000000e+00 : f32
    %mul3A_38 = vector.broadcast %mul3A : f32 to vector<3200x1xf32>
    %mul3A_39 = arith.mulf %mul3A_38, %get3A_7 : vector<3200x1xf32>
    %ge3A = arith.cmpf oge, %get3A_10, %mul3A_39 : vector<3200x1xf32>
    %or3A = arith.ori %le3A_37, %ge3A : vector<3200x1xi1>
    %convert_element_type3A = arith.extui %or3A : vector<3200x1xi1> to vector<3200x1xi32>
    %convert_element_type3A_40 = arith.sitofp %convert_element_type3A : vector<3200x1xi32> to vector<3200x1xf32>
    %get3A_41 = arith.constant 0 : index
    %get3A_42 = arith.constant 65 : index
    %get3A_43 = vector.load %arg1[%get3A_41, %get3A_42] : memref<3200x128xf32, #tpu.memory_space<vmem>>, vector<3200x1xf32>
    %get3A_44 = arith.constant 0 : index
    %get3A_45 = arith.constant 65 : index
    %get3A_46 = vector.load %arg2[%get3A_44, %get3A_45] : memref<3200x128xf32, #tpu.memory_space<vmem>>, vector<3200x1xf32>
    %eq3A = arith.cmpf oeq, %get3A_43, %get3A_46 : vector<3200x1xf32>
    %convert_element_type3A_47 = arith.extui %eq3A : vector<3200x1xi1> to vector<3200x1xi32>
    %convert_element_type3A_48 = arith.sitofp %convert_element_type3A_47 : vector<3200x1xi32> to vector<3200x1xf32>
    %sub3A = arith.subf %add3A_35, %convert_element_type3A_40 : vector<3200x1xf32>
    %mul3A_49 = arith.constant 1.000000e+02 : f32
    %mul3A_50 = vector.broadcast %mul3A_49 : f32 to vector<3200x1xf32>
    %mul3A_51 = arith.mulf %mul3A_50, %convert_element_type3A_48 : vector<3200x1xf32>
    %sub3A_52 = arith.subf %sub3A, %mul3A_51 : vector<3200x1xf32>
    %transpose3A = tpu.transpose %sub3A_52, [1, 0] : vector<3200x1xf32> -> vector<1x3200xf32>
    %swap3A = arith.constant 0 : index
    %swap3A_53 = arith.constant 0 : index
    %swap3A_54 = vector.load %arg10[%swap3A, %swap3A_53] : memref<1x3200xf32, #tpu.memory_space<vmem>>, vector<1x3200xf32>
    tpu.vector_store %arg10[%swap3A, %swap3A_53], %transpose3A {strides = array<i32>} : memref<1x3200xf32, #tpu.memory_space<vmem>>, vector<1x3200xf32>,
    %slice3A_55 = vector.extract_strided_slice %max3A_25 {offsets = [0, 64], sizes = [3200, 128], strides = [1, 1]} : vector<3200x192xf32> to vector<3200x128xf32>
    %get3A_56 = arith.constant 0 : index
    %get3A_57 = arith.constant 0 : index
    %get3A_58 = vector.load %arg8[%get3A_56, %get3A_57] : memref<128x50xf32, #tpu.memory_space<vmem>>, vector<128x50xf32>
    %dot_general3A_59 = arith.constant dense<0.000000e+00> : vector<3200x50xf32>
    %dot_general3A_60 = tpu.matmul %slice3A_55, %get3A_58, %dot_general3A_59 {dimension_numbers = #tpu.dot_dimension_numbers<[1], [0], [0], [1], [0, 0, 1, 1], [], []>, transpose_lhs_hint = false} : vector<3200x128xf32>, vector<128x50xf32>, vector<3200x50xf32> -> vector<3200x50xf32>
    %get3A_61 = arith.constant 0 : index
    %get3A_62 = vector.load %arg9[%get3A_61] : memref<50xf32, #tpu.memory_space<vmem>>, vector<50xf32>
    %broadcast_in_dim3A_63 = vector.shape_cast %get3A_62 : vector<50xf32> to vector<1x50xf32>
    %add3A_64 = vector.broadcast %broadcast_in_dim3A_63 : vector<1x50xf32> to vector<3200x50xf32>
    %add3A_65 = arith.addf %dot_general3A_60, %add3A_64 : vector<3200x50xf32>
    %iota3A = tpu.iota {dimensions = array<i32: 1>} : vector<3200x50xi32>
    %convert_element_type3A_66 = arith.sitofp %iota3A : vector<3200x50xi32> to vector<3200x50xf32>
    %sub3A_67 = arith.constant 1.000000e+00 : f32
    %sub3A_68 = vector.broadcast %sub3A_67 : f32 to vector<3200x1xf32>
    %sub3A_69 = arith.subf %get3A_7, %sub3A_68 : vector<3200x1xf32>
    %le3A_70 = vector.broadcast %sub3A_69 : vector<3200x1xf32> to vector<3200x50xf32>
    %le3A_71 = arith.cmpf ole, %convert_element_type3A_66, %le3A_70 : vector<3200x50xf32>
    %jit3A = arith.constant -1.000000e+09 : f32
    %broadcast_in_dim3A_72 = vector.broadcast %jit3A : f32 to vector<3200x50xf32>
    %select_n3A = arith.select %le3A_71, %add3A_65, %broadcast_in_dim3A_72 : vector<3200x50xi1>, vector<3200x50xf32>
    %transpose3A_73 = tpu.transpose %select_n3A, [1, 0] : vector<3200x50xf32> -> vector<50x3200xf32>
    %swap3A_74 = arith.constant 0 : index
    %swap3A_75 = arith.constant 0 : index
    %swap3A_76 = vector.load %arg11[%swap3A_74, %swap3A_75] : memref<50x3200xf32, #tpu.memory_space<vmem>>, vector<50x3200xf32>
    tpu.vector_store %arg11[%swap3A_74, %swap3A_75], %transpose3A_73 {strides = array<i32>} : memref<50x3200xf32, #tpu.memory_space<vmem>>, vector<50x3200xf32>,
    return
  }
  func.func @transform_0(%arg0: i32) -> (i32, i32) {
    %c0_i32 = arith.constant 0 : i32
    %c0_i32_0 = arith.constant 0 : i32
    return %arg0, %c0_i32 : i32, i32
  }
  func.func @transform_1(%arg0: i32) -> (i32, i32) {
    %c0_i32 = arith.constant 0 : i32
    %c0_i32_0 = arith.constant 0 : i32
    return %arg0, %c0_i32 : i32, i32
  }
  func.func @transform_2(%arg0: i32) -> (i32, i32) {
    %c0_i32 = arith.constant 0 : i32
    %c0_i32_0 = arith.constant 0 : i32
    %c0_i32_1 = arith.constant 0 : i32
    return %c0_i32, %c0_i32_0 : i32, i32
  }
  func.func @transform_3(%arg0: i32) -> (i32, i32) {
    %c0_i32 = arith.constant 0 : i32
    %c0_i32_0 = arith.constant 0 : i32
    %c0_i32_1 = arith.constant 0 : i32
    return %c0_i32, %c0_i32_0 : i32, i32
  }
  func.func @transform_4(%arg0: i32) -> i32 {
    %c0_i32 = arith.constant 0 : i32
    %c0_i32_0 = arith.constant 0 : i32
    return %c0_i32 : i32
  }
  func.func @transform_5(%arg0: i32) -> (i32, i32) {
    %c0_i32 = arith.constant 0 : i32
    %c0_i32_0 = arith.constant 0 : i32
    %c0_i32_1 = arith.constant 0 : i32
    return %c0_i32, %c0_i32_0 : i32, i32
  }
  func.func @transform_6(%arg0: i32) -> i32 {
    %c0_i32 = arith.constant 0 : i32
    %c0_i32_0 = arith.constant 0 : i32
    return %c0_i32 : i32
  }
  func.func @transform_7(%arg0: i32) -> (i32, i32) {
    %c0_i32 = arith.constant 0 : i32
    %c0_i32_0 = arith.constant 0 : i32
    %c0_i32_1 = arith.constant 0 : i32
    return %c0_i32, %c0_i32_0 : i32, i32
  }
  func.func @transform_8(%arg0: i32) -> i32 {
    %c0_i32 = arith.constant 0 : i32
    %c0_i32_0 = arith.constant 0 : i32
    return %c0_i32 : i32
  }
  func.func @transform_9(%arg0: i32) -> (i32, i32) {
    %c0_i32 = arith.constant 0 : i32
    %c0_i32_0 = arith.constant 0 : i32
    return %c0_i32, %arg0 : i32, i32
  }
  func.func @transform_10(%arg0: i32) -> (i32, i32) {
    %c0_i32 = arith.constant 0 : i32
    %c0_i32_0 = arith.constant 0 : i32
    return %c0_i32, %arg0 : i32, i32
  }
}

</mosaic_0001>

<sc_bundles>
// kernel: kernel.10.cloned.1.call-start
scs
__scs_entry_jumppad:
0x0: {  	(pc) =	sbr.rel $0x88, $3  }
0x1: {  	(tag) =	ssettag $0x0;
	lr =	simm.s32 $0x1  }
0x2: {  	[smem:$0x3F8D] =	sst lr;
	_ =	strace $0xD0000000  }
0x3: {  	_ = 	snop  }
0x4: {  	_ = 	snop  }
0x5: {  	_ = 	snop  }
0x6: {  	_ = 	snop  }
0x7: {  	_ = 	snop  }
__scs_overlays_trampoline_lowered:
0x8: {  	[smem:$0x3F9C] =	sst s0  }
0x9: {  	[smem:$0x3F9D] =	sst s1  }
0xa: {  	[smem:$0x3F9E] =	sst s2  }
0xb: {  	[smem:$0x3F9F] =	sst s3  }
0xc: {  	[smem:$0x3FA0] =	sst s4  }
0xd: {  	[smem:$0x3FA1] =	sst s5  }
0xe: {  	[smem:$0x3FA2] =	sst s6  }
0xf: {  	[smem:$0x3FA3] =	sst s7  }
0x10: {  	[smem:$0x3FA4] =	sst s8  }
0x11: {  	[smem:$0x3FA5] =	sst s9;
	s0 =	simm.s32 @!p0 $0x0  }
0x12: {  	s1 =	sld [smem:$0x3F8B];
	s0 =	simm.s32 @p0 $0x1  }
0x13: {  	[smem:$0x3FA6] =	sst s0;
	s0 =	simm.s32 @!p1 $0x0  }
0x14: {  	s2 =	sld [smem:$0x3F8A];
	s0 =	simm.s32 @p1 $0x1  }
0x15: {  	[smem:$0x3FA7] =	sst s0;
	s0 =	simm.s32 @!p2 $0x0  }
0x16: {  	s3 =	sld [smem:$0x3FDB];
	s0 =	simm.s32 @p2 $0x1  }
0x17: {  	s4 =	simm.s32 $0x1BF5;
	[smem:$0x3FA9] =	sst s0  }
0x18: {  	s0 =	sld [smem:$0x3F8C];
	_ =	swait.ge [sflag:s4], $0x0  }
0x19: {  	s7 =	sld [smem:$0x3F8D]  }
0x1a: {  	s8 =	sadd.s32 $0xFFFFE003, lr  }
0x1b: {  	s9 =	sadd.s32 $0xFFFFFEF7, lr;
	s5 =	simm.s32 $0xFFFFFFFF;
	p2 =	slt.u32 s8, $0xFFFFF086  }
0x1c: {  	p1 =	slt.u32 s9, $0xF7A;
	s5 =	simm.s32 @!p2 $0x0  }
0x1d: {  	s5 =	simm.s32 @p1 $0x1;
	p0 =	seq.s32 s7, s2  }
0x1e: {  	s7 =	smul.u32 @!p0 $0xF7A, s2;
	p2 =	seq.s32 @!p0 s5, $0x0  }
0x1f: {  	s9 =	smul.u32 $0xF7A, s1;
	s8 =	simm.s32 @!p0 $0x1BF5;
	p2 =	por !p2, p0  }
0x20: {  	[sflag:s8] =	ssyncset.s32 @!p0 $0xFFFFF086;
	s6 =	sadd.s32 @!p0 s3, s7;
	s7 =	simm.s32 @!p0 $0x108  }
0x21: {  	s3 =	sadd.s32 s3, s9;
	s6 =	sadd.s32 @!p0 $0x88, s6;
	s7 =	simm.s32 @p2 $0x1082  }
0x22: {  	[simem:s7], [sflag:s8] =	dma.local @!p0 [hbm:s6], $0xF7A  }
0x23: {  	s9 =	sor.u32 $0xD0000000, s2;
	s6 =	simm.s32 $0x108;
	_ =	swait.ge @!p0 [sflag:s8], $0x0  }
0x24: {  	s3 =	sadd.s32 $0x88, s3;
	s6 =	simm.s32 @!p1 $0x1082;
	[sflag:s4] =	ssyncset.s32 $0xFFFFF086  }
0x25: {  	[simem:s6], [sflag:s4] =	dma.local [hbm:s3], $0xF7A  }
0x26: {  	[smem:$0x3F8D] =	sst s1;
	(tag) =	ssettag s2;
	_ =	strace s9  }
0x27: {  	s1 =	sld [smem:$0x3F9D]  }
0x28: {  	s2 =	sld [smem:$0x3F9E]  }
0x29: {  	s4 =	sld [smem:$0x3FA0]  }
0x2a: {  	p0 =	seq.s32 s5, $0x0;
	s5 =	sld [smem:$0x3FA1]  }
0x2b: {  	s6 =	sld [smem:$0x3FA2]  }
0x2c: {  	s7 =	sld [smem:$0x3FA3]  }
0x2d: {  	s3 =	simm.s32 $0x108;
	s8 =	sld [smem:$0x3FA4]  }
0x2e: {  	s3 =	simm.s32 @!p0 $0x1082;
	s9 =	sld [smem:$0x3FA5]  }
0x2f: {  	lr =	sadd.s32 s0, s3;
	s0 =	sld [smem:$0x3F9C]  }
0x30: {  	s3 =	sld [smem:$0x3F9F]  }
0x31: {  	[smem:$0x3FA8] =	sst s10  }
0x32: {  	s10 =	sld [smem:$0x3FA6];
	_ =	sdelay $0x3  }
0x33: {  	p0 =	seq.s32 s10, $0x1;
	s10 =	sld [smem:$0x3FA8];
	_ =	sdelay $0x3  }
0x34: {  	[smem:$0x3FA8] =	sst s10  }
0x35: {  	s10 =	sld [smem:$0x3FA7];
	_ =	sdelay $0x3  }
0x36: {  	p1 =	seq.s32 s10, $0x1;
	s10 =	sld [smem:$0x3FA8];
	_ =	sdelay $0x3  }
0x37: {  	[smem:$0x3FA8] =	sst s10  }
0x38: {  	s10 =	sld [smem:$0x3FA9]  }
0x39: {  	_ = 	snop;
	(pc) =	sbr.ind lr, $3  }
0x3a: {  	_ = 	snop  }
0x3b: {  	_ = 	snop  }
0x3c: {  	p2 =	seq.s32 s10, $0x1;
	s10 =	sld [smem:$0x3FA8]  }
0x3d: {  	_ =	shalt  }
0x3e: {  	_ =	shalt  }
0x3f: {  	_ =	shalt  }
0x40: {  	_ =	shalt  }
0x41: {  	_ =	shalt  }
0x42: {  	_ =	shalt  }
0x43: {  	_ =	shalt  }
0x44: {  	_ =	shalt  }
0x45: {  	_ =	shalt  }
0x46: {  	_ =	shalt  }
0x47: {  	_ =	shalt  }
0x48: {  	_ =	shalt  }
0x49: {  	_ =	shalt  }
0x4a: {  	_ =	shalt  }
0x4b: {  	_ =	shalt  }
0x4c: {  	_ =	shalt  }
0x4d: {  	_ =	shalt  }
0x4e: {  	_ =	shalt  }
0x4f: {  	_ =	shalt  }
0x50: {  	_ =	shalt  }
0x51: {  	_ =	shalt  }
0x52: {  	_ =	shalt  }
0x53: {  	_ =	shalt  }
0x54: {  	_ =	shalt  }
0x55: {  	_ =	shalt  }
0x56: {  	_ =	shalt  }
0x57: {  	_ =	shalt  }
0x58: {  	_ =	shalt  }
0x59: {  	_ =	shalt  }
0x5a: {  	_ =	shalt  }
0x5b: {  	_ =	shalt  }
0x5c: {  	_ =	shalt  }
0x5d: {  	_ =	shalt  }
0x5e: {  	_ =	shalt  }
0x5f: {  	_ =	shalt  }
0x60: {  	_ =	shalt  }
0x61: {  	_ =	shalt  }
0x62: {  	_ =	shalt  }
0x63: {  	_ =	shalt  }
0x64: {  	_ =	shalt  }
0x65: {  	_ =	shalt  }
0x66: {  	_ =	shalt  }
0x67: {  	_ =	shalt  }
0x68: {  	_ =	shalt  }
0x69: {  	_ =	shalt  }
0x6a: {  	_ =	shalt  }
0x6b: {  	_ =	shalt  }
0x6c: {  	_ =	shalt  }
0x6d: {  	_ =	shalt  }
0x6e: {  	_ =	shalt  }
0x6f: {  	_ =	shalt  }
0x70: {  	_ =	shalt  }
0x71: {  	_ =	shalt  }
0x72: {  	_ =	shalt  }
0x73: {  	_ =	shalt  }
0x74: {  	_ =	shalt  }
0x75: {  	_ =	shalt  }
0x76: {  	_ =	shalt  }
0x77: {  	_ =	shalt  }
0x78: {  	_ =	shalt  }
0x79: {  	_ =	shalt  }
0x7a: {  	_ =	shalt  }
0x7b: {  	_ =	shalt  }
0x7c: {  	_ =	shalt  }
0x7d: {  	_ =	shalt  }
0x7e: {  	_ =	shalt  }
0x7f: {  	_ =	shalt  }
0x80: {  	_ =	shalt  }
0x81: {  	_ =	shalt  }
0x82: {  	_ =	shalt  }
0x83: {  	_ =	shalt  }
0x84: {  	_ =	shalt  }
0x85: {  	_ =	shalt  }
0x86: {  	_ =	shalt  }
0x87: {  	_ =	shalt  }
.Lfunc_end0:
.L_simem_size_0:
called_computation_lowered:
.L_overlay_start_0:
0x88: {  	s2 =	sld [smem:$0x3FD9]  }
0x89: {  	s3 =	sld [smem:$0x3FFE];
	_ =	sdelay $0x1  }
0x8a: {  	s1 =	srdreg.scid  }
0x8b: {  	s0 =	sand.u32 $0x1, s1  }
0x8c: {  	s14 =	sshll.u32 s0, $0xA;
	s2 =	sadd.s32 s3, s2  }
0x8d: {  	s2 =	sadd.s32 s2, s14  }
0x8e: {  	[smem:$0x3FB4] =	sst s2  }
0x8f: {  	_ = 	snop  }
0x90: {  	s2 =	sld [smem:$0x3FD0];
	_ =	sdelay $0x2  }
0x91: {  	s15 =	simm.s32 $0xA;
	s4 =	simm.s32 $0x10  }
0x92: {  	[smem:s4], [sflag:s15] =	dma.local [hbm:s2], $0x1  }
0x93: {  	_ =	swait.eq [sflag:s15], $0x1  }
0x94: {  	s16 =	sld [smem:$0x10];
	[sflag:s15] =	ssyncset.done $0x0  }
0x95: {  	s17 =	sld [smem:$0x11];
	[sflag:s15] =	ssyncadd.s32 $0xFFFFFFFF  }
0x96: {  	s18 =	sld [smem:$0x12];
	(tm) =	ssettm $0x1  }
0x97: {  	s5 =	sld [smem:$0x3FFB];
	_ =	sdelay $0x3  }
0x98: {  	_ =	strace s5  }
0x99: {  	s5 =	sld [smem:$0x3FFC];
	_ =	sdelay $0x3  }
0x9a: {  	_ =	strace s5  }
0x9b: {  	s5 =	sld [smem:$0x3FFD];
	_ =	sdelay $0x3  }
0x9c: {  	_ =	strace s5  }
0x9d: {  	_ =	strace $0x8FFFFFFF  }
0x9e: {  	s19 =	sld [smem:$0x3FDB];
	_ =	sdelay $0x1  }
0x9f: {  	s6 =	simm.s32 $_scs_section_size  }
0xa0: {  	s7 =	simm.s32 $_size__tile_overlayer_lowered;
	s8 =	simm.s32 $_tile_overlayer_lowered  }
0xa1: {  	s22 =	simm.s32 $0x1BFF;
	s21 =	sshll.u32 s8, $0x1;
	s5 =	sadd.s32 s6, s19  }
0xa2: {  	s9 =	simm.s32 $0x0;
	s20 =	sshll.u32 s7, $0x1;
	s7 =	sadd.s32 s21, s5  }
0xa3: {  	[timem:s9], [sflag:s22] =	dma.local [hbm:s7], s20  }
0xa4: {  	_ =	swait.ge [sflag:s22], s20  }
0xa5: {  	s6 =	ssub.s32 $0x0, s20;
	[sflag:s22] =	ssyncset.done $0x0  }
0xa6: {  	[sflag:s22] =	ssyncadd.s32 s6;
	_ =	sdelay $0x1  }
0xa7: {  	s23 =	simm.s32 $0x1B8B  }
0xa8: {  	_ =	swait.ge [sflag:s23], $0x1  }
0xa9: {  	[sflag:s23] =	ssyncset.done $0x0  }
0xaa: {  	s25 =	simm.s32 $0x1B8E;
	s24 =	sld [smem:$0x3FFE];
	[sflag:s23] =	ssyncadd.s32 $0xFFFFFFFF  }
0xab: {  	s26 =	simm.s32 $execute0_lowered;
	[smem:$0x3FD2] =	sst s25  }
0xac: {  	s7 =	sshll.u32 s26, $0x1;
	_ =	strace $0x80000046;
	[dreg:$0x1] =	wrdreg $0xFFFFFFFF  }
0xad: {  	s28 =	simm.s32 $_size_execute0_lowered;
	s5 =	sadd.s32 s5, s7;
	[dreg:$0x0] =	wrdreg $0x0  }
0xae: {  	s7 =	sshll.u32 s28, $0x1;
	[dreg:$0x2] =	wrdreg s5  }
0xaf: {  	[dreg:$0x3] =	wrdreg s7  }
0xb0: {  	[dreg:$0x4] =	wrdreg $0xC0  }
0xb1: {  	_ =	task [dreg:s9], $0x5FFFF  }
0xb2: {  	[dreg:$0x1] =	wrdreg $0xFFFFFFFF  }
0xb3: {  	[dreg:$0x0] =	wrdreg $0x60  }
0xb4: {  	[dreg:$0x2] =	wrdreg s24  }
0xb5: {  	[dreg:$0x3] =	wrdreg s18  }
0xb6: {  	[dreg:$0x4] =	wrdreg s16  }
0xb7: {  	[dreg:$0x5] =	wrdreg s17  }
0xb8: {  	[dreg:$0x6] =	wrdreg $0x20800  }
0xb9: {  	[dreg:$0x7] =	wrdreg $0x9  }
0xba: {  	_ =	task.clear_ibuf [dreg:s9], $0x8FFFF;
	_ =	strace $0x90000046  }
0xbb: {  	s29 =	simm.s32 $0x9;
	_ =	strace $0x80000048  }
0xbc: {  	_ =	swait.ge [sflag:s29], $0x1  }
0xbd: {  	[sflag:s29] =	ssyncadd.s32 $0xFFFFFFFF  }
0xbe: {  	_ =	strace $0x90000048  }
0xbf: {  	_ =	sfence  }
0xc0: {  	s30 =	sld [smem:$0x0];
	_ =	sdelay $0x2  }
0xc1: {  	s31 =	sshll.u32 s1, $0xD;
	s1 =	sshrl.u32 s1, $0x2  }
0xc2: {  	s3 =	sand.u32 $0x4000, s31;
	s1 =	sadd.s32 s1, s30  }
0xc3: {  	s0 =	sor.u32 s3, s0;
	s1 =	sshll.u32 s1, $0x11  }
0xc4: {  	s0 =	sor.u32 s1, s0  }
0xc5: {  	s0 =	sadd.s32 $0x8F2B, s0  }
0xc6: {  	[sflag:s0] =	ssyncadd.remote.s32 $0x1  }
0xc7: {  	_ =	sfence.sel $0xFFFF  }
0xc8: {  	[dreg:$0x0] =	wrdreg $0xFFFFFFFF;
	(pc) =	sbr.abs _section_cstart, $3  }
0xc9: {  	[dreg:$0x1] =	wrdreg $0xFFFFFFFF  }
0xca: {  	_ =	task.clear_ibuf [dreg:s9], $0x2FFFF;
	_ =	strace $0x9FFFFFFF  }
0xcb: {  	(tm) =	ssettm $0x7FFFFFFF  }
tec
execute0_lowered:
.L_overlay_start_1:
0x0: {  	(tag) =	ssettag $0x1  }
0x1: {  	s5 =	rddreg [dreg:$0x0]  }
0x2: {  	s1 =	rddreg [dreg:$0x1]  }
0x3: {  	s6 =	rddreg [dreg:$0x2]  }
0x4: {  	s9 =	rddreg [dreg:$0x3]  }
0x5: {  	s2 =	rddreg [dreg:$0x4];
	s3 =	srdreg.scid  }
0x6: {  	s0 =	rddreg [dreg:$0x5];
	s4 =	simm.s32 $0x0;
	s15 =	simm.s32 $0x0  }
0x7: {  	s7 =	sand.u32 $0x1, s3;
	[smem:$0x7FF] =	sst s4;
	s3 =	stileid.u32  }
0x8: {  	s8 =	ssub.s32 $0x2, s7;
	_ =	strace $0x80000047;
	s29 =	smul.u32 $0x280, s3  }
0x9: {  	s10 =	sshll.u32 s3, $0xA;
	p0 =	seq.s32 s7, $0x0;
	s12 =	smul.u32 $0x2800, s7  }
0xa: {  	s7 =	sshll.u32 s7, $0xE;
	s30 =	sshll.u32 s3, $0x6;
	s11 =	sshrl.u32 s8, $0x1  }
0xb: {  	s10 =	sadd.s32 s10, s5;
	s5 =	simm.s32 $0x40;
	s11 =	ssub.s32 s8, s11  }
0xc: {  	s5 =	simm.s32 @!p0 $0x10;
	s13 =	sadd.s32 s29, s2;
	s14 =	sshrl.u32 s29, $0x3  }
0xd: {  	s8 =	sadd.s32 s29, s12;
	s10 =	sadd.s32 s7, s10;
	s7 =	sor.u32 $0x1C01, s30  }
0xe: {  	s12 =	simm.s32 $0x1;
	s6 =	sadd.s32 s6, s14;
	s31 =	sshrl.u32 s8, $0x3  }
0xf: {  	s8 =	sadd.s32 $0x3E00, s10;
	s10 =	smax.u32 s11, $0x1;
	s11 =	sshrl.u32 s13, $0x3  }
0x10: {  	s13 =	simm.s32 $0x2000;
	s14 =	simm.s32 $0x80;
	s9 =	sadd.s32 s9, s31  }
.LBB2_1:
0x11: {  	[spmem:s11], [sflag:s7] =	dma.local [hbm:s6], $0x50  }
0x12: {  	_ =	swait.ge [sflag:s12], $0x50  }
0x13: {  	[sflag:s12] =	ssyncset.done $0x0  }
0x14: {  	[sflag:s12] =	ssyncadd.s32 $0xFFFFFFB0  }
0x15: {  	[tilespmem:s13], [sflag:$0x1] =	stream.linear.gather [hbm4b:s1+s4], $0x80, $0x38;
	[tilespmem:$0x2300] =	vst v63  }
0x16: {  	_ =	swait.ge [sflag:s12], $0x80  }
0x17: {  	[sflag:s12] =	ssyncset.done $0x0  }
0x18: {  	[sflag:s12] =	ssyncadd.s32 $0xFFFFFF80  }
0x19: {  	[tilespmem:s4], [sflag:$0x1] =	stream.linear.gather [hbm4b:s8+s4], $0x2000, $0x38;
	[tilespmem:$0x2300] =	vst v63  }
0x1a: {  	_ =	swait.ge [sflag:s12], $0x2000  }
0x1b: {  	p0 =	sne.s32 s5, $0x1;
	[sflag:s12] =	ssyncset.done $0x0  }
.Ltmp0:
0x1c: {  	[sflag:s12] =	ssyncadd.s32 $0xFFFFE000;
	(pc) =	sbr.rel @!p0 .LBB2_3-.Ltmp0, $4  }
0x1d: {  	[bflag:$0x0] =	sbarrier.arrive $0xFFFF  }
0x1e: {  	[spmem:s2] =	stream.indirect.scatter.add.f32 [tilespmem:s13], [sflag:$0x1], $0x1, s4, s14, $0xb8;
	[tilespmem:$0x2300] =	vst v63  }
0x1f: {  	_ =	swait.ge [sflag:s12], $0x80  }
0x20: {  	s16 =	sadd.s32 $0xFFFFFFFF, s5;
	s17 =	simm.s32 $0x0;
	[sflag:s12] =	ssyncset.done $0x0  }
.LBB2_2:
0x21: {  	p0 =	sne.s32 s16, $0x1;
	[sflag:s12] =	ssyncadd.s32 $0xFFFFFF80;
	s17 =	sadd.s32 $0x80, s17  }
.Ltmp1:
0x22: {  	s16 =	sadd.s32 $0xFFFFFFFF, s16;
	(pc) =	sbr.rel @p0 .LBB2_2-.Ltmp1, $4  }
0x23: {  	_ = 	snop  }
0x24: {  	[spmem:s2] =	stream.indirect.scatter.add.f32 [tilespmem:s13], [sflag:$0x1], $0x1, s17, s14, $0xb8;
	[tilespmem:$0x2300] =	vst v63  }
0x25: {  	_ =	swait.ge [sflag:s12], $0x80  }
0x26: {  	[sflag:s12] =	ssyncset.done $0x0  }
.LBB2_3:
0x27: {  	s15 =	sadd.s32 $0x1, s15  }
0x28: {  	[sflag:s12] =	ssyncadd.s32 $0xFFFFFF80;
	p0 =	sne.s32 s15, s10  }
.Ltmp2:
0x29: {  	[bflag:$0x0] =	sbarrier.arrive $0xFFFF;
	(pc) =	sbr.rel @p0 .LBB2_1-.Ltmp2, $4  }
0x2a: {  	[hbm:s9], [sflag:s7] =	dma.local [spmem:s11], $0x50  }
0x2b: {  	_ =	swait.ge [sflag:s12], $0x50  }
0x2c: {  	[sflag:s12] =	ssyncset.done $0x0  }
0x2d: {  	[sflag:s12] =	ssyncadd.s32 $0xFFFFFFB0  }
0x2e: {  	_ =	sfence.sel $0x180000  }
0x2f: {  	[bflag:$0x0] =	sbarrier.arrive $0xFFFF  }
0x30: {  	p0 =	sne.s32 s3, $0x0;
	_ =	strace $0x90000047  }
0x31: {  	s0 =	sadd.s32 @!p0 $0x100000, s0;
	[bflag:$0x2] =	sbarrier.arrive $0xFFFF  }
0x32: {  	[sflag:s0] =	ssyncadd.tile.s32 @!p0 $0x1;
	_ =	shalt  }
.Lfunc_end2:
_tile_overlayer_lowered:
.L_overlay_start_2:
0x33: {  	(tag) =	ssettag $0x2  }
0x34: {  	s0 =	rddreg [dreg:$0x0];
	s2 =	stileid.u32  }
0x35: {  	s1 =	rddreg [dreg:$0x1];
	p0 =	sne.s32 s2, $0x0  }
0x36: {  	s3 =	rddreg [dreg:$0x2];
	[bflag:$0x3] =	sbarrier.arrive $0xFFFF;
	s2 =	simm.s32 @!p0 $0x1C01  }
0x37: {  	[timem:s3], [sflag:s2] =	dma.local @!p0 [hbm:s0], s1  }
0x38: {  	s0 =	simm.s32 @!p0 $0x1  }
0x39: {  	_ =	swait.ge @!p0 [sflag:s0], s1  }
0x3a: {  	s1 =	ssub.s32 @!p0 $0x0, s1;
	[sflag:s0] =	ssyncset.done @!p0 $0x0  }
0x3b: {  	[sflag:s0] =	ssyncadd.s32 @!p0 s1  }
0x3c: {  	[bflag:$0x3] =	sbarrier.arrive $0xFFFF  }
0x3d: {  	_ =	shalt  }

// kernel: kernel.13.cloned.1.call-start
scs
__scs_entry_jumppad:
0x0: {  	(pc) =	sbr.rel $0x88, $3  }
0x1: {  	(tag) =	ssettag $0x0;
	lr =	simm.s32 $0x1  }
0x2: {  	[smem:$0x3F8D] =	sst lr;
	_ =	strace $0xD0000000  }
0x3: {  	_ = 	snop  }
0x4: {  	_ = 	snop  }
0x5: {  	_ = 	snop  }
0x6: {  	_ = 	snop  }
0x7: {  	_ = 	snop  }
__scs_overlays_trampoline_lowered:
0x8: {  	[smem:$0x3F9C] =	sst s0  }
0x9: {  	[smem:$0x3F9D] =	sst s1  }
0xa: {  	[smem:$0x3F9E] =	sst s2  }
0xb: {  	[smem:$0x3F9F] =	sst s3  }
0xc: {  	[smem:$0x3FA0] =	sst s4  }
0xd: {  	[smem:$0x3FA1] =	sst s5  }
0xe: {  	[smem:$0x3FA2] =	sst s6  }
0xf: {  	[smem:$0x3FA3] =	sst s7  }
0x10: {  	[smem:$0x3FA4] =	sst s8  }
0x11: {  	[smem:$0x3FA5] =	sst s9;
	s0 =	simm.s32 @!p0 $0x0  }
0x12: {  	s1 =	sld [smem:$0x3F8B];
	s0 =	simm.s32 @p0 $0x1  }
0x13: {  	[smem:$0x3FA6] =	sst s0;
	s0 =	simm.s32 @!p1 $0x0  }
0x14: {  	s2 =	sld [smem:$0x3F8A];
	s0 =	simm.s32 @p1 $0x1  }
0x15: {  	[smem:$0x3FA7] =	sst s0;
	s0 =	simm.s32 @!p2 $0x0  }
0x16: {  	s3 =	sld [smem:$0x3FDB];
	s0 =	simm.s32 @p2 $0x1  }
0x17: {  	s4 =	simm.s32 $0x1BF5;
	[smem:$0x3FA9] =	sst s0  }
0x18: {  	s0 =	sld [smem:$0x3F8C];
	_ =	swait.ge [sflag:s4], $0x0  }
0x19: {  	s7 =	sld [smem:$0x3F8D]  }
0x1a: {  	s8 =	sadd.s32 $0xFFFFE003, lr  }
0x1b: {  	s9 =	sadd.s32 $0xFFFFFEF7, lr;
	s5 =	simm.s32 $0xFFFFFFFF;
	p2 =	slt.u32 s8, $0xFFFFF086  }
0x1c: {  	p1 =	slt.u32 s9, $0xF7A;
	s5 =	simm.s32 @!p2 $0x0  }
0x1d: {  	s5 =	simm.s32 @p1 $0x1;
	p0 =	seq.s32 s7, s2  }
0x1e: {  	s7 =	smul.u32 @!p0 $0xF7A, s2;
	p2 =	seq.s32 @!p0 s5, $0x0  }
0x1f: {  	s9 =	smul.u32 $0xF7A, s1;
	s8 =	simm.s32 @!p0 $0x1BF5;
	p2 =	por !p2, p0  }
0x20: {  	[sflag:s8] =	ssyncset.s32 @!p0 $0xFFFFF086;
	s6 =	sadd.s32 @!p0 s3, s7;
	s7 =	simm.s32 @!p0 $0x108  }
0x21: {  	s3 =	sadd.s32 s3, s9;
	s6 =	sadd.s32 @!p0 $0x88, s6;
	s7 =	simm.s32 @p2 $0x1082  }
0x22: {  	[simem:s7], [sflag:s8] =	dma.local @!p0 [hbm:s6], $0xF7A  }
0x23: {  	s9 =	sor.u32 $0xD0000000, s2;
	s6 =	simm.s32 $0x108;
	_ =	swait.ge @!p0 [sflag:s8], $0x0  }
0x24: {  	s3 =	sadd.s32 $0x88, s3;
	s6 =	simm.s32 @!p1 $0x1082;
	[sflag:s4] =	ssyncset.s32 $0xFFFFF086  }
0x25: {  	[simem:s6], [sflag:s4] =	dma.local [hbm:s3], $0xF7A  }
0x26: {  	[smem:$0x3F8D] =	sst s1;
	(tag) =	ssettag s2;
	_ =	strace s9  }
0x27: {  	s1 =	sld [smem:$0x3F9D]  }
0x28: {  	s2 =	sld [smem:$0x3F9E]  }
0x29: {  	s4 =	sld [smem:$0x3FA0]  }
0x2a: {  	p0 =	seq.s32 s5, $0x0;
	s5 =	sld [smem:$0x3FA1]  }
0x2b: {  	s6 =	sld [smem:$0x3FA2]  }
0x2c: {  	s7 =	sld [smem:$0x3FA3]  }
0x2d: {  	s3 =	simm.s32 $0x108;
	s8 =	sld [smem:$0x3FA4]  }
0x2e: {  	s3 =	simm.s32 @!p0 $0x1082;
	s9 =	sld [smem:$0x3FA5]  }
0x2f: {  	lr =	sadd.s32 s0, s3;
	s0 =	sld [smem:$0x3F9C]  }
0x30: {  	s3 =	sld [smem:$0x3F9F]  }
0x31: {  	[smem:$0x3FA8] =	sst s10  }
0x32: {  	s10 =	sld [smem:$0x3FA6];
	_ =	sdelay $0x3  }
0x33: {  	p0 =	seq.s32 s10, $0x1;
	s10 =	sld [smem:$0x3FA8];
	_ =	sdelay $0x3  }
0x34: {  	[smem:$0x3FA8] =	sst s10  }
0x35: {  	s10 =	sld [smem:$0x3FA7];
	_ =	sdelay $0x3  }
0x36: {  	p1 =	seq.s32 s10, $0x1;
	s10 =	sld [smem:$0x3FA8];
	_ =	sdelay $0x3  }
0x37: {  	[smem:$0x3FA8] =	sst s10  }
0x38: {  	s10 =	sld [smem:$0x3FA9]  }
0x39: {  	_ = 	snop;
	(pc) =	sbr.ind lr, $3  }
0x3a: {  	_ = 	snop  }
0x3b: {  	_ = 	snop  }
0x3c: {  	p2 =	seq.s32 s10, $0x1;
	s10 =	sld [smem:$0x3FA8]  }
0x3d: {  	_ =	shalt  }
0x3e: {  	_ =	shalt  }
0x3f: {  	_ =	shalt  }
0x40: {  	_ =	shalt  }
0x41: {  	_ =	shalt  }
0x42: {  	_ =	shalt  }
0x43: {  	_ =	shalt  }
0x44: {  	_ =	shalt  }
0x45: {  	_ =	shalt  }
0x46: {  	_ =	shalt  }
0x47: {  	_ =	shalt  }
0x48: {  	_ =	shalt  }
0x49: {  	_ =	shalt  }
0x4a: {  	_ =	shalt  }
0x4b: {  	_ =	shalt  }
0x4c: {  	_ =	shalt  }
0x4d: {  	_ =	shalt  }
0x4e: {  	_ =	shalt  }
0x4f: {  	_ =	shalt  }
0x50: {  	_ =	shalt  }
0x51: {  	_ =	shalt  }
0x52: {  	_ =	shalt  }
0x53: {  	_ =	shalt  }
0x54: {  	_ =	shalt  }
0x55: {  	_ =	shalt  }
0x56: {  	_ =	shalt  }
0x57: {  	_ =	shalt  }
0x58: {  	_ =	shalt  }
0x59: {  	_ =	shalt  }
0x5a: {  	_ =	shalt  }
0x5b: {  	_ =	shalt  }
0x5c: {  	_ =	shalt  }
0x5d: {  	_ =	shalt  }
0x5e: {  	_ =	shalt  }
0x5f: {  	_ =	shalt  }
0x60: {  	_ =	shalt  }
0x61: {  	_ =	shalt  }
0x62: {  	_ =	shalt  }
0x63: {  	_ =	shalt  }
0x64: {  	_ =	shalt  }
0x65: {  	_ =	shalt  }
0x66: {  	_ =	shalt  }
0x67: {  	_ =	shalt  }
0x68: {  	_ =	shalt  }
0x69: {  	_ =	shalt  }
0x6a: {  	_ =	shalt  }
0x6b: {  	_ =	shalt  }
0x6c: {  	_ =	shalt  }
0x6d: {  	_ =	shalt  }
0x6e: {  	_ =	shalt  }
0x6f: {  	_ =	shalt  }
0x70: {  	_ =	shalt  }
0x71: {  	_ =	shalt  }
0x72: {  	_ =	shalt  }
0x73: {  	_ =	shalt  }
0x74: {  	_ =	shalt  }
0x75: {  	_ =	shalt  }
0x76: {  	_ =	shalt  }
0x77: {  	_ =	shalt  }
0x78: {  	_ =	shalt  }
0x79: {  	_ =	shalt  }
0x7a: {  	_ =	shalt  }
0x7b: {  	_ =	shalt  }
0x7c: {  	_ =	shalt  }
0x7d: {  	_ =	shalt  }
0x7e: {  	_ =	shalt  }
0x7f: {  	_ =	shalt  }
0x80: {  	_ =	shalt  }
0x81: {  	_ =	shalt  }
0x82: {  	_ =	shalt  }
0x83: {  	_ =	shalt  }
0x84: {  	_ =	shalt  }
0x85: {  	_ =	shalt  }
0x86: {  	_ =	shalt  }
0x87: {  	_ =	shalt  }
.Lfunc_end0:
.L_simem_size_0:
called_computation.1_lowered:
.L_overlay_start_0:
0x88: {  	s2 =	sld [smem:$0x3FD9]  }
0x89: {  	s3 =	sld [smem:$0x3FFE];
	_ =	sdelay $0x1  }
0x8a: {  	s1 =	srdreg.scid  }
0x8b: {  	s0 =	sand.u32 $0x1, s1  }
0x8c: {  	s16 =	sshll.u32 s0, $0xA;
	s2 =	sadd.s32 s3, s2  }
0x8d: {  	s2 =	sadd.s32 s2, s16  }
0x8e: {  	[smem:$0x3FB4] =	sst s2  }
0x8f: {  	_ = 	snop  }
0x90: {  	(tm) =	ssettm $0x1  }
0x91: {  	s17 =	sld [smem:$0x3FFB];
	_ =	sdelay $0x3  }
0x92: {  	_ =	strace s17  }
0x93: {  	s2 =	sld [smem:$0x3FFC];
	_ =	sdelay $0x3  }
0x94: {  	_ =	strace s2  }
0x95: {  	s2 =	sld [smem:$0x3FFD];
	_ =	sdelay $0x3  }
0x96: {  	_ =	strace s2  }
0x97: {  	_ =	strace $0x8FFFFFFF  }
0x98: {  	s18 =	sld [smem:$0x3FDB];
	_ =	sdelay $0x1  }
0x99: {  	s19 =	simm.s32 $_scs_section_size  }
0x9a: {  	s4 =	simm.s32 $_size__tile_overlayer_lowered;
	s5 =	simm.s32 $_tile_overlayer_lowered  }
0x9b: {  	s22 =	simm.s32 $0x1BFF;
	s21 =	sshll.u32 s5, $0x1;
	s2 =	sadd.s32 s19, s18  }
0x9c: {  	s6 =	simm.s32 $0x0;
	s20 =	sshll.u32 s4, $0x1;
	s4 =	sadd.s32 s21, s2  }
0x9d: {  	[timem:s6], [sflag:s22] =	dma.local [hbm:s4], s20  }
0x9e: {  	_ =	swait.ge [sflag:s22], s20  }
0x9f: {  	s3 =	ssub.s32 $0x0, s20;
	[sflag:s22] =	ssyncset.done $0x0  }
0xa0: {  	[sflag:s22] =	ssyncadd.s32 s3;
	_ =	sdelay $0x1  }
0xa1: {  	s23 =	simm.s32 $0x1B8B  }
0xa2: {  	_ =	swait.ge [sflag:s23], $0x1  }
0xa3: {  	[sflag:s23] =	ssyncset.done $0x0  }
0xa4: {  	s25 =	simm.s32 $0x1B8E;
	s24 =	sld [smem:$0x3FFE];
	[sflag:s23] =	ssyncadd.s32 $0xFFFFFFFF  }
0xa5: {  	s26 =	simm.s32 $execute0_lowered;
	[smem:$0x3FD2] =	sst s25  }
0xa6: {  	s4 =	sshll.u32 s26, $0x1;
	_ =	strace $0x80000049;
	[dreg:$0x1] =	wrdreg $0xFFFFFFFF  }
0xa7: {  	s28 =	simm.s32 $_size_execute0_lowered;
	s2 =	sadd.s32 s2, s4;
	[dreg:$0x0] =	wrdreg $0x0  }
0xa8: {  	s4 =	sshll.u32 s28, $0x1;
	[dreg:$0x2] =	wrdreg s2  }
0xa9: {  	[dreg:$0x3] =	wrdreg s4  }
0xaa: {  	[dreg:$0x4] =	wrdreg $0xC0  }
0xab: {  	_ =	task [dreg:s6], $0x5FFFF  }
0xac: {  	[dreg:$0x1] =	wrdreg $0xFFFFFFFF  }
0xad: {  	[dreg:$0x0] =	wrdreg $0x60  }
0xae: {  	[dreg:$0x2] =	wrdreg s24  }
0xaf: {  	[dreg:$0x3] =	wrdreg $0x80000  }
0xb0: {  	[dreg:$0x4] =	wrdreg $0x9  }
0xb1: {  	_ =	task.clear_ibuf [dreg:s6], $0x5FFFF;
	_ =	strace $0x90000049  }
0xb2: {  	s29 =	simm.s32 $0x9;
	_ =	strace $0x8000004B  }
0xb3: {  	_ =	swait.ge [sflag:s29], $0x1  }
0xb4: {  	[sflag:s29] =	ssyncadd.s32 $0xFFFFFFFF  }
0xb5: {  	_ =	strace $0x9000004B  }
0xb6: {  	_ =	sfence  }
0xb7: {  	s30 =	sld [smem:$0x0];
	_ =	sdelay $0x2  }
0xb8: {  	s31 =	sshll.u32 s1, $0xD;
	s1 =	sshrl.u32 s1, $0x2  }
0xb9: {  	s3 =	sand.u32 $0x4000, s31;
	s1 =	sadd.s32 s1, s30  }
0xba: {  	s0 =	sor.u32 s3, s0;
	s1 =	sshll.u32 s1, $0x11  }
0xbb: {  	s0 =	sor.u32 s1, s0  }
0xbc: {  	s0 =	sadd.s32 $0x8F2B, s0  }
0xbd: {  	[sflag:s0] =	ssyncadd.remote.s32 $0x1  }
0xbe: {  	_ =	sfence.sel $0xFFFF  }
0xbf: {  	[dreg:$0x0] =	wrdreg $0xFFFFFFFF;
	(pc) =	sbr.abs _section_cstart, $3  }
0xc0: {  	[dreg:$0x1] =	wrdreg $0xFFFFFFFF  }
0xc1: {  	_ =	task.clear_ibuf [dreg:s6], $0x2FFFF;
	_ =	strace $0x9FFFFFFF  }
0xc2: {  	(tm) =	ssettm $0x7FFFFFFF  }
0xc3: {  	_ =	shalt  }
tec
execute0_lowered:
.L_overlay_start_1:
0x0: {  	(tag) =	ssettag $0x1  }
0x1: {  	s5 =	rddreg [dreg:$0x0]  }
0x2: {  	s2 =	rddreg [dreg:$0x1]  }
0x3: {  	s0 =	rddreg [dreg:$0x2];
	s3 =	simm.s32 $0x0;
	s4 =	srdreg.scid  }
0x4: {  	s1 =	stileid.u32;
	s15 =	simm.s32 $0x4000;
	s16 =	simm.s32 $0x80  }
0x5: {  	s17 =	simm.s32 $0x6000;
	s18 =	simm.s32 $0x1;
	s19 =	simm.s32 $0x2  }
0x6: {  	s20 =	simm.s32 $0x0;
	[smem:$0x7FF] =	sst s3;
	s6 =	sand.u32 $0x1, s4  }
0x7: {  	s7 =	smul.u32 $0xA000, s1;
	s8 =	sshll.u32 s1, $0xA;
	s31 =	sshll.u32 s1, $0x6  }
0x8: {  	s4 =	sshll.u32 s6, $0xE;
	s9 =	smul.u32 $0xA0000, s6;
	_ =	strace $0x8000004A  }
0x9: {  	s11 =	ssub.s32 $0x2, s6;
	p0 =	seq.s32 s6, $0x0;
	s8 =	sor.u32 s8, s4  }
0xa: {  	s4 =	sadd.s32 $0x63000, s5;
	s29 =	sshrl.u32 s7, $0x3;
	s30 =	sshrl.u32 s11, $0x1  }
0xb: {  	s14 =	sadd.s32 s7, s2;
	s10 =	sadd.s32 s8, s5;
	s28 =	sadd.s32 s7, s9  }
0xc: {  	s9 =	sadd.s32 s29, s5;
	s13 =	ssub.s32 s11, s30;
	s7 =	sor.u32 $0x1C03, s31  }
0xd: {  	s8 =	sshrl.u32 s28, $0x3;
	s6 =	sadd.s32 $0x76A00, s9;
	s9 =	sadd.s32 $0x3E00, s10  }
0xe: {  	s12 =	sadd.s32 s8, s5;
	s5 =	simm.s32 $0x40;
	s8 =	sadd.s32 $0xBE00, s10  }
0xf: {  	s5 =	simm.s32 @!p0 $0x10;
	s11 =	sadd.s32 $0x8AA00, s12;
	s12 =	smax.u32 s13, $0x1  }
0x10: {  	s13 =	sshrl.u32 s14, $0x3;
	s14 =	simm.s32 $0x3;
	s10 =	sshrl.u32 s5, $0x1  }
.LBB2_1:
0x11: {  	[spmem:s13], [sflag:s7] =	dma.local [hbm:s6], $0x1400  }
0x12: {  	_ =	swait.ge [sflag:s14], $0x1400  }
0x13: {  	[sflag:s14] =	ssyncset.done $0x0  }
0x14: {  	[sflag:s14] =	ssyncadd.s32 $0xFFFFEC00  }
0x15: {  	[tilespmem:s3], [sflag:$0x3] =	stream.linear.gather [hbm4b:s8+s3], $0x2000, $0x38;
	[tilespmem:$0x12000] =	vst v63  }
0x16: {  	_ =	swait.ge [sflag:s14], $0x2000  }
0x17: {  	[sflag:s14] =	ssyncset.done $0x0  }
0x18: {  	s21 =	simm.s32 $0x2000;
	[sflag:s14] =	ssyncadd.s32 $0xFFFFE000  }
0x19: {  	[tilespmem:s21], [sflag:$0x3] =	stream.linear.gather [hbm4b:s9+s3], $0x2000, $0x38;
	[tilespmem:$0x12000] =	vst v63  }
0x1a: {  	_ =	swait.ge [sflag:s14], $0x2000  }
0x1b: {  	[sflag:s14] =	ssyncset.done $0x0  }
0x1c: {  	[sflag:s14] =	ssyncadd.s32 $0xFFFFE000  }
0x1d: {  	[bflag:$0x0] =	sbarrier.arrive $0xFFFF  }
0x1e: {  	[tilespmem:s15], [sflag:$0x1] =	stream.indirect.gather [hbm4b:s4+s16], $0x40, s3, s16, $0xb8;
	[tilespmem:$0x12000] =	vst v63  }
0x1f: {  	_ = 	snop  }
0x20: {  	[tilespmem:s17], [sflag:$0x2] =	stream.indirect.gather [hbm4b:s4+s16], $0x40, s16, s16, $0xb8;
	[tilespmem:$0x12000] =	vst v63  }
0x21: {  	_ =	swait.ge [sflag:s18], $0x2000  }
0x22: {  	[sflag:s18] =	ssyncset.done $0x0  }
0x23: {  	[sflag:s18] =	ssyncadd.s32 $0xFFFFE000  }
0x24: {  	[spmem:s2] =	stream.indirect.scatter.add.f32 [tilespmem:s15], [sflag:$0x3], $0x40, s21, s16, $0xb8;
	[tilespmem:$0x12000] =	vst v63  }
0x25: {  	p0 =	sle.u32 s5, $0x2;
	_ =	swait.ge [sflag:s14], $0x2000  }
0x26: {  	s22 =	simm.s32 @!p0 $0x100;
	[sflag:s14] =	ssyncset.done $0x0  }
0x27: {  	s23 =	simm.s32 @!p0 $0x80;
	s24 =	simm.s32 @!p0 $0x4000;
	[sflag:s14] =	ssyncadd.s32 $0xFFFFE000  }
0x28: {  	[tilespmem:s24], [sflag:$0x1] =	stream.indirect.gather @!p0 [hbm4b:s4+s23], $0x40, s22, s23, $0xb8;
	[tilespmem:$0x12000] =	vst v63  }
0x29: {  	s22 =	sadd.s32 $0xFFFFFFFF, s10  }
0x2a: {  	p0 =	sne.s32 s22, $0x0  }
.Ltmp0:
0x2b: {  	_ =	swait.ge [sflag:s19], $0x2000;
	(pc) =	sbr.rel @!p0 .LBB2_3-.Ltmp0, $4  }
0x2c: {  	[sflag:s19] =	ssyncset.done $0x0  }
0x2d: {  	s31 =	simm.s32 $0x2080;
	[sflag:s19] =	ssyncadd.s32 $0xFFFFE000  }
0x2e: {  	[spmem:s2] =	stream.indirect.scatter.add.f32 [tilespmem:s17], [sflag:$0x3], $0x40, s31, s16, $0xb8;
	[tilespmem:$0x12000] =	vst v63  }
0x2f: {  	s23 =	simm.s32 $0x180;
	s24 =	simm.s32 $0x4;
	_ =	swait.ge [sflag:s14], $0x2000  }
.LBB2_2:
0x30: {  	s22 =	sadd.s32 $0xFFFFFFFF, s22;
	[sflag:s14] =	ssyncset.done $0x0;
	s21 =	sadd.s32 $0x100, s21  }
0x31: {  	p0 =	sne.s32 s22, $0x0;
	[sflag:s14] =	ssyncadd.s32 $0xFFFFE000  }
0x32: {  	[tilespmem:s17], [sflag:$0x2] =	stream.indirect.gather [hbm4b:s4+s16], $0x40, s23, s16, $0xb8;
	[tilespmem:$0x12000] =	vst v63  }
0x33: {  	_ =	swait.ge [sflag:s18], $0x2000  }
0x34: {  	[sflag:s18] =	ssyncset.done $0x0  }
0x35: {  	[sflag:s18] =	ssyncadd.s32 $0xFFFFE000  }
0x36: {  	[spmem:s2] =	stream.indirect.scatter.add.f32 [tilespmem:s15], [sflag:$0x3], $0x40, s21, s16, $0xb8;
	[tilespmem:$0x12000] =	vst v63  }
0x37: {  	p1 =	sge.u32 s24, s5;
	_ =	swait.ge [sflag:s14], $0x2000  }
0x38: {  	s25 =	sadd.s32 @!p1 $0x80, s23;
	s26 =	simm.s32 @!p1 $0x80;
	[sflag:s14] =	ssyncset.done $0x0  }
0x39: {  	s28 =	simm.s32 @!p1 $0x4000;
	[sflag:s14] =	ssyncadd.s32 $0xFFFFE000  }
0x3a: {  	[tilespmem:s28], [sflag:$0x1] =	stream.indirect.gather @!p1 [hbm4b:s4+s26], $0x40, s25, s26, $0xb8;
	[tilespmem:$0x12000] =	vst v63  }
.Ltmp1:
0x3b: {  	_ =	swait.ge [sflag:s19], $0x2000;
	(pc) =	sbr.rel @p0 .LBB2_2-.Ltmp1, $4  }
0x3c: {  	s25 =	sadd.s32 $0x80, s21;
	[sflag:s19] =	ssyncset.done $0x0  }
0x3d: {  	[sflag:s19] =	ssyncadd.s32 $0xFFFFE000  }
0x3e: {  	[spmem:s2] =	stream.indirect.scatter.add.f32 [tilespmem:s17], [sflag:$0x3], $0x40, s25, s16, $0xb8;
	[tilespmem:$0x12000] =	vst v63  }
0x3f: {  	s24 =	sadd.s32 $0x2, s24;
	s23 =	sadd.s32 $0x100, s23;
	_ =	swait.ge [sflag:s14], $0x2000  }
.LBB2_3:
0x40: {  	[sflag:s14] =	ssyncset.done $0x0;
	s20 =	sadd.s32 $0x1, s20  }
0x41: {  	[sflag:s14] =	ssyncadd.s32 $0xFFFFE000;
	p0 =	sne.s32 s20, s12  }
.Ltmp2:
0x42: {  	[bflag:$0x0] =	sbarrier.arrive $0xFFFF;
	(pc) =	sbr.rel @p0 .LBB2_1-.Ltmp2, $4  }
0x43: {  	[hbm:s11], [sflag:s7] =	dma.local [spmem:s13], $0x1400  }
0x44: {  	_ =	swait.ge [sflag:s14], $0x1400  }
0x45: {  	[sflag:s14] =	ssyncset.done $0x0  }
0x46: {  	[sflag:s14] =	ssyncadd.s32 $0xFFFFEC00  }
0x47: {  	_ =	sfence.sel $0x180000  }
0x48: {  	[bflag:$0x0] =	sbarrier.arrive $0xFFFF  }
0x49: {  	p0 =	sne.s32 s1, $0x0;
	_ =	strace $0x9000004A  }
0x4a: {  	s0 =	sadd.s32 @!p0 $0x100000, s0;
	[bflag:$0x2] =	sbarrier.arrive $0xFFFF  }
0x4b: {  	[sflag:s0] =	ssyncadd.tile.s32 @!p0 $0x1;
	_ =	shalt  }
.Lfunc_end2:
_tile_overlayer_lowered:
.L_overlay_start_2:
0x4c: {  	(tag) =	ssettag $0x2  }
0x4d: {  	s0 =	rddreg [dreg:$0x0];
	s2 =	stileid.u32  }
0x4e: {  	s1 =	rddreg [dreg:$0x1];
	p0 =	sne.s32 s2, $0x0  }
0x4f: {  	s3 =	rddreg [dreg:$0x2];
	[bflag:$0x3] =	sbarrier.arrive $0xFFFF;
	s2 =	simm.s32 @!p0 $0x1C03  }
0x50: {  	[timem:s3], [sflag:s2] =	dma.local @!p0 [hbm:s0], s1  }
0x51: {  	s0 =	simm.s32 @!p0 $0x3  }
0x52: {  	_ =	swait.ge @!p0 [sflag:s0], s1  }
0x53: {  	s1 =	ssub.s32 @!p0 $0x0, s1;
	[sflag:s0] =	ssyncset.done @!p0 $0x0  }
0x54: {  	[sflag:s0] =	ssyncadd.s32 @!p0 s1  }
0x55: {  	[bflag:$0x3] =	sbarrier.arrive $0xFFFF  }
0x56: {  	_ =	shalt  }

// kernel: kernel.16.cloned.1.call-start
scs
__scs_entry_jumppad:
0x0: {  	(pc) =	sbr.rel $0x88, $3  }
0x1: {  	(tag) =	ssettag $0x0;
	lr =	simm.s32 $0x1  }
0x2: {  	[smem:$0x3F8D] =	sst lr;
	_ =	strace $0xD0000000  }
0x3: {  	_ = 	snop  }
0x4: {  	_ = 	snop  }
0x5: {  	_ = 	snop  }
0x6: {  	_ = 	snop  }
0x7: {  	_ = 	snop  }
__scs_overlays_trampoline_lowered:
0x8: {  	[smem:$0x3F9C] =	sst s0  }
0x9: {  	[smem:$0x3F9D] =	sst s1  }
0xa: {  	[smem:$0x3F9E] =	sst s2  }
0xb: {  	[smem:$0x3F9F] =	sst s3  }
0xc: {  	[smem:$0x3FA0] =	sst s4  }
0xd: {  	[smem:$0x3FA1] =	sst s5  }
0xe: {  	[smem:$0x3FA2] =	sst s6  }
0xf: {  	[smem:$0x3FA3] =	sst s7  }
0x10: {  	[smem:$0x3FA4] =	sst s8  }
0x11: {  	[smem:$0x3FA5] =	sst s9;
	s0 =	simm.s32 @!p0 $0x0  }
0x12: {  	s1 =	sld [smem:$0x3F8B];
	s0 =	simm.s32 @p0 $0x1  }
0x13: {  	[smem:$0x3FA6] =	sst s0;
	s0 =	simm.s32 @!p1 $0x0  }
0x14: {  	s2 =	sld [smem:$0x3F8A];
	s0 =	simm.s32 @p1 $0x1  }
0x15: {  	[smem:$0x3FA7] =	sst s0;
	s0 =	simm.s32 @!p2 $0x0  }
0x16: {  	s3 =	sld [smem:$0x3FDB];
	s0 =	simm.s32 @p2 $0x1  }
0x17: {  	s4 =	simm.s32 $0x1BF5;
	[smem:$0x3FA9] =	sst s0  }
0x18: {  	s0 =	sld [smem:$0x3F8C];
	_ =	swait.ge [sflag:s4], $0x0  }
0x19: {  	s7 =	sld [smem:$0x3F8D]  }
0x1a: {  	s8 =	sadd.s32 $0xFFFFE003, lr  }
0x1b: {  	s9 =	sadd.s32 $0xFFFFFEF7, lr;
	s5 =	simm.s32 $0xFFFFFFFF;
	p2 =	slt.u32 s8, $0xFFFFF086  }
0x1c: {  	p1 =	slt.u32 s9, $0xF7A;
	s5 =	simm.s32 @!p2 $0x0  }
0x1d: {  	s5 =	simm.s32 @p1 $0x1;
	p0 =	seq.s32 s7, s2  }
0x1e: {  	s7 =	smul.u32 @!p0 $0xF7A, s2;
	p2 =	seq.s32 @!p0 s5, $0x0  }
0x1f: {  	s9 =	smul.u32 $0xF7A, s1;
	s8 =	simm.s32 @!p0 $0x1BF5;
	p2 =	por !p2, p0  }
0x20: {  	[sflag:s8] =	ssyncset.s32 @!p0 $0xFFFFF086;
	s6 =	sadd.s32 @!p0 s3, s7;
	s7 =	simm.s32 @!p0 $0x108  }
0x21: {  	s3 =	sadd.s32 s3, s9;
	s6 =	sadd.s32 @!p0 $0x88, s6;
	s7 =	simm.s32 @p2 $0x1082  }
0x22: {  	[simem:s7], [sflag:s8] =	dma.local @!p0 [hbm:s6], $0xF7A  }
0x23: {  	s9 =	sor.u32 $0xD0000000, s2;
	s6 =	simm.s32 $0x108;
	_ =	swait.ge @!p0 [sflag:s8], $0x0  }
0x24: {  	s3 =	sadd.s32 $0x88, s3;
	s6 =	simm.s32 @!p1 $0x1082;
	[sflag:s4] =	ssyncset.s32 $0xFFFFF086  }
0x25: {  	[simem:s6], [sflag:s4] =	dma.local [hbm:s3], $0xF7A  }
0x26: {  	[smem:$0x3F8D] =	sst s1;
	(tag) =	ssettag s2;
	_ =	strace s9  }
0x27: {  	s1 =	sld [smem:$0x3F9D]  }
0x28: {  	s2 =	sld [smem:$0x3F9E]  }
0x29: {  	s4 =	sld [smem:$0x3FA0]  }
0x2a: {  	p0 =	seq.s32 s5, $0x0;
	s5 =	sld [smem:$0x3FA1]  }
0x2b: {  	s6 =	sld [smem:$0x3FA2]  }
0x2c: {  	s7 =	sld [smem:$0x3FA3]  }
0x2d: {  	s3 =	simm.s32 $0x108;
	s8 =	sld [smem:$0x3FA4]  }
0x2e: {  	s3 =	simm.s32 @!p0 $0x1082;
	s9 =	sld [smem:$0x3FA5]  }
0x2f: {  	lr =	sadd.s32 s0, s3;
	s0 =	sld [smem:$0x3F9C]  }
0x30: {  	s3 =	sld [smem:$0x3F9F]  }
0x31: {  	[smem:$0x3FA8] =	sst s10  }
0x32: {  	s10 =	sld [smem:$0x3FA6];
	_ =	sdelay $0x3  }
0x33: {  	p0 =	seq.s32 s10, $0x1;
	s10 =	sld [smem:$0x3FA8];
	_ =	sdelay $0x3  }
0x34: {  	[smem:$0x3FA8] =	sst s10  }
0x35: {  	s10 =	sld [smem:$0x3FA7];
	_ =	sdelay $0x3  }
0x36: {  	p1 =	seq.s32 s10, $0x1;
	s10 =	sld [smem:$0x3FA8];
	_ =	sdelay $0x3  }
0x37: {  	[smem:$0x3FA8] =	sst s10  }
0x38: {  	s10 =	sld [smem:$0x3FA9]  }
0x39: {  	_ = 	snop;
	(pc) =	sbr.ind lr, $3  }
0x3a: {  	_ = 	snop  }
0x3b: {  	_ = 	snop  }
0x3c: {  	p2 =	seq.s32 s10, $0x1;
	s10 =	sld [smem:$0x3FA8]  }
0x3d: {  	_ =	shalt  }
0x3e: {  	_ =	shalt  }
0x3f: {  	_ =	shalt  }
0x40: {  	_ =	shalt  }
0x41: {  	_ =	shalt  }
0x42: {  	_ =	shalt  }
0x43: {  	_ =	shalt  }
0x44: {  	_ =	shalt  }
0x45: {  	_ =	shalt  }
0x46: {  	_ =	shalt  }
0x47: {  	_ =	shalt  }
0x48: {  	_ =	shalt  }
0x49: {  	_ =	shalt  }
0x4a: {  	_ =	shalt  }
0x4b: {  	_ =	shalt  }
0x4c: {  	_ =	shalt  }
0x4d: {  	_ =	shalt  }
0x4e: {  	_ =	shalt  }
0x4f: {  	_ =	shalt  }
0x50: {  	_ =	shalt  }
0x51: {  	_ =	shalt  }
0x52: {  	_ =	shalt  }
0x53: {  	_ =	shalt  }
0x54: {  	_ =	shalt  }
0x55: {  	_ =	shalt  }
0x56: {  	_ =	shalt  }
0x57: {  	_ =	shalt  }
0x58: {  	_ =	shalt  }
0x59: {  	_ =	shalt  }
0x5a: {  	_ =	shalt  }
0x5b: {  	_ =	shalt  }
0x5c: {  	_ =	shalt  }
0x5d: {  	_ =	shalt  }
0x5e: {  	_ =	shalt  }
0x5f: {  	_ =	shalt  }
0x60: {  	_ =	shalt  }
0x61: {  	_ =	shalt  }
0x62: {  	_ =	shalt  }
0x63: {  	_ =	shalt  }
0x64: {  	_ =	shalt  }
0x65: {  	_ =	shalt  }
0x66: {  	_ =	shalt  }
0x67: {  	_ =	shalt  }
0x68: {  	_ =	shalt  }
0x69: {  	_ =	shalt  }
0x6a: {  	_ =	shalt  }
0x6b: {  	_ =	shalt  }
0x6c: {  	_ =	shalt  }
0x6d: {  	_ =	shalt  }
0x6e: {  	_ =	shalt  }
0x6f: {  	_ =	shalt  }
0x70: {  	_ =	shalt  }
0x71: {  	_ =	shalt  }
0x72: {  	_ =	shalt  }
0x73: {  	_ =	shalt  }
0x74: {  	_ =	shalt  }
0x75: {  	_ =	shalt  }
0x76: {  	_ =	shalt  }
0x77: {  	_ =	shalt  }
0x78: {  	_ =	shalt  }
0x79: {  	_ =	shalt  }
0x7a: {  	_ =	shalt  }
0x7b: {  	_ =	shalt  }
0x7c: {  	_ =	shalt  }
0x7d: {  	_ =	shalt  }
0x7e: {  	_ =	shalt  }
0x7f: {  	_ =	shalt  }
0x80: {  	_ =	shalt  }
0x81: {  	_ =	shalt  }
0x82: {  	_ =	shalt  }
0x83: {  	_ =	shalt  }
0x84: {  	_ =	shalt  }
0x85: {  	_ =	shalt  }
0x86: {  	_ =	shalt  }
0x87: {  	_ =	shalt  }
.Lfunc_end0:
.L_simem_size_0:
called_computation.2_lowered:
.L_overlay_start_0:
0x88: {  	s2 =	sld [smem:$0x3FD9]  }
0x89: {  	s3 =	sld [smem:$0x3FFE];
	_ =	sdelay $0x1  }
0x8a: {  	s1 =	srdreg.scid  }
0x8b: {  	s0 =	sand.u32 $0x1, s1  }
0x8c: {  	s16 =	sshll.u32 s0, $0xA;
	s2 =	sadd.s32 s3, s2  }
0x8d: {  	s2 =	sadd.s32 s2, s16  }
0x8e: {  	[smem:$0x3FB4] =	sst s2  }
0x8f: {  	_ = 	snop  }
0x90: {  	(tm) =	ssettm $0x1  }
0x91: {  	s17 =	sld [smem:$0x3FFB];
	_ =	sdelay $0x3  }
0x92: {  	_ =	strace s17  }
0x93: {  	s2 =	sld [smem:$0x3FFC];
	_ =	sdelay $0x3  }
0x94: {  	_ =	strace s2  }
0x95: {  	s2 =	sld [smem:$0x3FFD];
	_ =	sdelay $0x3  }
0x96: {  	_ =	strace s2  }
0x97: {  	_ =	strace $0x8FFFFFFF  }
0x98: {  	s18 =	sld [smem:$0x3FDB];
	_ =	sdelay $0x1  }
0x99: {  	s19 =	simm.s32 $_scs_section_size  }
0x9a: {  	s4 =	simm.s32 $_size__tile_overlayer_lowered;
	s5 =	simm.s32 $_tile_overlayer_lowered  }
0x9b: {  	s22 =	simm.s32 $0x1BFF;
	s21 =	sshll.u32 s5, $0x1;
	s2 =	sadd.s32 s19, s18  }
0x9c: {  	s6 =	simm.s32 $0x0;
	s20 =	sshll.u32 s4, $0x1;
	s4 =	sadd.s32 s21, s2  }
0x9d: {  	[timem:s6], [sflag:s22] =	dma.local [hbm:s4], s20  }
0x9e: {  	_ =	swait.ge [sflag:s22], s20  }
0x9f: {  	s3 =	ssub.s32 $0x0, s20;
	[sflag:s22] =	ssyncset.done $0x0  }
0xa0: {  	[sflag:s22] =	ssyncadd.s32 s3;
	_ =	sdelay $0x1  }
0xa1: {  	s23 =	simm.s32 $0x1B8B  }
0xa2: {  	_ =	swait.ge [sflag:s23], $0x1  }
0xa3: {  	[sflag:s23] =	ssyncset.done $0x0  }
0xa4: {  	s25 =	simm.s32 $0x1B8E;
	s24 =	sld [smem:$0x3FFE];
	[sflag:s23] =	ssyncadd.s32 $0xFFFFFFFF  }
0xa5: {  	s26 =	simm.s32 $execute0_lowered;
	[smem:$0x3FD2] =	sst s25  }
0xa6: {  	s4 =	sshll.u32 s26, $0x1;
	_ =	strace $0x8000004C;
	[dreg:$0x1] =	wrdreg $0xFFFFFFFF  }
0xa7: {  	s28 =	simm.s32 $_size_execute0_lowered;
	s2 =	sadd.s32 s2, s4;
	[dreg:$0x0] =	wrdreg $0x0  }
0xa8: {  	s4 =	sshll.u32 s28, $0x1;
	[dreg:$0x2] =	wrdreg s2  }
0xa9: {  	[dreg:$0x3] =	wrdreg s4  }
0xaa: {  	[dreg:$0x4] =	wrdreg $0xC0  }
0xab: {  	_ =	task [dreg:s6], $0x5FFFF  }
0xac: {  	[dreg:$0x1] =	wrdreg $0xFFFFFFFF  }
0xad: {  	[dreg:$0x0] =	wrdreg $0x60  }
0xae: {  	[dreg:$0x2] =	wrdreg s24  }
0xaf: {  	[dreg:$0x3] =	wrdreg $0x80000  }
0xb0: {  	[dreg:$0x4] =	wrdreg $0x9  }
0xb1: {  	_ =	task.clear_ibuf [dreg:s6], $0x5FFFF;
	_ =	strace $0x9000004C  }
0xb2: {  	s29 =	simm.s32 $0x9;
	_ =	strace $0x8000004E  }
0xb3: {  	_ =	swait.ge [sflag:s29], $0x1  }
0xb4: {  	[sflag:s29] =	ssyncadd.s32 $0xFFFFFFFF  }
0xb5: {  	_ =	strace $0x9000004E  }
0xb6: {  	_ =	sfence  }
0xb7: {  	s30 =	sld [smem:$0x0];
	_ =	sdelay $0x2  }
0xb8: {  	s31 =	sshll.u32 s1, $0xD;
	s1 =	sshrl.u32 s1, $0x2  }
0xb9: {  	s3 =	sand.u32 $0x4000, s31;
	s1 =	sadd.s32 s1, s30  }
0xba: {  	s0 =	sor.u32 s3, s0;
	s1 =	sshll.u32 s1, $0x11  }
0xbb: {  	s0 =	sor.u32 s1, s0  }
0xbc: {  	s0 =	sadd.s32 $0x8F2B, s0  }
0xbd: {  	[sflag:s0] =	ssyncadd.remote.s32 $0x1  }
0xbe: {  	_ =	sfence.sel $0xFFFF  }
0xbf: {  	[dreg:$0x0] =	wrdreg $0xFFFFFFFF;
	(pc) =	sbr.abs _section_cstart, $3  }
0xc0: {  	[dreg:$0x1] =	wrdreg $0xFFFFFFFF  }
0xc1: {  	_ =	task.clear_ibuf [dreg:s6], $0x2FFFF;
	_ =	strace $0x9FFFFFFF  }
0xc2: {  	(tm) =	ssettm $0x7FFFFFFF  }
0xc3: {  	_ =	shalt  }
tec
execute0_lowered:
.L_overlay_start_1:
0x0: {  	(tag) =	ssettag $0x1  }
0x1: {  	s5 =	rddreg [dreg:$0x0]  }
0x2: {  	s2 =	rddreg [dreg:$0x1]  }
0x3: {  	s0 =	rddreg [dreg:$0x2];
	s3 =	simm.s32 $0x0;
	s4 =	srdreg.scid  }
0x4: {  	s1 =	stileid.u32;
	s15 =	simm.s32 $0x4000;
	s16 =	simm.s32 $0x80  }
0x5: {  	s17 =	simm.s32 $0x6000;
	s18 =	simm.s32 $0x1;
	s19 =	simm.s32 $0x2  }
0x6: {  	s20 =	simm.s32 $0x0;
	[smem:$0x7FF] =	sst s3;
	s6 =	sand.u32 $0x1, s4  }
0x7: {  	s7 =	smul.u32 $0xA000, s1;
	s8 =	sshll.u32 s1, $0xA;
	s31 =	sshll.u32 s1, $0x6  }
0x8: {  	s4 =	sshll.u32 s6, $0xE;
	s9 =	smul.u32 $0xA0000, s6;
	_ =	strace $0x8000004D  }
0x9: {  	s11 =	ssub.s32 $0x2, s6;
	p0 =	seq.s32 s6, $0x0;
	s8 =	sor.u32 s8, s4  }
0xa: {  	s4 =	sadd.s32 $0x3BE00, s5;
	s29 =	sshrl.u32 s7, $0x3;
	s30 =	sshrl.u32 s11, $0x1  }
0xb: {  	s14 =	sadd.s32 s7, s2;
	s10 =	sadd.s32 s8, s5;
	s28 =	sadd.s32 s7, s9  }
0xc: {  	s9 =	sadd.s32 s29, s5;
	s13 =	ssub.s32 s11, s30;
	s7 =	sor.u32 $0x1C03, s31  }
0xd: {  	s8 =	sshrl.u32 s28, $0x3;
	s6 =	sadd.s32 $0x76A00, s9;
	s9 =	sadd.s32 $0x3E00, s10  }
0xe: {  	s12 =	sadd.s32 s8, s5;
	s5 =	simm.s32 $0x40;
	s8 =	sadd.s32 $0xBE00, s10  }
0xf: {  	s5 =	simm.s32 @!p0 $0x10;
	s11 =	sadd.s32 $0x8AA00, s12;
	s12 =	smax.u32 s13, $0x1  }
0x10: {  	s13 =	sshrl.u32 s14, $0x3;
	s14 =	simm.s32 $0x3;
	s10 =	sshrl.u32 s5, $0x1  }
.LBB2_1:
0x11: {  	[spmem:s13], [sflag:s7] =	dma.local [hbm:s6], $0x1400  }
0x12: {  	_ =	swait.ge [sflag:s14], $0x1400  }
0x13: {  	[sflag:s14] =	ssyncset.done $0x0  }
0x14: {  	[sflag:s14] =	ssyncadd.s32 $0xFFFFEC00  }
0x15: {  	[tilespmem:s3], [sflag:$0x3] =	stream.linear.gather [hbm4b:s8+s3], $0x2000, $0x38;
	[tilespmem:$0x12000] =	vst v63  }
0x16: {  	_ =	swait.ge [sflag:s14], $0x2000  }
0x17: {  	[sflag:s14] =	ssyncset.done $0x0  }
0x18: {  	s21 =	simm.s32 $0x2000;
	[sflag:s14] =	ssyncadd.s32 $0xFFFFE000  }
0x19: {  	[tilespmem:s21], [sflag:$0x3] =	stream.linear.gather [hbm4b:s9+s3], $0x2000, $0x38;
	[tilespmem:$0x12000] =	vst v63  }
0x1a: {  	_ =	swait.ge [sflag:s14], $0x2000  }
0x1b: {  	[sflag:s14] =	ssyncset.done $0x0  }
0x1c: {  	[sflag:s14] =	ssyncadd.s32 $0xFFFFE000  }
0x1d: {  	[bflag:$0x0] =	sbarrier.arrive $0xFFFF  }
0x1e: {  	[tilespmem:s15], [sflag:$0x1] =	stream.indirect.gather [hbm4b:s4+s16], $0x40, s3, s16, $0xb8;
	[tilespmem:$0x12000] =	vst v63  }
0x1f: {  	_ = 	snop  }
0x20: {  	[tilespmem:s17], [sflag:$0x2] =	stream.indirect.gather [hbm4b:s4+s16], $0x40, s16, s16, $0xb8;
	[tilespmem:$0x12000] =	vst v63  }
0x21: {  	_ =	swait.ge [sflag:s18], $0x2000  }
0x22: {  	[sflag:s18] =	ssyncset.done $0x0  }
0x23: {  	[sflag:s18] =	ssyncadd.s32 $0xFFFFE000  }
0x24: {  	[spmem:s2] =	stream.indirect.scatter.add.f32 [tilespmem:s15], [sflag:$0x3], $0x40, s21, s16, $0xb8;
	[tilespmem:$0x12000] =	vst v63  }
0x25: {  	p0 =	sle.u32 s5, $0x2;
	_ =	swait.ge [sflag:s14], $0x2000  }
0x26: {  	s22 =	simm.s32 @!p0 $0x100;
	[sflag:s14] =	ssyncset.done $0x0  }
0x27: {  	s23 =	simm.s32 @!p0 $0x80;
	s24 =	simm.s32 @!p0 $0x4000;
	[sflag:s14] =	ssyncadd.s32 $0xFFFFE000  }
0x28: {  	[tilespmem:s24], [sflag:$0x1] =	stream.indirect.gather @!p0 [hbm4b:s4+s23], $0x40, s22, s23, $0xb8;
	[tilespmem:$0x12000] =	vst v63  }
0x29: {  	s22 =	sadd.s32 $0xFFFFFFFF, s10  }
0x2a: {  	p0 =	sne.s32 s22, $0x0  }
.Ltmp0:
0x2b: {  	_ =	swait.ge [sflag:s19], $0x2000;
	(pc) =	sbr.rel @!p0 .LBB2_3-.Ltmp0, $4  }
0x2c: {  	[sflag:s19] =	ssyncset.done $0x0  }
0x2d: {  	s31 =	simm.s32 $0x2080;
	[sflag:s19] =	ssyncadd.s32 $0xFFFFE000  }
0x2e: {  	[spmem:s2] =	stream.indirect.scatter.add.f32 [tilespmem:s17], [sflag:$0x3], $0x40, s31, s16, $0xb8;
	[tilespmem:$0x12000] =	vst v63  }
0x2f: {  	s23 =	simm.s32 $0x180;
	s24 =	simm.s32 $0x4;
	_ =	swait.ge [sflag:s14], $0x2000  }
.LBB2_2:
0x30: {  	s22 =	sadd.s32 $0xFFFFFFFF, s22;
	[sflag:s14] =	ssyncset.done $0x0;
	s21 =	sadd.s32 $0x100, s21  }
0x31: {  	p0 =	sne.s32 s22, $0x0;
	[sflag:s14] =	ssyncadd.s32 $0xFFFFE000  }
0x32: {  	[tilespmem:s17], [sflag:$0x2] =	stream.indirect.gather [hbm4b:s4+s16], $0x40, s23, s16, $0xb8;
	[tilespmem:$0x12000] =	vst v63  }
0x33: {  	_ =	swait.ge [sflag:s18], $0x2000  }
0x34: {  	[sflag:s18] =	ssyncset.done $0x0  }
0x35: {  	[sflag:s18] =	ssyncadd.s32 $0xFFFFE000  }
0x36: {  	[spmem:s2] =	stream.indirect.scatter.add.f32 [tilespmem:s15], [sflag:$0x3], $0x40, s21, s16, $0xb8;
	[tilespmem:$0x12000] =	vst v63  }
0x37: {  	p1 =	sge.u32 s24, s5;
	_ =	swait.ge [sflag:s14], $0x2000  }
0x38: {  	s25 =	sadd.s32 @!p1 $0x80, s23;
	s26 =	simm.s32 @!p1 $0x80;
	[sflag:s14] =	ssyncset.done $0x0  }
0x39: {  	s28 =	simm.s32 @!p1 $0x4000;
	[sflag:s14] =	ssyncadd.s32 $0xFFFFE000  }
0x3a: {  	[tilespmem:s28], [sflag:$0x1] =	stream.indirect.gather @!p1 [hbm4b:s4+s26], $0x40, s25, s26, $0xb8;
	[tilespmem:$0x12000] =	vst v63  }
.Ltmp1:
0x3b: {  	_ =	swait.ge [sflag:s19], $0x2000;
	(pc) =	sbr.rel @p0 .LBB2_2-.Ltmp1, $4  }
0x3c: {  	s25 =	sadd.s32 $0x80, s21;
	[sflag:s19] =	ssyncset.done $0x0  }
0x3d: {  	[sflag:s19] =	ssyncadd.s32 $0xFFFFE000  }
0x3e: {  	[spmem:s2] =	stream.indirect.scatter.add.f32 [tilespmem:s17], [sflag:$0x3], $0x40, s25, s16, $0xb8;
	[tilespmem:$0x12000] =	vst v63  }
0x3f: {  	s24 =	sadd.s32 $0x2, s24;
	s23 =	sadd.s32 $0x100, s23;
	_ =	swait.ge [sflag:s14], $0x2000  }
.LBB2_3:
0x40: {  	[sflag:s14] =	ssyncset.done $0x0;
	s20 =	sadd.s32 $0x1, s20  }
0x41: {  	[sflag:s14] =	ssyncadd.s32 $0xFFFFE000;
	p0 =	sne.s32 s20, s12  }
.Ltmp2:
0x42: {  	[bflag:$0x0] =	sbarrier.arrive $0xFFFF;
	(pc) =	sbr.rel @p0 .LBB2_1-.Ltmp2, $4  }
0x43: {  	[hbm:s11], [sflag:s7] =	dma.local [spmem:s13], $0x1400  }
0x44: {  	_ =	swait.ge [sflag:s14], $0x1400  }
0x45: {  	[sflag:s14] =	ssyncset.done $0x0  }
0x46: {  	[sflag:s14] =	ssyncadd.s32 $0xFFFFEC00  }
0x47: {  	_ =	sfence.sel $0x180000  }
0x48: {  	[bflag:$0x0] =	sbarrier.arrive $0xFFFF  }
0x49: {  	p0 =	sne.s32 s1, $0x0;
	_ =	strace $0x9000004D  }
0x4a: {  	s0 =	sadd.s32 @!p0 $0x100000, s0;
	[bflag:$0x2] =	sbarrier.arrive $0xFFFF  }
0x4b: {  	[sflag:s0] =	ssyncadd.tile.s32 @!p0 $0x1;
	_ =	shalt  }
.Lfunc_end2:
_tile_overlayer_lowered:
.L_overlay_start_2:
0x4c: {  	(tag) =	ssettag $0x2  }
0x4d: {  	s0 =	rddreg [dreg:$0x0];
	s2 =	stileid.u32  }
0x4e: {  	s1 =	rddreg [dreg:$0x1];
	p0 =	sne.s32 s2, $0x0  }
0x4f: {  	s3 =	rddreg [dreg:$0x2];
	[bflag:$0x3] =	sbarrier.arrive $0xFFFF;
	s2 =	simm.s32 @!p0 $0x1C03  }
0x50: {  	[timem:s3], [sflag:s2] =	dma.local @!p0 [hbm:s0], s1  }
0x51: {  	s0 =	simm.s32 @!p0 $0x3  }
0x52: {  	_ =	swait.ge @!p0 [sflag:s0], s1  }
0x53: {  	s1 =	ssub.s32 @!p0 $0x0, s1;
	[sflag:s0] =	ssyncset.done @!p0 $0x0  }
0x54: {  	[sflag:s0] =	ssyncadd.s32 @!p0 s1  }
0x55: {  	[bflag:$0x3] =	sbarrier.arrive $0xFFFF  }
0x56: {  	_ =	shalt  }

// kernel: kernel.19.cloned.1.call-start
scs
__scs_entry_jumppad:
0x0: {  	(pc) =	sbr.rel $0x88, $3  }
0x1: {  	(tag) =	ssettag $0x0;
	lr =	simm.s32 $0x1  }
0x2: {  	[smem:$0x3F8D] =	sst lr;
	_ =	strace $0xD0000000  }
0x3: {  	_ = 	snop  }
0x4: {  	_ = 	snop  }
0x5: {  	_ = 	snop  }
0x6: {  	_ = 	snop  }
0x7: {  	_ = 	snop  }
__scs_overlays_trampoline_lowered:
0x8: {  	[smem:$0x3F9C] =	sst s0  }
0x9: {  	[smem:$0x3F9D] =	sst s1  }
0xa: {  	[smem:$0x3F9E] =	sst s2  }
0xb: {  	[smem:$0x3F9F] =	sst s3  }
0xc: {  	[smem:$0x3FA0] =	sst s4  }
0xd: {  	[smem:$0x3FA1] =	sst s5  }
0xe: {  	[smem:$0x3FA2] =	sst s6  }
0xf: {  	[smem:$0x3FA3] =	sst s7  }
0x10: {  	[smem:$0x3FA4] =	sst s8  }
0x11: {  	[smem:$0x3FA5] =	sst s9;
	s0 =	simm.s32 @!p0 $0x0  }
0x12: {  	s1 =	sld [smem:$0x3F8B];
	s0 =	simm.s32 @p0 $0x1  }
0x13: {  	[smem:$0x3FA6] =	sst s0;
	s0 =	simm.s32 @!p1 $0x0  }
0x14: {  	s2 =	sld [smem:$0x3F8A];
	s0 =	simm.s32 @p1 $0x1  }
0x15: {  	[smem:$0x3FA7] =	sst s0;
	s0 =	simm.s32 @!p2 $0x0  }
0x16: {  	s3 =	sld [smem:$0x3FDB];
	s0 =	simm.s32 @p2 $0x1  }
0x17: {  	s4 =	simm.s32 $0x1BF5;
	[smem:$0x3FA9] =	sst s0  }
0x18: {  	s0 =	sld [smem:$0x3F8C];
	_ =	swait.ge [sflag:s4], $0x0  }
0x19: {  	s7 =	sld [smem:$0x3F8D]  }
0x1a: {  	s8 =	sadd.s32 $0xFFFFE003, lr  }
0x1b: {  	s9 =	sadd.s32 $0xFFFFFEF7, lr;
	s5 =	simm.s32 $0xFFFFFFFF;
	p2 =	slt.u32 s8, $0xFFFFF086  }
0x1c: {  	p1 =	slt.u32 s9, $0xF7A;
	s5 =	simm.s32 @!p2 $0x0  }
0x1d: {  	s5 =	simm.s32 @p1 $0x1;
	p0 =	seq.s32 s7, s2  }
0x1e: {  	s7 =	smul.u32 @!p0 $0xF7A, s2;
	p2 =	seq.s32 @!p0 s5, $0x0  }
0x1f: {  	s9 =	smul.u32 $0xF7A, s1;
	s8 =	simm.s32 @!p0 $0x1BF5;
	p2 =	por !p2, p0  }
0x20: {  	[sflag:s8] =	ssyncset.s32 @!p0 $0xFFFFF086;
	s6 =	sadd.s32 @!p0 s3, s7;
	s7 =	simm.s32 @!p0 $0x108  }
0x21: {  	s3 =	sadd.s32 s3, s9;
	s6 =	sadd.s32 @!p0 $0x88, s6;
	s7 =	simm.s32 @p2 $0x1082  }
0x22: {  	[simem:s7], [sflag:s8] =	dma.local @!p0 [hbm:s6], $0xF7A  }
0x23: {  	s9 =	sor.u32 $0xD0000000, s2;
	s6 =	simm.s32 $0x108;
	_ =	swait.ge @!p0 [sflag:s8], $0x0  }
0x24: {  	s3 =	sadd.s32 $0x88, s3;
	s6 =	simm.s32 @!p1 $0x1082;
	[sflag:s4] =	ssyncset.s32 $0xFFFFF086  }
0x25: {  	[simem:s6], [sflag:s4] =	dma.local [hbm:s3], $0xF7A  }
0x26: {  	[smem:$0x3F8D] =	sst s1;
	(tag) =	ssettag s2;
	_ =	strace s9  }
0x27: {  	s1 =	sld [smem:$0x3F9D]  }
0x28: {  	s2 =	sld [smem:$0x3F9E]  }
0x29: {  	s4 =	sld [smem:$0x3FA0]  }
0x2a: {  	p0 =	seq.s32 s5, $0x0;
	s5 =	sld [smem:$0x3FA1]  }
0x2b: {  	s6 =	sld [smem:$0x3FA2]  }
0x2c: {  	s7 =	sld [smem:$0x3FA3]  }
0x2d: {  	s3 =	simm.s32 $0x108;
	s8 =	sld [smem:$0x3FA4]  }
0x2e: {  	s3 =	simm.s32 @!p0 $0x1082;
	s9 =	sld [smem:$0x3FA5]  }
0x2f: {  	lr =	sadd.s32 s0, s3;
	s0 =	sld [smem:$0x3F9C]  }
0x30: {  	s3 =	sld [smem:$0x3F9F]  }
0x31: {  	[smem:$0x3FA8] =	sst s10  }
0x32: {  	s10 =	sld [smem:$0x3FA6];
	_ =	sdelay $0x3  }
0x33: {  	p0 =	seq.s32 s10, $0x1;
	s10 =	sld [smem:$0x3FA8];
	_ =	sdelay $0x3  }
0x34: {  	[smem:$0x3FA8] =	sst s10  }
0x35: {  	s10 =	sld [smem:$0x3FA7];
	_ =	sdelay $0x3  }
0x36: {  	p1 =	seq.s32 s10, $0x1;
	s10 =	sld [smem:$0x3FA8];
	_ =	sdelay $0x3  }
0x37: {  	[smem:$0x3FA8] =	sst s10  }
0x38: {  	s10 =	sld [smem:$0x3FA9]  }
0x39: {  	_ = 	snop;
	(pc) =	sbr.ind lr, $3  }
0x3a: {  	_ = 	snop  }
0x3b: {  	_ = 	snop  }
0x3c: {  	p2 =	seq.s32 s10, $0x1;
	s10 =	sld [smem:$0x3FA8]  }
0x3d: {  	_ =	shalt  }
0x3e: {  	_ =	shalt  }
0x3f: {  	_ =	shalt  }
0x40: {  	_ =	shalt  }
0x41: {  	_ =	shalt  }
0x42: {  	_ =	shalt  }
0x43: {  	_ =	shalt  }
0x44: {  	_ =	shalt  }
0x45: {  	_ =	shalt  }
0x46: {  	_ =	shalt  }
0x47: {  	_ =	shalt  }
0x48: {  	_ =	shalt  }
0x49: {  	_ =	shalt  }
0x4a: {  	_ =	shalt  }
0x4b: {  	_ =	shalt  }
0x4c: {  	_ =	shalt  }
0x4d: {  	_ =	shalt  }
0x4e: {  	_ =	shalt  }
0x4f: {  	_ =	shalt  }
0x50: {  	_ =	shalt  }
0x51: {  	_ =	shalt  }
0x52: {  	_ =	shalt  }
0x53: {  	_ =	shalt  }
0x54: {  	_ =	shalt  }
0x55: {  	_ =	shalt  }
0x56: {  	_ =	shalt  }
0x57: {  	_ =	shalt  }
0x58: {  	_ =	shalt  }
0x59: {  	_ =	shalt  }
0x5a: {  	_ =	shalt  }
0x5b: {  	_ =	shalt  }
0x5c: {  	_ =	shalt  }
0x5d: {  	_ =	shalt  }
0x5e: {  	_ =	shalt  }
0x5f: {  	_ =	shalt  }
0x60: {  	_ =	shalt  }
0x61: {  	_ =	shalt  }
0x62: {  	_ =	shalt  }
0x63: {  	_ =	shalt  }
0x64: {  	_ =	shalt  }
0x65: {  	_ =	shalt  }
0x66: {  	_ =	shalt  }
0x67: {  	_ =	shalt  }
0x68: {  	_ =	shalt  }
0x69: {  	_ =	shalt  }
0x6a: {  	_ =	shalt  }
0x6b: {  	_ =	shalt  }
0x6c: {  	_ =	shalt  }
0x6d: {  	_ =	shalt  }
0x6e: {  	_ =	shalt  }
0x6f: {  	_ =	shalt  }
0x70: {  	_ =	shalt  }
0x71: {  	_ =	shalt  }
0x72: {  	_ =	shalt  }
0x73: {  	_ =	shalt  }
0x74: {  	_ =	shalt  }
0x75: {  	_ =	shalt  }
0x76: {  	_ =	shalt  }
0x77: {  	_ =	shalt  }
0x78: {  	_ =	shalt  }
0x79: {  	_ =	shalt  }
0x7a: {  	_ =	shalt  }
0x7b: {  	_ =	shalt  }
0x7c: {  	_ =	shalt  }
0x7d: {  	_ =	shalt  }
0x7e: {  	_ =	shalt  }
0x7f: {  	_ =	shalt  }
0x80: {  	_ =	shalt  }
0x81: {  	_ =	shalt  }
0x82: {  	_ =	shalt  }
0x83: {  	_ =	shalt  }
0x84: {  	_ =	shalt  }
0x85: {  	_ =	shalt  }
0x86: {  	_ =	shalt  }
0x87: {  	_ =	shalt  }
.Lfunc_end0:
.L_simem_size_0:
called_computation.3_lowered:
.L_overlay_start_0:
0x88: {  	s2 =	sld [smem:$0x3FD9]  }
0x89: {  	s3 =	sld [smem:$0x3FFE];
	_ =	sdelay $0x1  }
0x8a: {  	s1 =	srdreg.scid  }
0x8b: {  	s0 =	sand.u32 $0x1, s1  }
0x8c: {  	s14 =	sshll.u32 s0, $0xA;
	s2 =	sadd.s32 s3, s2  }
0x8d: {  	s2 =	sadd.s32 s2, s14  }
0x8e: {  	[smem:$0x3FB4] =	sst s2  }
0x8f: {  	_ = 	snop  }
0x90: {  	s2 =	sld [smem:$0x3FD0];
	_ =	sdelay $0x2  }
0x91: {  	s15 =	simm.s32 $0xA;
	s4 =	simm.s32 $0x10  }
0x92: {  	[smem:s4], [sflag:s15] =	dma.local [hbm:s2], $0x1  }
0x93: {  	_ =	swait.eq [sflag:s15], $0x1  }
0x94: {  	[sflag:s15] =	ssyncset.done $0x0  }
0x95: {  	[sflag:s15] =	ssyncadd.s32 $0xFFFFFFFF  }
0x96: {  	s16 =	sld [smem:$0x12];
	(tm) =	ssettm $0x1  }
0x97: {  	s17 =	sld [smem:$0x3FFB];
	_ =	sdelay $0x3  }
0x98: {  	_ =	strace s17  }
0x99: {  	s3 =	sld [smem:$0x3FFC];
	_ =	sdelay $0x3  }
0x9a: {  	_ =	strace s3  }
0x9b: {  	s3 =	sld [smem:$0x3FFD];
	_ =	sdelay $0x3  }
0x9c: {  	_ =	strace s3  }
0x9d: {  	_ =	strace $0x8FFFFFFF  }
0x9e: {  	s18 =	sld [smem:$0x3FDB];
	_ =	sdelay $0x1  }
0x9f: {  	s19 =	simm.s32 $_scs_section_size  }
0xa0: {  	s5 =	simm.s32 $_size__tile_overlayer_lowered;
	s6 =	simm.s32 $_tile_overlayer_lowered  }
0xa1: {  	s22 =	simm.s32 $0x1BFF;
	s21 =	sshll.u32 s6, $0x1;
	s3 =	sadd.s32 s19, s18  }
0xa2: {  	s7 =	simm.s32 $0x0;
	s20 =	sshll.u32 s5, $0x1;
	s5 =	sadd.s32 s21, s3  }
0xa3: {  	[timem:s7], [sflag:s22] =	dma.local [hbm:s5], s20  }
0xa4: {  	_ =	swait.ge [sflag:s22], s20  }
0xa5: {  	s4 =	ssub.s32 $0x0, s20;
	[sflag:s22] =	ssyncset.done $0x0  }
0xa6: {  	[sflag:s22] =	ssyncadd.s32 s4;
	_ =	sdelay $0x1  }
0xa7: {  	s23 =	simm.s32 $0x1B8B  }
0xa8: {  	_ =	swait.ge [sflag:s23], $0x1  }
0xa9: {  	[sflag:s23] =	ssyncset.done $0x0  }
0xaa: {  	s25 =	simm.s32 $0x1B8E;
	s24 =	sld [smem:$0x3FFE];
	[sflag:s23] =	ssyncadd.s32 $0xFFFFFFFF  }
0xab: {  	s26 =	simm.s32 $execute0_lowered;
	[smem:$0x3FD2] =	sst s25  }
0xac: {  	s5 =	sshll.u32 s26, $0x1;
	_ =	strace $0x8000004F;
	[dreg:$0x1] =	wrdreg $0xFFFFFFFF  }
0xad: {  	s28 =	simm.s32 $_size_execute0_lowered;
	s3 =	sadd.s32 s3, s5;
	[dreg:$0x0] =	wrdreg $0x0  }
0xae: {  	s5 =	sshll.u32 s28, $0x1;
	[dreg:$0x2] =	wrdreg s3  }
0xaf: {  	[dreg:$0x3] =	wrdreg s5  }
0xb0: {  	[dreg:$0x4] =	wrdreg $0xC0  }
0xb1: {  	_ =	task [dreg:s7], $0x5FFFF  }
0xb2: {  	[dreg:$0x1] =	wrdreg $0xFFFFFFFF  }
0xb3: {  	[dreg:$0x0] =	wrdreg $0x60  }
0xb4: {  	[dreg:$0x2] =	wrdreg s16  }
0xb5: {  	[dreg:$0x3] =	wrdreg s24  }
0xb6: {  	[dreg:$0x4] =	wrdreg $0x9  }
0xb7: {  	_ =	task.clear_ibuf [dreg:s7], $0x5FFFF;
	_ =	strace $0x9000004F  }
0xb8: {  	s29 =	simm.s32 $0x9;
	_ =	strace $0x80000051  }
0xb9: {  	_ =	swait.ge [sflag:s29], $0x1  }
0xba: {  	[sflag:s29] =	ssyncadd.s32 $0xFFFFFFFF  }
0xbb: {  	_ =	strace $0x90000051  }
0xbc: {  	_ =	sfence  }
0xbd: {  	s30 =	sld [smem:$0x0];
	_ =	sdelay $0x2  }
0xbe: {  	s31 =	sshll.u32 s1, $0xD;
	s1 =	sshrl.u32 s1, $0x2  }
0xbf: {  	s3 =	sand.u32 $0x4000, s31;
	s1 =	sadd.s32 s1, s30  }
0xc0: {  	s0 =	sor.u32 s3, s0;
	s1 =	sshll.u32 s1, $0x11  }
0xc1: {  	s0 =	sor.u32 s1, s0  }
0xc2: {  	s0 =	sadd.s32 $0x8F2B, s0  }
0xc3: {  	[sflag:s0] =	ssyncadd.remote.s32 $0x1  }
0xc4: {  	_ =	sfence.sel $0xFFFF  }
0xc5: {  	[dreg:$0x0] =	wrdreg $0xFFFFFFFF;
	(pc) =	sbr.abs _section_cstart, $3  }
0xc6: {  	[dreg:$0x1] =	wrdreg $0xFFFFFFFF  }
0xc7: {  	_ =	task.clear_ibuf [dreg:s7], $0x2FFFF;
	_ =	strace $0x9FFFFFFF  }
0xc8: {  	(tm) =	ssettm $0x7FFFFFFF  }
0xc9: {  	_ =	shalt  }
tec
execute0_lowered:
.L_overlay_start_1:
0x0: {  	(tag) =	ssettag $0x1  }
0x1: {  	s2 =	rddreg [dreg:$0x0]  }
0x2: {  	s0 =	rddreg [dreg:$0x1]  }
0x3: {  	s1 =	srdreg.scid;
	s10 =	stileid.u32  }
0x4: {  	s3 =	simm.s32 $0x0;
	s14 =	simm.s32 $0x5;
	s16 =	simm.s32 $0x4000  }
0x5: {  	s17 =	simm.s32 $0x8000;
	s18 =	simm.s32 $0x80;
	s19 =	simm.s32 $0xC000  }
0x6: {  	s20 =	simm.s32 $0x10000;
	s21 =	simm.s32 $0x1;
	s22 =	simm.s32 $0x2  }
0x7: {  	s23 =	simm.s32 $0x3;
	s1 =	sand.u32 $0x1, s1;
	s7 =	sshll.u32 s10, $0xD  }
0x8: {  	[smem:$0x7FF] =	sst s3;
	s5 =	sadd.s32 $0x2DF800, s0;
	s25 =	sshll.u32 s10, $0xB  }
0x9: {  	s4 =	sshll.u32 s1, $0x11;
	_ =	strace $0x80000050;
	s6 =	ssub.s32 $0x2, s1  }
0xa: {  	p0 =	seq.s32 s1, $0x0;
	s1 =	sor.u32 $0x20000, s25;
	s25 =	simm.s32 $0x0  }
0xb: {  	s4 =	sor.u32 s7, s4;
	s9 =	sshrl.u32 s6, $0x1;
	s1 =	smov.u32 @p0 s7  }
0xc: {  	s4 =	sshrl.u32 s4, $0x3;
	s24 =	ssub.s32 s6, s9;
	s6 =	simm.s32 $0x40  }
0xd: {  	s30 =	sshll.u32 s1, $0x4;
	s1 =	sshll.u32 s1, $0x7;
	s8 =	sadd.s32 s4, s0  }
0xe: {  	s4 =	sadd.s32 $0x5F800, s0;
	s6 =	simm.s32 @!p0 $0x10;
	s0 =	smax.u32 s24, $0x1  }
0xf: {  	s7 =	sadd.s32 s30, s5;
	s26 =	sadd.s32 $0x4F800, s8;
	[dreg:$0x6] =	wrdreg s0  }
0x10: {  	s24 =	simm.s32 $0x4;
	s28 =	sadd.s32 $0x57800, s8;
	[dreg:$0x3] =	wrdreg s26  }
0x11: {  	s29 =	sshrl.u32 s6, $0x1;
	s31 =	sadd.s32 s30, s4;
	[dreg:$0x4] =	wrdreg s28  }
0x12: {  	s13 =	sadd.s32 $0x800, s7;
	[dreg:$0x5] =	wrdreg s29;
	s12 =	sadd.s32 $0x800, s31  }
.LBB2_1:
0x13: {  	s0 =	rddreg [dreg:$0x3]  }
0x14: {  	[tilespmem:s3], [sflag:$0x5] =	stream.linear.gather [hbm4b:s0+s3], $0x2000, $0x38;
	[tilespmem:$0x14000] =	vst v63  }
0x15: {  	_ =	swait.ge [sflag:s14], $0x2000  }
0x16: {  	[sflag:s14] =	ssyncset.done $0x0  }
0x17: {  	s7 =	simm.s32 $0x2000;
	s9 =	rddreg [dreg:$0x4];
	[sflag:s14] =	ssyncadd.s32 $0xFFFFE000  }
0x18: {  	[tilespmem:s7], [sflag:$0x5] =	stream.linear.gather [hbm4b:s9+s3], $0x2000, $0x38;
	[tilespmem:$0x14000] =	vst v63  }
0x19: {  	_ =	swait.ge [sflag:s14], $0x2000  }
0x1a: {  	[sflag:s14] =	ssyncset.done $0x0  }
0x1b: {  	[sflag:s14] =	ssyncadd.s32 $0xFFFFE000  }
0x1c: {  	[tilespmem:s16], [sflag:$0x1] =	stream.indirect.gather [hbm4b:s2+s18], $0x80, s3, s18, $0xb8;
	[tilespmem:$0x14000] =	vst v63  }
0x1d: {  	_ = 	snop  }
0x1e: {  	[tilespmem:s17], [sflag:$0x2] =	stream.indirect.gather [hbm4b:s2+s18], $0x80, s7, s18, $0xb8;
	[tilespmem:$0x14000] =	vst v63  }
0x1f: {  	_ = 	snop  }
0x20: {  	[tilespmem:s19], [sflag:$0x3] =	stream.indirect.gather [hbm4b:s2+s18], $0x80, s18, s18, $0xb8;
	[tilespmem:$0x14000] =	vst v63  }
0x21: {  	s10 =	simm.s32 $0x2080  }
0x22: {  	[tilespmem:s20], [sflag:$0x4] =	stream.indirect.gather [hbm4b:s2+s18], $0x80, s10, s18, $0xb8;
	[tilespmem:$0x14000] =	vst v63  }
0x23: {  	_ =	swait.ge [sflag:s21], $0x4000  }
0x24: {  	s11 =	sshrl.u32 s1, $0x3;
	[sflag:s21] =	ssyncset.done $0x0  }
0x25: {  	s15 =	sadd.s32 s4, s11;
	[sflag:s21] =	ssyncadd.s32 $0xFFFFC000  }
0x26: {  	[hbm4b:s15+s3] =	stream.linear.scatter [tilespmem:s16], [sflag:$0x5], $0x4000, $0x38;
	[tilespmem:$0x14000] =	vst v63  }
0x27: {  	_ =	swait.ge [sflag:s14], $0x4000  }
0x28: {  	[sflag:s14] =	ssyncset.done $0x0  }
0x29: {  	[sflag:s14] =	ssyncadd.s32 $0xFFFFC000  }
0x2a: {  	_ =	swait.ge [sflag:s22], $0x4000  }
0x2b: {  	[sflag:s22] =	ssyncset.done $0x0  }
0x2c: {  	s0 =	sadd.s32 s5, s11;
	[sflag:s22] =	ssyncadd.s32 $0xFFFFC000  }
0x2d: {  	[hbm4b:s0+s3] =	stream.linear.scatter [tilespmem:s17], [sflag:$0x5], $0x4000, $0x38;
	[tilespmem:$0x14000] =	vst v63  }
0x2e: {  	p0 =	sle.u32 s6, $0x2;
	_ =	swait.ge [sflag:s14], $0x4000  }
0x2f: {  	s7 =	simm.s32 @!p0 $0x80;
	[sflag:s14] =	ssyncset.done $0x0  }
0x30: {  	s10 =	simm.s32 @!p0 $0x4000;
	s0 =	simm.s32 @!p0 $0x100;
	[sflag:s14] =	ssyncadd.s32 $0xFFFFC000  }
0x31: {  	[tilespmem:s10], [sflag:$0x1] =	stream.indirect.gather @!p0 [hbm4b:s2+s7], $0x80, s0, s7, $0xb8;
	[tilespmem:$0x14000] =	vst v63  }
0x32: {  	s0 =	simm.s32 @!p0 $0x2100;
	s10 =	simm.s32 @!p0 $0x8000  }
0x33: {  	[tilespmem:s10], [sflag:$0x2] =	stream.indirect.gather @!p0 [hbm4b:s2+s7], $0x80, s0, s7, $0xb8;
	[tilespmem:$0x14000] =	vst v63  }
0x34: {  	_ =	swait.ge [sflag:s23], $0x4000  }
0x35: {  	[sflag:s23] =	ssyncset.done $0x0  }
0x36: {  	[sflag:s23] =	ssyncadd.s32 $0xFFFFC000  }
0x37: {  	[hbm4b:s12+s3] =	stream.linear.scatter [tilespmem:s19], [sflag:$0x5], $0x4000, $0x38;
	[tilespmem:$0x14000] =	vst v63  }
0x38: {  	_ =	swait.ge [sflag:s14], $0x4000  }
0x39: {  	[sflag:s14] =	ssyncset.done $0x0  }
0x3a: {  	[sflag:s14] =	ssyncadd.s32 $0xFFFFC000  }
0x3b: {  	_ =	swait.ge [sflag:s24], $0x4000  }
0x3c: {  	s26 =	rddreg [dreg:$0x5]  }
0x3d: {  	s26 =	sadd.s32 $0xFFFFFFFF, s26  }
0x3e: {  	p0 =	sne.s32 s26, $0x0  }
.Ltmp0:
0x3f: {  	_ = 	snop;
	(pc) =	sbr.rel @!p0 .LBB2_3-.Ltmp0, $4  }
0x40: {  	s28 =	simm.s32 $0x4;
	s29 =	sadd.s32 $0x1000, s12;
	[sflag:s24] =	ssyncset.done $0x0  }
0x41: {  	s30 =	sadd.s32 $0x1000, s13;
	s31 =	simm.s32 $0x2180;
	[sflag:s24] =	ssyncadd.s32 $0xFFFFC000  }
0x42: {  	[hbm4b:s13+s3] =	stream.linear.scatter [tilespmem:s20], [sflag:$0x5], $0x4000, $0x38;
	[tilespmem:$0x14000] =	vst v63  }
0x43: {  	s0 =	simm.s32 $0x180;
	s10 =	smov.u32 s1;
	_ =	swait.ge [sflag:s14], $0x4000  }
.LBB2_2:
0x44: {  	s26 =	sadd.s32 $0xFFFFFFFF, s26;
	[sflag:s14] =	ssyncset.done $0x0;
	s10 =	sadd.s32 $0x8000, s10  }
0x45: {  	s7 =	smov.u32 s30;
	p0 =	sne.s32 s26, $0x0;
	[sflag:s14] =	ssyncadd.s32 $0xFFFFC000  }
0x46: {  	[tilespmem:s19], [sflag:$0x3] =	stream.indirect.gather [hbm4b:s2+s18], $0x80, s0, s18, $0xb8;
	[tilespmem:$0x14000] =	vst v63  }
0x47: {  	_ = 	snop  }
0x48: {  	[tilespmem:s20], [sflag:$0x4] =	stream.indirect.gather [hbm4b:s2+s18], $0x80, s31, s18, $0xb8;
	[tilespmem:$0x14000] =	vst v63  }
0x49: {  	s8 =	sshrl.u32 s10, $0x3;
	_ =	swait.ge [sflag:s21], $0x4000  }
0x4a: {  	s9 =	sadd.s32 s4, s8;
	[sflag:s21] =	ssyncset.done $0x0  }
0x4b: {  	[sflag:s21] =	ssyncadd.s32 $0xFFFFC000  }
0x4c: {  	[hbm4b:s9+s3] =	stream.linear.scatter [tilespmem:s16], [sflag:$0x5], $0x4000, $0x38;
	[tilespmem:$0x14000] =	vst v63  }
0x4d: {  	_ =	swait.ge [sflag:s14], $0x4000  }
0x4e: {  	[sflag:s14] =	ssyncset.done $0x0  }
0x4f: {  	[sflag:s14] =	ssyncadd.s32 $0xFFFFC000  }
0x50: {  	_ =	swait.ge [sflag:s22], $0x4000  }
0x51: {  	s8 =	sadd.s32 s5, s8;
	[sflag:s22] =	ssyncset.done $0x0  }
0x52: {  	[sflag:s22] =	ssyncadd.s32 $0xFFFFC000  }
0x53: {  	[hbm4b:s8+s3] =	stream.linear.scatter [tilespmem:s17], [sflag:$0x5], $0x4000, $0x38;
	[tilespmem:$0x14000] =	vst v63  }
0x54: {  	p1 =	sge.u32 s28, s6;
	_ =	swait.ge [sflag:s14], $0x4000  }
0x55: {  	s9 =	simm.s32 @!p1 $0x80;
	s8 =	sadd.s32 @!p1 $0x80, s0;
	[sflag:s14] =	ssyncset.done $0x0  }
0x56: {  	s11 =	simm.s32 @!p1 $0x4000;
	s15 =	sadd.s32 @!p1 $0x80, s31;
	[sflag:s14] =	ssyncadd.s32 $0xFFFFC000  }
0x57: {  	[tilespmem:s11], [sflag:$0x1] =	stream.indirect.gather @!p1 [hbm4b:s2+s9], $0x80, s8, s9, $0xb8;
	[tilespmem:$0x14000] =	vst v63  }
0x58: {  	s8 =	simm.s32 @!p1 $0x8000  }
0x59: {  	[tilespmem:s8], [sflag:$0x2] =	stream.indirect.gather @!p1 [hbm4b:s2+s9], $0x80, s15, s9, $0xb8;
	[tilespmem:$0x14000] =	vst v63  }
0x5a: {  	_ =	swait.ge [sflag:s23], $0x4000  }
0x5b: {  	[sflag:s23] =	ssyncset.done $0x0  }
0x5c: {  	[sflag:s23] =	ssyncadd.s32 $0xFFFFC000  }
0x5d: {  	[hbm4b:s29+s3] =	stream.linear.scatter [tilespmem:s19], [sflag:$0x5], $0x4000, $0x38;
	[tilespmem:$0x14000] =	vst v63  }
0x5e: {  	_ =	swait.ge [sflag:s14], $0x4000  }
0x5f: {  	[sflag:s14] =	ssyncset.done $0x0  }
0x60: {  	[sflag:s14] =	ssyncadd.s32 $0xFFFFC000  }
.Ltmp1:
0x61: {  	_ =	swait.ge [sflag:s24], $0x4000;
	(pc) =	sbr.rel @p0 .LBB2_2-.Ltmp1, $4  }
0x62: {  	s28 =	sadd.s32 $0x2, s28;
	[sflag:s24] =	ssyncset.done $0x0  }
0x63: {  	s30 =	sadd.s32 $0x1000, s30;
	s29 =	sadd.s32 $0x1000, s29;
	[sflag:s24] =	ssyncadd.s32 $0xFFFFC000  }
0x64: {  	[hbm4b:s7+s3] =	stream.linear.scatter [tilespmem:s20], [sflag:$0x5], $0x4000, $0x38;
	[tilespmem:$0x14000] =	vst v63  }
0x65: {  	s31 =	sadd.s32 $0x100, s31;
	s0 =	sadd.s32 $0x100, s0;
	_ =	swait.ge [sflag:s14], $0x4000  }
.LBB2_3:
0x66: {  	s25 =	sadd.s32 $0x1, s25;
	s0 =	rddreg [dreg:$0x6]  }
0x67: {  	p0 =	sne.s32 s25, s0  }
.Ltmp2:
0x68: {  	_ = 	snop;
	(pc) =	sbr.rel @p0 .LBB2_1-.Ltmp2, $3  }
0x69: {  	_ =	sdelay $0x1  }
0x6a: {  	[sflag:s14] =	ssyncset.done $0x0  }
0x6b: {  	[sflag:s14] =	ssyncadd.s32 $0xFFFFC000  }
0x6c: {  	_ =	sfence.sel $0x180000  }
0x6d: {  	[bflag:$0x0] =	sbarrier.arrive $0xFFFF  }
0x6e: {  	_ =	strace $0x90000050  }
0x6f: {  	s0 =	stileid.u32;
	[bflag:$0x2] =	sbarrier.arrive $0xFFFF  }
0x70: {  	p0 =	sne.s32 s0, $0x0;
	s0 =	rddreg [dreg:$0x2]  }
0x71: {  	s0 =	sadd.s32 @!p0 $0x100000, s0  }
0x72: {  	[sflag:s0] =	ssyncadd.tile.s32 @!p0 $0x1;
	_ =	shalt  }
.Lfunc_end2:
_tile_overlayer_lowered:
.L_overlay_start_2:
0x73: {  	(tag) =	ssettag $0x2  }
0x74: {  	s0 =	rddreg [dreg:$0x0];
	s2 =	stileid.u32  }
0x75: {  	s1 =	rddreg [dreg:$0x1];
	p0 =	sne.s32 s2, $0x0  }
0x76: {  	s3 =	rddreg [dreg:$0x2];
	[bflag:$0x3] =	sbarrier.arrive $0xFFFF;
	s2 =	simm.s32 @!p0 $0x1C05  }
0x77: {  	[timem:s3], [sflag:s2] =	dma.local @!p0 [hbm:s0], s1  }
0x78: {  	s0 =	simm.s32 @!p0 $0x5  }
0x79: {  	_ =	swait.ge @!p0 [sflag:s0], s1  }
0x7a: {  	s1 =	ssub.s32 @!p0 $0x0, s1;
	[sflag:s0] =	ssyncset.done @!p0 $0x0  }
0x7b: {  	[sflag:s0] =	ssyncadd.s32 @!p0 s1  }
0x7c: {  	[bflag:$0x3] =	sbarrier.arrive $0xFFFF  }
0x7d: {  	_ =	shalt  }

</sc_bundles>
